<compile_context>
chip_gen: v7x
topology: tpu7x:2x2x1
jax: 0.10.2.dev20260603
libtpu: 0.0.44.dev20260713+nightly
codegen_flags: <defaults>
</compile_context>

<pallas_src>
import jax
import jax.numpy as jnp
from jax import lax
from jax.experimental import pallas as pl
from jax.experimental.pallas import tpu as pltpu
from jax.experimental.pallas import tpu_sc as plsc

DIM = 128
BATCH = 4096
LANES = 16
NUM_CORES = 2
NUM_SUBCORES = 16
NUM_WORKERS = NUM_CORES * NUM_SUBCORES
ROWS_PER_WORKER = BATCH // NUM_WORKERS
CHUNKS = DIM // LANES
NBLK = 2
BLK = ROWS_PER_WORKER // NBLK


def _sc_body(v_hbm, e_hbm, w_vv_h, w_ev_h, w_ve_h, w_ee_h, b_v_h, b_e_h,
             vo_hbm, eo_hbm, v_b, e_b, vo_b, eo_b, w_v, s_v,
             w_sem, in_sem0, in_sem1, out_sem0, out_sem1):
    wid = lax.axis_index("s") * NUM_CORES + lax.axis_index("c")
    base = wid * ROWS_PER_WORKER
    in_sems = [in_sem0, in_sem1]
    out_sems = [out_sem0, out_sem1]

    w_copies = [
        pltpu.async_copy(h, w_v.at[k], w_sem)
        for k, h in enumerate([w_vv_h, w_ev_h, w_ve_h, w_ee_h, b_v_h, b_e_h])
    ]

    def start_in(blk):
        slot = blk % 2
        rows = pl.ds(base + blk * BLK, BLK)
        return (pltpu.async_copy(v_hbm.at[rows], v_b.at[slot], in_sems[slot]),
                pltpu.async_copy(e_hbm.at[rows], e_b.at[slot], in_sems[slot]))

    in_flight = {b: start_in(b) for b in range(2)}

    for c in w_copies:
        c.wait()
    wch = [[w_v[k, pl.ds(c * LANES, LANES)] for c in range(CHUNKS)]
           for k in range(6)]

    out_flight = {}
    for blk in range(NBLK):
        slot = blk % 2
        for h in in_flight.pop(blk):
            h.wait()
        if blk >= 2:
            for h in out_flight.pop(blk - 2):
                h.wait()

        @plsc.parallel_loop(0, BLK)
        def _(r):
            a_vv = jnp.zeros((LANES,), jnp.float32)
            a_ev = jnp.zeros((LANES,), jnp.float32)
            a_ve = jnp.zeros((LANES,), jnp.float32)
            a_ee = jnp.zeros((LANES,), jnp.float32)
            for c in range(CHUNKS):
                sl = pl.ds(c * LANES, LANES)
                vch = v_b[slot, r, sl]
                ech = e_b[slot, r, sl]
                a_vv = a_vv + ech * wch[0][c]
                a_ev = a_ev + vch * wch[1][c]
                a_ve = a_ve + ech * wch[2][c]
                a_ee = a_ee + vch * wch[3][c]
            s_v[0, r] = jnp.sum(a_vv)
            s_v[1, r] = jnp.sum(a_ev)
            s_v[2, r] = jnp.sum(a_ve)
            s_v[3, r] = jnp.sum(a_ee)

        @plsc.parallel_loop(0, BLK)
        def _(r):
            s_vv = s_v[0, r]
            s_ev = s_v[1, r]
            s_ve = s_v[2, r]
            s_ee = s_v[3, r]
            for c in range(CHUNKS):
                sl = pl.ds(c * LANES, LANES)
                vch = v_b[slot, r, sl]
                ech = e_b[slot, r, sl]
                vo_b[slot, r, sl] = vch * s_vv + ech * s_ev + wch[4][c]
                eo_b[slot, r, sl] = vch * s_ve + ech * s_ee + wch[5][c]

        rows = pl.ds(base + blk * BLK, BLK)
        out_flight[blk] = (
            pltpu.async_copy(vo_b.at[slot], vo_hbm.at[rows], out_sems[slot]),
            pltpu.async_copy(eo_b.at[slot], eo_hbm.at[rows], out_sems[slot]))
        if blk + 2 < NBLK:
            in_flight[blk + 2] = start_in(blk + 2)

    for blk in (NBLK - 2, NBLK - 1):
        for h in out_flight.pop(blk):
            h.wait()


@jax.jit
def _sc_call(v, e, w_vv, w_ev, w_ve, w_ee, b_v, b_e):
    mesh = plsc.VectorSubcoreMesh(
        core_axis_name="c", subcore_axis_name="s",
        num_cores=NUM_CORES, num_subcores=NUM_SUBCORES)
    run = pl.kernel(
        _sc_body,
        out_type=(
            jax.ShapeDtypeStruct((BATCH, DIM), jnp.float32),
            jax.ShapeDtypeStruct((BATCH, DIM), jnp.float32),
        ),
        mesh=mesh,
        compiler_params=pltpu.CompilerParams(needs_layout_passes=False),
        scratch_types=[
            pltpu.VMEM((2, BLK, DIM), jnp.float32),
            pltpu.VMEM((2, BLK, DIM), jnp.float32),
            pltpu.VMEM((2, BLK, DIM), jnp.float32),
            pltpu.VMEM((2, BLK, DIM), jnp.float32),
            pltpu.VMEM((6, DIM), jnp.float32),
            pltpu.SMEM((4, BLK), jnp.float32),
            pltpu.SemaphoreType.DMA,
            pltpu.SemaphoreType.DMA,
            pltpu.SemaphoreType.DMA,
            pltpu.SemaphoreType.DMA,
            pltpu.SemaphoreType.DMA,
        ],
    )
    return run(v, e, w_vv, w_ev, w_ve, w_ee, b_v, b_e)


def kernel(v, e, w_vv, w_ev, w_ve, w_ee, b_v, b_e):
    return _sc_call(v, e, w_vv.reshape(DIM), w_ev.reshape(DIM),
                    w_ve.reshape(DIM), w_ee.reshape(DIM), b_v, b_e)

# --- scband reference (transcript-rebuilt; emitter-appended) ---
"""Pipeline reference for scband-dense-3607772529076 (READ-ONLY COPY).

The authoritative reference and input builder live on the scoring server;
editing this copy changes nothing except your own understanding.
"""

import jax, jax.numpy as jnp
import numpy as np

DIM = 128
BATCH = 4096

def setup_inputs(seed: int = 0) -> dict:
    key = jax.random.key(seed)
    ks = jax.random.split(key, 8)
    v = jax.random.normal(ks[0], (BATCH, DIM), dtype=jnp.float32)
    e = jax.random.normal(ks[1], (BATCH, DIM), dtype=jnp.float32)
    # learned parameters (cross-compress unit weights, glorot-ish scale)
    scale = 1.0 / np.sqrt(DIM)
    w_vv = jax.random.normal(ks[2], (DIM, 1), dtype=jnp.float32) * scale
    w_ev = jax.random.normal(ks[3], (DIM, 1), dtype=jnp.float32) * scale
    w_ve = jax.random.normal(ks[4], (DIM, 1), dtype=jnp.float32) * scale
    w_ee = jax.random.normal(ks[5], (DIM, 1), dtype=jnp.float32) * scale
    b_v = jnp.zeros((DIM,), dtype=jnp.float32)
    b_e = jnp.zeros((DIM,), dtype=jnp.float32)
    return {"v": v, "e": e, "w_vv": w_vv, "w_ev": w_ev, "w_ve": w_ve, "w_ee": w_ee, "b_v": b_v, "b_e": b_e}

def reference(v, e, w_vv, w_ev, w_ve, w_ee, b_v, b_e):
    # Cross&compress unit: outer-product interaction between item vectors v
    # and entity vectors e, then compress back to [B, dim] with per-direction
    # weight vectors (weight_vv/ev/ve/ee of shape [dim, 1]) and biases.
    dim = v.shape[1]
    v3 = v[:, :, None]                      # [B, dim, 1]
    e3 = e[:, None, :]                      # [B, 1, dim]
    c_matrix = v3 * e3                      # [B, dim, dim]
    c_matrix_t = jnp.transpose(c_matrix, (0, 2, 1))  # [B, dim, dim]
    c_flat = c_matrix.reshape(-1, dim)      # [B*dim, dim]
    ct_flat = c_matrix_t.reshape(-1, dim)   # [B*dim, dim]
    v_out = (c_flat @ w_vv + ct_flat @ w_ev).reshape(-1, dim) + b_v  # [B, dim]
    e_out = (c_flat @ w_ve + ct_flat @ w_ee).reshape(-1, dim) + b_e  # [B, dim]
    return (v_out, e_out)

if __name__ == "__main__":
    import jax
    _d = setup_inputs()
    print(jax.jit(kernel)(*tuple(_d.values())))

</pallas_src>

<mosaic_0001>
#map = affine_map<(d0, d1) -> (0, 0)>
#map1 = affine_map<(d0, d1) -> (0)>
module attributes {stable_mosaic.version = 14 : i64} {
  func.func @_sc_body(%arg0: i32, %arg1: i32, %arg2: memref<4096x128xf32, #tpu.memory_space<hbm>>, %arg3: memref<4096x128xf32, #tpu.memory_space<hbm>>, %arg4: memref<128xf32, #tpu.memory_space<hbm>>, %arg5: memref<128xf32, #tpu.memory_space<hbm>>, %arg6: memref<128xf32, #tpu.memory_space<hbm>>, %arg7: memref<128xf32, #tpu.memory_space<hbm>>, %arg8: memref<128xf32, #tpu.memory_space<hbm>>, %arg9: memref<128xf32, #tpu.memory_space<hbm>>, %arg10: memref<4096x128xf32, #tpu.memory_space<hbm>>, %arg11: memref<4096x128xf32, #tpu.memory_space<hbm>>, %arg12: memref<2x64x128xf32, #tpu.memory_space<vmem>>, %arg13: memref<2x64x128xf32, #tpu.memory_space<vmem>>, %arg14: memref<2x64x128xf32, #tpu.memory_space<vmem>>, %arg15: memref<2x64x128xf32, #tpu.memory_space<vmem>>, %arg16: memref<6x128xf32, #tpu.memory_space<vmem>>, %arg17: memref<4x64xf32, #tpu.memory_space<smem>>, %arg18: memref<!tpu.dma_semaphore, #tpu.memory_space<semaphore_mem>>, %arg19: memref<!tpu.dma_semaphore, #tpu.memory_space<semaphore_mem>>, %arg20: memref<!tpu.dma_semaphore, #tpu.memory_space<semaphore_mem>>, %arg21: memref<!tpu.dma_semaphore, #tpu.memory_space<semaphore_mem>>, %arg22: memref<!tpu.dma_semaphore, #tpu.memory_space<semaphore_mem>>) attributes {dimension_semantics = [#tpu.dimension_semantics<core_parallel>, #tpu.dimension_semantics<subcore_parallel>], iteration_bounds = array<i64: 2, 16>, scalar_prefetch = 0 : i64, scratch_operands = 11 : i64, tpu.core_type = #tpu.core_type<sc_vector_subcore>, window_params = [{transform_indices = #map}, {transform_indices = #map}, {transform_indices = #map1}, {transform_indices = #map1}, {transform_indices = #map1}, {transform_indices = #map1}, {transform_indices = #map1}, {transform_indices = #map1}, {transform_indices = #map}, {transform_indices = #map}]} {
    %mul3A = arith.constant 2 : i32
    %mul3A_0 = arith.muli %arg1, %mul3A : i32
    %add3A = arith.addi %mul3A_0, %arg0 : i32
    %mul3A_1 = arith.constant 128 : i32
    %mul3A_2 = arith.muli %add3A, %mul3A_1 : i32
    %dma_start3A = arith.constant 0 : i32
    %dma_start3A_3 = arith.constant 0 : i32
    %dma_start3A_4 = tpu.memref_slice %arg16[%dma_start3A, %dma_start3A_3] : memref<6x128xf32, #tpu.memory_space<vmem>> -> memref<1x128xf32, #tpu.memory_space<vmem>>
    %dma_start3A_5 = tpu.memref_squeeze %dma_start3A_4 : memref<1x128xf32, #tpu.memory_space<vmem>> -> memref<128xf32, #tpu.memory_space<vmem>>
    %dma_start3A_6 = arith.constant 0 : i32
    %dma_start3A_7 = tpu.memref_slice %arg16[%dma_start3A, %dma_start3A_6] : memref<6x128xf32, #tpu.memory_space<vmem>> -> memref<1x128xf32, #tpu.memory_space<vmem>>
    %dma_start3A_8 = tpu.memref_squeeze %dma_start3A_7 : memref<1x128xf32, #tpu.memory_space<vmem>> -> memref<128xf32, #tpu.memory_space<vmem>>
    tpu.enqueue_dma source(%arg4 : memref<128xf32, #tpu.memory_space<hbm>>) target(%dma_start3A_8 : memref<128xf32, #tpu.memory_space<vmem>>) target_semaphore(%arg18 : memref<!tpu.dma_semaphore, #tpu.memory_space<semaphore_mem>>)
    %dma_start3A_9 = arith.constant 1 : i32
    %dma_start3A_10 = arith.constant 0 : i32
    %dma_start3A_11 = tpu.memref_slice %arg16[%dma_start3A_9, %dma_start3A_10] : memref<6x128xf32, #tpu.memory_space<vmem>> -> memref<1x128xf32, #tpu.memory_space<vmem>>
    %dma_start3A_12 = tpu.memref_squeeze %dma_start3A_11 : memref<1x128xf32, #tpu.memory_space<vmem>> -> memref<128xf32, #tpu.memory_space<vmem>>
    %dma_start3A_13 = arith.constant 0 : i32
    %dma_start3A_14 = tpu.memref_slice %arg16[%dma_start3A_9, %dma_start3A_13] : memref<6x128xf32, #tpu.memory_space<vmem>> -> memref<1x128xf32, #tpu.memory_space<vmem>>
    %dma_start3A_15 = tpu.memref_squeeze %dma_start3A_14 : memref<1x128xf32, #tpu.memory_space<vmem>> -> memref<128xf32, #tpu.memory_space<vmem>>
    tpu.enqueue_dma source(%arg5 : memref<128xf32, #tpu.memory_space<hbm>>) target(%dma_start3A_15 : memref<128xf32, #tpu.memory_space<vmem>>) target_semaphore(%arg18 : memref<!tpu.dma_semaphore, #tpu.memory_space<semaphore_mem>>)
    %dma_start3A_16 = arith.constant 2 : i32
    %dma_start3A_17 = arith.constant 0 : i32
    %dma_start3A_18 = tpu.memref_slice %arg16[%dma_start3A_16, %dma_start3A_17] : memref<6x128xf32, #tpu.memory_space<vmem>> -> memref<1x128xf32, #tpu.memory_space<vmem>>
    %dma_start3A_19 = tpu.memref_squeeze %dma_start3A_18 : memref<1x128xf32, #tpu.memory_space<vmem>> -> memref<128xf32, #tpu.memory_space<vmem>>
    %dma_start3A_20 = arith.constant 0 : i32
    %dma_start3A_21 = tpu.memref_slice %arg16[%dma_start3A_16, %dma_start3A_20] : memref<6x128xf32, #tpu.memory_space<vmem>> -> memref<1x128xf32, #tpu.memory_space<vmem>>
    %dma_start3A_22 = tpu.memref_squeeze %dma_start3A_21 : memref<1x128xf32, #tpu.memory_space<vmem>> -> memref<128xf32, #tpu.memory_space<vmem>>
    tpu.enqueue_dma source(%arg6 : memref<128xf32, #tpu.memory_space<hbm>>) target(%dma_start3A_22 : memref<128xf32, #tpu.memory_space<vmem>>) target_semaphore(%arg18 : memref<!tpu.dma_semaphore, #tpu.memory_space<semaphore_mem>>)
    %dma_start3A_23 = arith.constant 3 : i32
    %dma_start3A_24 = arith.constant 0 : i32
    %dma_start3A_25 = tpu.memref_slice %arg16[%dma_start3A_23, %dma_start3A_24] : memref<6x128xf32, #tpu.memory_space<vmem>> -> memref<1x128xf32, #tpu.memory_space<vmem>>
    %dma_start3A_26 = tpu.memref_squeeze %dma_start3A_25 : memref<1x128xf32, #tpu.memory_space<vmem>> -> memref<128xf32, #tpu.memory_space<vmem>>
    %dma_start3A_27 = arith.constant 0 : i32
    %dma_start3A_28 = tpu.memref_slice %arg16[%dma_start3A_23, %dma_start3A_27] : memref<6x128xf32, #tpu.memory_space<vmem>> -> memref<1x128xf32, #tpu.memory_space<vmem>>
    %dma_start3A_29 = tpu.memref_squeeze %dma_start3A_28 : memref<1x128xf32, #tpu.memory_space<vmem>> -> memref<128xf32, #tpu.memory_space<vmem>>
    tpu.enqueue_dma source(%arg7 : memref<128xf32, #tpu.memory_space<hbm>>) target(%dma_start3A_29 : memref<128xf32, #tpu.memory_space<vmem>>) target_semaphore(%arg18 : memref<!tpu.dma_semaphore, #tpu.memory_space<semaphore_mem>>)
    %dma_start3A_30 = arith.constant 4 : i32
    %dma_start3A_31 = arith.constant 0 : i32
    %dma_start3A_32 = tpu.memref_slice %arg16[%dma_start3A_30, %dma_start3A_31] : memref<6x128xf32, #tpu.memory_space<vmem>> -> memref<1x128xf32, #tpu.memory_space<vmem>>
    %dma_start3A_33 = tpu.memref_squeeze %dma_start3A_32 : memref<1x128xf32, #tpu.memory_space<vmem>> -> memref<128xf32, #tpu.memory_space<vmem>>
    %dma_start3A_34 = arith.constant 0 : i32
    %dma_start3A_35 = tpu.memref_slice %arg16[%dma_start3A_30, %dma_start3A_34] : memref<6x128xf32, #tpu.memory_space<vmem>> -> memref<1x128xf32, #tpu.memory_space<vmem>>
    %dma_start3A_36 = tpu.memref_squeeze %dma_start3A_35 : memref<1x128xf32, #tpu.memory_space<vmem>> -> memref<128xf32, #tpu.memory_space<vmem>>
    tpu.enqueue_dma source(%arg8 : memref<128xf32, #tpu.memory_space<hbm>>) target(%dma_start3A_36 : memref<128xf32, #tpu.memory_space<vmem>>) target_semaphore(%arg18 : memref<!tpu.dma_semaphore, #tpu.memory_space<semaphore_mem>>)
    %dma_start3A_37 = arith.constant 5 : i32
    %dma_start3A_38 = arith.constant 0 : i32
    %dma_start3A_39 = tpu.memref_slice %arg16[%dma_start3A_37, %dma_start3A_38] : memref<6x128xf32, #tpu.memory_space<vmem>> -> memref<1x128xf32, #tpu.memory_space<vmem>>
    %dma_start3A_40 = tpu.memref_squeeze %dma_start3A_39 : memref<1x128xf32, #tpu.memory_space<vmem>> -> memref<128xf32, #tpu.memory_space<vmem>>
    %dma_start3A_41 = arith.constant 0 : i32
    %dma_start3A_42 = tpu.memref_slice %arg16[%dma_start3A_37, %dma_start3A_41] : memref<6x128xf32, #tpu.memory_space<vmem>> -> memref<1x128xf32, #tpu.memory_space<vmem>>
    %dma_start3A_43 = tpu.memref_squeeze %dma_start3A_42 : memref<1x128xf32, #tpu.memory_space<vmem>> -> memref<128xf32, #tpu.memory_space<vmem>>
    tpu.enqueue_dma source(%arg9 : memref<128xf32, #tpu.memory_space<hbm>>) target(%dma_start3A_43 : memref<128xf32, #tpu.memory_space<vmem>>) target_semaphore(%arg18 : memref<!tpu.dma_semaphore, #tpu.memory_space<semaphore_mem>>)
    %add3A_44 = arith.constant 0 : i32
    %add3A_45 = arith.addi %mul3A_2, %add3A_44 : i32
    %dma_start3A_46 = arith.constant 0 : i32
    %dma_start3A_47 = arith.constant 0 : i32
    %dma_start3A_48 = arith.constant 0 : i32
    %dma_start3A_49 = tpu.memref_slice %arg12[%dma_start3A_46, %dma_start3A_47, %dma_start3A_48] : memref<2x64x128xf32, #tpu.memory_space<vmem>> -> memref<1x64x128xf32, #tpu.memory_space<vmem>>
    %dma_start3A_50 = tpu.memref_squeeze %dma_start3A_49 : memref<1x64x128xf32, #tpu.memory_space<vmem>> -> memref<64x128xf32, #tpu.memory_space<vmem>>
    %dma_start3A_51 = arith.constant 0 : i32
    %dma_start3A_52 = tpu.memref_slice %arg2[%add3A_45, %dma_start3A_51] : memref<4096x128xf32, #tpu.memory_space<hbm>> -> memref<64x128xf32, #tpu.memory_space<hbm>>
    %dma_start3A_53 = arith.constant 0 : i32
    %dma_start3A_54 = arith.constant 0 : i32
    %dma_start3A_55 = tpu.memref_slice %arg12[%dma_start3A_46, %dma_start3A_53, %dma_start3A_54] : memref<2x64x128xf32, #tpu.memory_space<vmem>> -> memref<1x64x128xf32, #tpu.memory_space<vmem>>
    %dma_start3A_56 = tpu.memref_squeeze %dma_start3A_55 : memref<1x64x128xf32, #tpu.memory_space<vmem>> -> memref<64x128xf32, #tpu.memory_space<vmem>>
    %dma_start3A_57 = arith.constant 0 : i32
    %dma_start3A_58 = tpu.memref_slice %arg2[%add3A_45, %dma_start3A_57] : memref<4096x128xf32, #tpu.memory_space<hbm>> -> memref<64x128xf32, #tpu.memory_space<hbm>>
    tpu.enqueue_dma source(%dma_start3A_58 : memref<64x128xf32, #tpu.memory_space<hbm>>) target(%dma_start3A_56 : memref<64x128xf32, #tpu.memory_space<vmem>>) target_semaphore(%arg19 : memref<!tpu.dma_semaphore, #tpu.memory_space<semaphore_mem>>)
    %dma_start3A_59 = arith.constant 0 : i32
    %dma_start3A_60 = arith.constant 0 : i32
    %dma_start3A_61 = arith.constant 0 : i32
    %dma_start3A_62 = tpu.memref_slice %arg13[%dma_start3A_59, %dma_start3A_60, %dma_start3A_61] : memref<2x64x128xf32, #tpu.memory_space<vmem>> -> memref<1x64x128xf32, #tpu.memory_space<vmem>>
    %dma_start3A_63 = tpu.memref_squeeze %dma_start3A_62 : memref<1x64x128xf32, #tpu.memory_space<vmem>> -> memref<64x128xf32, #tpu.memory_space<vmem>>
    %dma_start3A_64 = arith.constant 0 : i32
    %dma_start3A_65 = tpu.memref_slice %arg3[%add3A_45, %dma_start3A_64] : memref<4096x128xf32, #tpu.memory_space<hbm>> -> memref<64x128xf32, #tpu.memory_space<hbm>>
    %dma_start3A_66 = arith.constant 0 : i32
    %dma_start3A_67 = arith.constant 0 : i32
    %dma_start3A_68 = tpu.memref_slice %arg13[%dma_start3A_59, %dma_start3A_66, %dma_start3A_67] : memref<2x64x128xf32, #tpu.memory_space<vmem>> -> memref<1x64x128xf32, #tpu.memory_space<vmem>>
    %dma_start3A_69 = tpu.memref_squeeze %dma_start3A_68 : memref<1x64x128xf32, #tpu.memory_space<vmem>> -> memref<64x128xf32, #tpu.memory_space<vmem>>
    %dma_start3A_70 = arith.constant 0 : i32
    %dma_start3A_71 = tpu.memref_slice %arg3[%add3A_45, %dma_start3A_70] : memref<4096x128xf32, #tpu.memory_space<hbm>> -> memref<64x128xf32, #tpu.memory_space<hbm>>
    tpu.enqueue_dma source(%dma_start3A_71 : memref<64x128xf32, #tpu.memory_space<hbm>>) target(%dma_start3A_69 : memref<64x128xf32, #tpu.memory_space<vmem>>) target_semaphore(%arg19 : memref<!tpu.dma_semaphore, #tpu.memory_space<semaphore_mem>>)
    %add3A_72 = arith.constant 64 : i32
    %add3A_73 = arith.addi %mul3A_2, %add3A_72 : i32
    %dma_start3A_74 = arith.constant 1 : i32
    %dma_start3A_75 = arith.constant 0 : i32
    %dma_start3A_76 = arith.constant 0 : i32
    %dma_start3A_77 = tpu.memref_slice %arg12[%dma_start3A_74, %dma_start3A_75, %dma_start3A_76] : memref<2x64x128xf32, #tpu.memory_space<vmem>> -> memref<1x64x128xf32, #tpu.memory_space<vmem>>
    %dma_start3A_78 = tpu.memref_squeeze %dma_start3A_77 : memref<1x64x128xf32, #tpu.memory_space<vmem>> -> memref<64x128xf32, #tpu.memory_space<vmem>>
    %dma_start3A_79 = arith.constant 0 : i32
    %dma_start3A_80 = tpu.memref_slice %arg2[%add3A_73, %dma_start3A_79] : memref<4096x128xf32, #tpu.memory_space<hbm>> -> memref<64x128xf32, #tpu.memory_space<hbm>>
    %dma_start3A_81 = arith.constant 0 : i32
    %dma_start3A_82 = arith.constant 0 : i32
    %dma_start3A_83 = tpu.memref_slice %arg12[%dma_start3A_74, %dma_start3A_81, %dma_start3A_82] : memref<2x64x128xf32, #tpu.memory_space<vmem>> -> memref<1x64x128xf32, #tpu.memory_space<vmem>>
    %dma_start3A_84 = tpu.memref_squeeze %dma_start3A_83 : memref<1x64x128xf32, #tpu.memory_space<vmem>> -> memref<64x128xf32, #tpu.memory_space<vmem>>
    %dma_start3A_85 = arith.constant 0 : i32
    %dma_start3A_86 = tpu.memref_slice %arg2[%add3A_73, %dma_start3A_85] : memref<4096x128xf32, #tpu.memory_space<hbm>> -> memref<64x128xf32, #tpu.memory_space<hbm>>
    tpu.enqueue_dma source(%dma_start3A_86 : memref<64x128xf32, #tpu.memory_space<hbm>>) target(%dma_start3A_84 : memref<64x128xf32, #tpu.memory_space<vmem>>) target_semaphore(%arg20 : memref<!tpu.dma_semaphore, #tpu.memory_space<semaphore_mem>>)
    %dma_start3A_87 = arith.constant 1 : i32
    %dma_start3A_88 = arith.constant 0 : i32
    %dma_start3A_89 = arith.constant 0 : i32
    %dma_start3A_90 = tpu.memref_slice %arg13[%dma_start3A_87, %dma_start3A_88, %dma_start3A_89] : memref<2x64x128xf32, #tpu.memory_space<vmem>> -> memref<1x64x128xf32, #tpu.memory_space<vmem>>
    %dma_start3A_91 = tpu.memref_squeeze %dma_start3A_90 : memref<1x64x128xf32, #tpu.memory_space<vmem>> -> memref<64x128xf32, #tpu.memory_space<vmem>>
    %dma_start3A_92 = arith.constant 0 : i32
    %dma_start3A_93 = tpu.memref_slice %arg3[%add3A_73, %dma_start3A_92] : memref<4096x128xf32, #tpu.memory_space<hbm>> -> memref<64x128xf32, #tpu.memory_space<hbm>>
    %dma_start3A_94 = arith.constant 0 : i32
    %dma_start3A_95 = arith.constant 0 : i32
    %dma_start3A_96 = tpu.memref_slice %arg13[%dma_start3A_87, %dma_start3A_94, %dma_start3A_95] : memref<2x64x128xf32, #tpu.memory_space<vmem>> -> memref<1x64x128xf32, #tpu.memory_space<vmem>>
    %dma_start3A_97 = tpu.memref_squeeze %dma_start3A_96 : memref<1x64x128xf32, #tpu.memory_space<vmem>> -> memref<64x128xf32, #tpu.memory_space<vmem>>
    %dma_start3A_98 = arith.constant 0 : i32
    %dma_start3A_99 = tpu.memref_slice %arg3[%add3A_73, %dma_start3A_98] : memref<4096x128xf32, #tpu.memory_space<hbm>> -> memref<64x128xf32, #tpu.memory_space<hbm>>
    tpu.enqueue_dma source(%dma_start3A_99 : memref<64x128xf32, #tpu.memory_space<hbm>>) target(%dma_start3A_97 : memref<64x128xf32, #tpu.memory_space<vmem>>) target_semaphore(%arg20 : memref<!tpu.dma_semaphore, #tpu.memory_space<semaphore_mem>>)
    %dma_wait3A = arith.constant 0 : i32
    %dma_wait3A_100 = arith.constant 0 : i32
    %dma_wait3A_101 = tpu.memref_slice %arg16[%dma_wait3A, %dma_wait3A_100] : memref<6x128xf32, #tpu.memory_space<vmem>> -> memref<1x128xf32, #tpu.memory_space<vmem>>
    %dma_wait3A_102 = tpu.memref_squeeze %dma_wait3A_101 : memref<1x128xf32, #tpu.memory_space<vmem>> -> memref<128xf32, #tpu.memory_space<vmem>>
    %dma_wait3A_103 = arith.constant 0 : i32
    %dma_wait3A_104 = tpu.memref_slice %arg16[%dma_wait3A, %dma_wait3A_103] : memref<6x128xf32, #tpu.memory_space<vmem>> -> memref<1x128xf32, #tpu.memory_space<vmem>>
    %dma_wait3A_105 = tpu.memref_squeeze %dma_wait3A_104 : memref<1x128xf32, #tpu.memory_space<vmem>> -> memref<128xf32, #tpu.memory_space<vmem>>
    tpu.wait_dma2 semaphore(%arg18 : memref<!tpu.dma_semaphore, #tpu.memory_space<semaphore_mem>>) src(%arg4 : memref<128xf32, #tpu.memory_space<hbm>>) dst(%dma_wait3A_105 : memref<128xf32, #tpu.memory_space<vmem>>)
    %dma_wait3A_106 = arith.constant 1 : i32
    %dma_wait3A_107 = arith.constant 0 : i32
    %dma_wait3A_108 = tpu.memref_slice %arg16[%dma_wait3A_106, %dma_wait3A_107] : memref<6x128xf32, #tpu.memory_space<vmem>> -> memref<1x128xf32, #tpu.memory_space<vmem>>
    %dma_wait3A_109 = tpu.memref_squeeze %dma_wait3A_108 : memref<1x128xf32, #tpu.memory_space<vmem>> -> memref<128xf32, #tpu.memory_space<vmem>>
    %dma_wait3A_110 = arith.constant 0 : i32
    %dma_wait3A_111 = tpu.memref_slice %arg16[%dma_wait3A_106, %dma_wait3A_110] : memref<6x128xf32, #tpu.memory_space<vmem>> -> memref<1x128xf32, #tpu.memory_space<vmem>>
    %dma_wait3A_112 = tpu.memref_squeeze %dma_wait3A_111 : memref<1x128xf32, #tpu.memory_space<vmem>> -> memref<128xf32, #tpu.memory_space<vmem>>
    tpu.wait_dma2 semaphore(%arg18 : memref<!tpu.dma_semaphore, #tpu.memory_space<semaphore_mem>>) src(%arg5 : memref<128xf32, #tpu.memory_space<hbm>>) dst(%dma_wait3A_112 : memref<128xf32, #tpu.memory_space<vmem>>)
    %dma_wait3A_113 = arith.constant 2 : i32
    %dma_wait3A_114 = arith.constant 0 : i32
    %dma_wait3A_115 = tpu.memref_slice %arg16[%dma_wait3A_113, %dma_wait3A_114] : memref<6x128xf32, #tpu.memory_space<vmem>> -> memref<1x128xf32, #tpu.memory_space<vmem>>
    %dma_wait3A_116 = tpu.memref_squeeze %dma_wait3A_115 : memref<1x128xf32, #tpu.memory_space<vmem>> -> memref<128xf32, #tpu.memory_space<vmem>>
    %dma_wait3A_117 = arith.constant 0 : i32
    %dma_wait3A_118 = tpu.memref_slice %arg16[%dma_wait3A_113, %dma_wait3A_117] : memref<6x128xf32, #tpu.memory_space<vmem>> -> memref<1x128xf32, #tpu.memory_space<vmem>>
    %dma_wait3A_119 = tpu.memref_squeeze %dma_wait3A_118 : memref<1x128xf32, #tpu.memory_space<vmem>> -> memref<128xf32, #tpu.memory_space<vmem>>
    tpu.wait_dma2 semaphore(%arg18 : memref<!tpu.dma_semaphore, #tpu.memory_space<semaphore_mem>>) src(%arg6 : memref<128xf32, #tpu.memory_space<hbm>>) dst(%dma_wait3A_119 : memref<128xf32, #tpu.memory_space<vmem>>)
    %dma_wait3A_120 = arith.constant 3 : i32
    %dma_wait3A_121 = arith.constant 0 : i32
    %dma_wait3A_122 = tpu.memref_slice %arg16[%dma_wait3A_120, %dma_wait3A_121] : memref<6x128xf32, #tpu.memory_space<vmem>> -> memref<1x128xf32, #tpu.memory_space<vmem>>
    %dma_wait3A_123 = tpu.memref_squeeze %dma_wait3A_122 : memref<1x128xf32, #tpu.memory_space<vmem>> -> memref<128xf32, #tpu.memory_space<vmem>>
    %dma_wait3A_124 = arith.constant 0 : i32
    %dma_wait3A_125 = tpu.memref_slice %arg16[%dma_wait3A_120, %dma_wait3A_124] : memref<6x128xf32, #tpu.memory_space<vmem>> -> memref<1x128xf32, #tpu.memory_space<vmem>>
    %dma_wait3A_126 = tpu.memref_squeeze %dma_wait3A_125 : memref<1x128xf32, #tpu.memory_space<vmem>> -> memref<128xf32, #tpu.memory_space<vmem>>
    tpu.wait_dma2 semaphore(%arg18 : memref<!tpu.dma_semaphore, #tpu.memory_space<semaphore_mem>>) src(%arg7 : memref<128xf32, #tpu.memory_space<hbm>>) dst(%dma_wait3A_126 : memref<128xf32, #tpu.memory_space<vmem>>)
    %dma_wait3A_127 = arith.constant 4 : i32
    %dma_wait3A_128 = arith.constant 0 : i32
    %dma_wait3A_129 = tpu.memref_slice %arg16[%dma_wait3A_127, %dma_wait3A_128] : memref<6x128xf32, #tpu.memory_space<vmem>> -> memref<1x128xf32, #tpu.memory_space<vmem>>
    %dma_wait3A_130 = tpu.memref_squeeze %dma_wait3A_129 : memref<1x128xf32, #tpu.memory_space<vmem>> -> memref<128xf32, #tpu.memory_space<vmem>>
    %dma_wait3A_131 = arith.constant 0 : i32
    %dma_wait3A_132 = tpu.memref_slice %arg16[%dma_wait3A_127, %dma_wait3A_131] : memref<6x128xf32, #tpu.memory_space<vmem>> -> memref<1x128xf32, #tpu.memory_space<vmem>>
    %dma_wait3A_133 = tpu.memref_squeeze %dma_wait3A_132 : memref<1x128xf32, #tpu.memory_space<vmem>> -> memref<128xf32, #tpu.memory_space<vmem>>
    tpu.wait_dma2 semaphore(%arg18 : memref<!tpu.dma_semaphore, #tpu.memory_space<semaphore_mem>>) src(%arg8 : memref<128xf32, #tpu.memory_space<hbm>>) dst(%dma_wait3A_133 : memref<128xf32, #tpu.memory_space<vmem>>)
    %dma_wait3A_134 = arith.constant 5 : i32
    %dma_wait3A_135 = arith.constant 0 : i32
    %dma_wait3A_136 = tpu.memref_slice %arg16[%dma_wait3A_134, %dma_wait3A_135] : memref<6x128xf32, #tpu.memory_space<vmem>> -> memref<1x128xf32, #tpu.memory_space<vmem>>
    %dma_wait3A_137 = tpu.memref_squeeze %dma_wait3A_136 : memref<1x128xf32, #tpu.memory_space<vmem>> -> memref<128xf32, #tpu.memory_space<vmem>>
    %dma_wait3A_138 = arith.constant 0 : i32
    %dma_wait3A_139 = tpu.memref_slice %arg16[%dma_wait3A_134, %dma_wait3A_138] : memref<6x128xf32, #tpu.memory_space<vmem>> -> memref<1x128xf32, #tpu.memory_space<vmem>>
    %dma_wait3A_140 = tpu.memref_squeeze %dma_wait3A_139 : memref<1x128xf32, #tpu.memory_space<vmem>> -> memref<128xf32, #tpu.memory_space<vmem>>
    tpu.wait_dma2 semaphore(%arg18 : memref<!tpu.dma_semaphore, #tpu.memory_space<semaphore_mem>>) src(%arg9 : memref<128xf32, #tpu.memory_space<hbm>>) dst(%dma_wait3A_140 : memref<128xf32, #tpu.memory_space<vmem>>)
    %get3A = arith.constant 0 : i32
    %get3A_141 = arith.index_cast %get3A : i32 to index
    %get3A_142 = arith.constant 0 : index
    %get3A_143 = tpu.vector_load %arg16[%get3A_141, %get3A_142] {strides = array<i32>} : memref<6x128xf32, #tpu.memory_space<vmem>>, vector<16xf32>,
    %get3A_144 = arith.constant 0 : i32
    %get3A_145 = arith.index_cast %get3A_144 : i32 to index
    %get3A_146 = arith.constant 16 : index
    %get3A_147 = tpu.vector_load %arg16[%get3A_145, %get3A_146] {strides = array<i32>} : memref<6x128xf32, #tpu.memory_space<vmem>>, vector<16xf32>,
    %get3A_148 = arith.constant 0 : i32
    %get3A_149 = arith.index_cast %get3A_148 : i32 to index
    %get3A_150 = arith.constant 32 : index
    %get3A_151 = tpu.vector_load %arg16[%get3A_149, %get3A_150] {strides = array<i32>} : memref<6x128xf32, #tpu.memory_space<vmem>>, vector<16xf32>,
    %get3A_152 = arith.constant 0 : i32
    %get3A_153 = arith.index_cast %get3A_152 : i32 to index
    %get3A_154 = arith.constant 48 : index
    %get3A_155 = tpu.vector_load %arg16[%get3A_153, %get3A_154] {strides = array<i32>} : memref<6x128xf32, #tpu.memory_space<vmem>>, vector<16xf32>,
    %get3A_156 = arith.constant 0 : i32
    %get3A_157 = arith.index_cast %get3A_156 : i32 to index
    %get3A_158 = arith.constant 64 : index
    %get3A_159 = tpu.vector_load %arg16[%get3A_157, %get3A_158] {strides = array<i32>} : memref<6x128xf32, #tpu.memory_space<vmem>>, vector<16xf32>,
    %get3A_160 = arith.constant 0 : i32
    %get3A_161 = arith.index_cast %get3A_160 : i32 to index
    %get3A_162 = arith.constant 80 : index
    %get3A_163 = tpu.vector_load %arg16[%get3A_161, %get3A_162] {strides = array<i32>} : memref<6x128xf32, #tpu.memory_space<vmem>>, vector<16xf32>,
    %get3A_164 = arith.constant 0 : i32
    %get3A_165 = arith.index_cast %get3A_164 : i32 to index
    %get3A_166 = arith.constant 96 : index
    %get3A_167 = tpu.vector_load %arg16[%get3A_165, %get3A_166] {strides = array<i32>} : memref<6x128xf32, #tpu.memory_space<vmem>>, vector<16xf32>,
    %get3A_168 = arith.constant 0 : i32
    %get3A_169 = arith.index_cast %get3A_168 : i32 to index
    %get3A_170 = arith.constant 112 : index
    %get3A_171 = tpu.vector_load %arg16[%get3A_169, %get3A_170] {strides = array<i32>} : memref<6x128xf32, #tpu.memory_space<vmem>>, vector<16xf32>,
    %get3A_172 = arith.constant 1 : i32
    %get3A_173 = arith.index_cast %get3A_172 : i32 to index
    %get3A_174 = arith.constant 0 : index
    %get3A_175 = tpu.vector_load %arg16[%get3A_173, %get3A_174] {strides = array<i32>} : memref<6x128xf32, #tpu.memory_space<vmem>>, vector<16xf32>,
    %get3A_176 = arith.constant 1 : i32
    %get3A_177 = arith.index_cast %get3A_176 : i32 to index
    %get3A_178 = arith.constant 16 : index
    %get3A_179 = tpu.vector_load %arg16[%get3A_177, %get3A_178] {strides = array<i32>} : memref<6x128xf32, #tpu.memory_space<vmem>>, vector<16xf32>,
    %get3A_180 = arith.constant 1 : i32
    %get3A_181 = arith.index_cast %get3A_180 : i32 to index
    %get3A_182 = arith.constant 32 : index
    %get3A_183 = tpu.vector_load %arg16[%get3A_181, %get3A_182] {strides = array<i32>} : memref<6x128xf32, #tpu.memory_space<vmem>>, vector<16xf32>,
    %get3A_184 = arith.constant 1 : i32
    %get3A_185 = arith.index_cast %get3A_184 : i32 to index
    %get3A_186 = arith.constant 48 : index
    %get3A_187 = tpu.vector_load %arg16[%get3A_185, %get3A_186] {strides = array<i32>} : memref<6x128xf32, #tpu.memory_space<vmem>>, vector<16xf32>,
    %get3A_188 = arith.constant 1 : i32
    %get3A_189 = arith.index_cast %get3A_188 : i32 to index
    %get3A_190 = arith.constant 64 : index
    %get3A_191 = tpu.vector_load %arg16[%get3A_189, %get3A_190] {strides = array<i32>} : memref<6x128xf32, #tpu.memory_space<vmem>>, vector<16xf32>,
    %get3A_192 = arith.constant 1 : i32
    %get3A_193 = arith.index_cast %get3A_192 : i32 to index
    %get3A_194 = arith.constant 80 : index
    %get3A_195 = tpu.vector_load %arg16[%get3A_193, %get3A_194] {strides = array<i32>} : memref<6x128xf32, #tpu.memory_space<vmem>>, vector<16xf32>,
    %get3A_196 = arith.constant 1 : i32
    %get3A_197 = arith.index_cast %get3A_196 : i32 to index
    %get3A_198 = arith.constant 96 : index
    %get3A_199 = tpu.vector_load %arg16[%get3A_197, %get3A_198] {strides = array<i32>} : memref<6x128xf32, #tpu.memory_space<vmem>>, vector<16xf32>,
    %get3A_200 = arith.constant 1 : i32
    %get3A_201 = arith.index_cast %get3A_200 : i32 to index
    %get3A_202 = arith.constant 112 : index
    %get3A_203 = tpu.vector_load %arg16[%get3A_201, %get3A_202] {strides = array<i32>} : memref<6x128xf32, #tpu.memory_space<vmem>>, vector<16xf32>,
    %get3A_204 = arith.constant 2 : i32
    %get3A_205 = arith.index_cast %get3A_204 : i32 to index
    %get3A_206 = arith.constant 0 : index
    %get3A_207 = tpu.vector_load %arg16[%get3A_205, %get3A_206] {strides = array<i32>} : memref<6x128xf32, #tpu.memory_space<vmem>>, vector<16xf32>,
    %get3A_208 = arith.constant 2 : i32
    %get3A_209 = arith.index_cast %get3A_208 : i32 to index
    %get3A_210 = arith.constant 16 : index
    %get3A_211 = tpu.vector_load %arg16[%get3A_209, %get3A_210] {strides = array<i32>} : memref<6x128xf32, #tpu.memory_space<vmem>>, vector<16xf32>,
    %get3A_212 = arith.constant 2 : i32
    %get3A_213 = arith.index_cast %get3A_212 : i32 to index
    %get3A_214 = arith.constant 32 : index
    %get3A_215 = tpu.vector_load %arg16[%get3A_213, %get3A_214] {strides = array<i32>} : memref<6x128xf32, #tpu.memory_space<vmem>>, vector<16xf32>,
    %get3A_216 = arith.constant 2 : i32
    %get3A_217 = arith.index_cast %get3A_216 : i32 to index
    %get3A_218 = arith.constant 48 : index
    %get3A_219 = tpu.vector_load %arg16[%get3A_217, %get3A_218] {strides = array<i32>} : memref<6x128xf32, #tpu.memory_space<vmem>>, vector<16xf32>,
    %get3A_220 = arith.constant 2 : i32
    %get3A_221 = arith.index_cast %get3A_220 : i32 to index
    %get3A_222 = arith.constant 64 : index
    %get3A_223 = tpu.vector_load %arg16[%get3A_221, %get3A_222] {strides = array<i32>} : memref<6x128xf32, #tpu.memory_space<vmem>>, vector<16xf32>,
    %get3A_224 = arith.constant 2 : i32
    %get3A_225 = arith.index_cast %get3A_224 : i32 to index
    %get3A_226 = arith.constant 80 : index
    %get3A_227 = tpu.vector_load %arg16[%get3A_225, %get3A_226] {strides = array<i32>} : memref<6x128xf32, #tpu.memory_space<vmem>>, vector<16xf32>,
    %get3A_228 = arith.constant 2 : i32
    %get3A_229 = arith.index_cast %get3A_228 : i32 to index
    %get3A_230 = arith.constant 96 : index
    %get3A_231 = tpu.vector_load %arg16[%get3A_229, %get3A_230] {strides = array<i32>} : memref<6x128xf32, #tpu.memory_space<vmem>>, vector<16xf32>,
    %get3A_232 = arith.constant 2 : i32
    %get3A_233 = arith.index_cast %get3A_232 : i32 to index
    %get3A_234 = arith.constant 112 : index
    %get3A_235 = tpu.vector_load %arg16[%get3A_233, %get3A_234] {strides = array<i32>} : memref<6x128xf32, #tpu.memory_space<vmem>>, vector<16xf32>,
    %get3A_236 = arith.constant 3 : i32
    %get3A_237 = arith.index_cast %get3A_236 : i32 to index
    %get3A_238 = arith.constant 0 : index
    %get3A_239 = tpu.vector_load %arg16[%get3A_237, %get3A_238] {strides = array<i32>} : memref<6x128xf32, #tpu.memory_space<vmem>>, vector<16xf32>,
    %get3A_240 = arith.constant 3 : i32
    %get3A_241 = arith.index_cast %get3A_240 : i32 to index
    %get3A_242 = arith.constant 16 : index
    %get3A_243 = tpu.vector_load %arg16[%get3A_241, %get3A_242] {strides = array<i32>} : memref<6x128xf32, #tpu.memory_space<vmem>>, vector<16xf32>,
    %get3A_244 = arith.constant 3 : i32
    %get3A_245 = arith.index_cast %get3A_244 : i32 to index
    %get3A_246 = arith.constant 32 : index
    %get3A_247 = tpu.vector_load %arg16[%get3A_245, %get3A_246] {strides = array<i32>} : memref<6x128xf32, #tpu.memory_space<vmem>>, vector<16xf32>,
    %get3A_248 = arith.constant 3 : i32
    %get3A_249 = arith.index_cast %get3A_248 : i32 to index
    %get3A_250 = arith.constant 48 : index
    %get3A_251 = tpu.vector_load %arg16[%get3A_249, %get3A_250] {strides = array<i32>} : memref<6x128xf32, #tpu.memory_space<vmem>>, vector<16xf32>,
    %get3A_252 = arith.constant 3 : i32
    %get3A_253 = arith.index_cast %get3A_252 : i32 to index
    %get3A_254 = arith.constant 64 : index
    %get3A_255 = tpu.vector_load %arg16[%get3A_253, %get3A_254] {strides = array<i32>} : memref<6x128xf32, #tpu.memory_space<vmem>>, vector<16xf32>,
    %get3A_256 = arith.constant 3 : i32
    %get3A_257 = arith.index_cast %get3A_256 : i32 to index
    %get3A_258 = arith.constant 80 : index
    %get3A_259 = tpu.vector_load %arg16[%get3A_257, %get3A_258] {strides = array<i32>} : memref<6x128xf32, #tpu.memory_space<vmem>>, vector<16xf32>,
    %get3A_260 = arith.constant 3 : i32
    %get3A_261 = arith.index_cast %get3A_260 : i32 to index
    %get3A_262 = arith.constant 96 : index
    %get3A_263 = tpu.vector_load %arg16[%get3A_261, %get3A_262] {strides = array<i32>} : memref<6x128xf32, #tpu.memory_space<vmem>>, vector<16xf32>,
    %get3A_264 = arith.constant 3 : i32
    %get3A_265 = arith.index_cast %get3A_264 : i32 to index
    %get3A_266 = arith.constant 112 : index
    %get3A_267 = tpu.vector_load %arg16[%get3A_265, %get3A_266] {strides = array<i32>} : memref<6x128xf32, #tpu.memory_space<vmem>>, vector<16xf32>,
    %get3A_268 = arith.constant 4 : i32
    %get3A_269 = arith.index_cast %get3A_268 : i32 to index
    %get3A_270 = arith.constant 0 : index
    %get3A_271 = tpu.vector_load %arg16[%get3A_269, %get3A_270] {strides = array<i32>} : memref<6x128xf32, #tpu.memory_space<vmem>>, vector<16xf32>,
    %get3A_272 = arith.constant 4 : i32
    %get3A_273 = arith.index_cast %get3A_272 : i32 to index
    %get3A_274 = arith.constant 16 : index
    %get3A_275 = tpu.vector_load %arg16[%get3A_273, %get3A_274] {strides = array<i32>} : memref<6x128xf32, #tpu.memory_space<vmem>>, vector<16xf32>,
    %get3A_276 = arith.constant 4 : i32
    %get3A_277 = arith.index_cast %get3A_276 : i32 to index
    %get3A_278 = arith.constant 32 : index
    %get3A_279 = tpu.vector_load %arg16[%get3A_277, %get3A_278] {strides = array<i32>} : memref<6x128xf32, #tpu.memory_space<vmem>>, vector<16xf32>,
    %get3A_280 = arith.constant 4 : i32
    %get3A_281 = arith.index_cast %get3A_280 : i32 to index
    %get3A_282 = arith.constant 48 : index
    %get3A_283 = tpu.vector_load %arg16[%get3A_281, %get3A_282] {strides = array<i32>} : memref<6x128xf32, #tpu.memory_space<vmem>>, vector<16xf32>,
    %get3A_284 = arith.constant 4 : i32
    %get3A_285 = arith.index_cast %get3A_284 : i32 to index
    %get3A_286 = arith.constant 64 : index
    %get3A_287 = tpu.vector_load %arg16[%get3A_285, %get3A_286] {strides = array<i32>} : memref<6x128xf32, #tpu.memory_space<vmem>>, vector<16xf32>,
    %get3A_288 = arith.constant 4 : i32
    %get3A_289 = arith.index_cast %get3A_288 : i32 to index
    %get3A_290 = arith.constant 80 : index
    %get3A_291 = tpu.vector_load %arg16[%get3A_289, %get3A_290] {strides = array<i32>} : memref<6x128xf32, #tpu.memory_space<vmem>>, vector<16xf32>,
    %get3A_292 = arith.constant 4 : i32
    %get3A_293 = arith.index_cast %get3A_292 : i32 to index
    %get3A_294 = arith.constant 96 : index
    %get3A_295 = tpu.vector_load %arg16[%get3A_293, %get3A_294] {strides = array<i32>} : memref<6x128xf32, #tpu.memory_space<vmem>>, vector<16xf32>,
    %get3A_296 = arith.constant 4 : i32
    %get3A_297 = arith.index_cast %get3A_296 : i32 to index
    %get3A_298 = arith.constant 112 : index
    %get3A_299 = tpu.vector_load %arg16[%get3A_297, %get3A_298] {strides = array<i32>} : memref<6x128xf32, #tpu.memory_space<vmem>>, vector<16xf32>,
    %get3A_300 = arith.constant 5 : i32
    %get3A_301 = arith.index_cast %get3A_300 : i32 to index
    %get3A_302 = arith.constant 0 : index
    %get3A_303 = tpu.vector_load %arg16[%get3A_301, %get3A_302] {strides = array<i32>} : memref<6x128xf32, #tpu.memory_space<vmem>>, vector<16xf32>,
    %get3A_304 = arith.constant 5 : i32
    %get3A_305 = arith.index_cast %get3A_304 : i32 to index
    %get3A_306 = arith.constant 16 : index
    %get3A_307 = tpu.vector_load %arg16[%get3A_305, %get3A_306] {strides = array<i32>} : memref<6x128xf32, #tpu.memory_space<vmem>>, vector<16xf32>,
    %get3A_308 = arith.constant 5 : i32
    %get3A_309 = arith.index_cast %get3A_308 : i32 to index
    %get3A_310 = arith.constant 32 : index
    %get3A_311 = tpu.vector_load %arg16[%get3A_309, %get3A_310] {strides = array<i32>} : memref<6x128xf32, #tpu.memory_space<vmem>>, vector<16xf32>,
    %get3A_312 = arith.constant 5 : i32
    %get3A_313 = arith.index_cast %get3A_312 : i32 to index
    %get3A_314 = arith.constant 48 : index
    %get3A_315 = tpu.vector_load %arg16[%get3A_313, %get3A_314] {strides = array<i32>} : memref<6x128xf32, #tpu.memory_space<vmem>>, vector<16xf32>,
    %get3A_316 = arith.constant 5 : i32
    %get3A_317 = arith.index_cast %get3A_316 : i32 to index
    %get3A_318 = arith.constant 64 : index
    %get3A_319 = tpu.vector_load %arg16[%get3A_317, %get3A_318] {strides = array<i32>} : memref<6x128xf32, #tpu.memory_space<vmem>>, vector<16xf32>,
    %get3A_320 = arith.constant 5 : i32
    %get3A_321 = arith.index_cast %get3A_320 : i32 to index
    %get3A_322 = arith.constant 80 : index
    %get3A_323 = tpu.vector_load %arg16[%get3A_321, %get3A_322] {strides = array<i32>} : memref<6x128xf32, #tpu.memory_space<vmem>>, vector<16xf32>,
    %get3A_324 = arith.constant 5 : i32
    %get3A_325 = arith.index_cast %get3A_324 : i32 to index
    %get3A_326 = arith.constant 96 : index
    %get3A_327 = tpu.vector_load %arg16[%get3A_325, %get3A_326] {strides = array<i32>} : memref<6x128xf32, #tpu.memory_space<vmem>>, vector<16xf32>,
    %get3A_328 = arith.constant 5 : i32
    %get3A_329 = arith.index_cast %get3A_328 : i32 to index
    %get3A_330 = arith.constant 112 : index
    %get3A_331 = tpu.vector_load %arg16[%get3A_329, %get3A_330] {strides = array<i32>} : memref<6x128xf32, #tpu.memory_space<vmem>>, vector<16xf32>,
    %dma_wait3A_332 = arith.constant 0 : i32
    %dma_wait3A_333 = arith.constant 0 : i32
    %dma_wait3A_334 = arith.constant 0 : i32
    %dma_wait3A_335 = tpu.memref_slice %arg12[%dma_wait3A_332, %dma_wait3A_333, %dma_wait3A_334] : memref<2x64x128xf32, #tpu.memory_space<vmem>> -> memref<1x64x128xf32, #tpu.memory_space<vmem>>
    %dma_wait3A_336 = tpu.memref_squeeze %dma_wait3A_335 : memref<1x64x128xf32, #tpu.memory_space<vmem>> -> memref<64x128xf32, #tpu.memory_space<vmem>>
    %dma_wait3A_337 = arith.constant 0 : i32
    %dma_wait3A_338 = tpu.memref_slice %arg2[%add3A_45, %dma_wait3A_337] : memref<4096x128xf32, #tpu.memory_space<hbm>> -> memref<64x128xf32, #tpu.memory_space<hbm>>
    %dma_wait3A_339 = arith.constant 0 : i32
    %dma_wait3A_340 = arith.constant 0 : i32
    %dma_wait3A_341 = tpu.memref_slice %arg12[%dma_wait3A_332, %dma_wait3A_339, %dma_wait3A_340] : memref<2x64x128xf32, #tpu.memory_space<vmem>> -> memref<1x64x128xf32, #tpu.memory_space<vmem>>
    %dma_wait3A_342 = tpu.memref_squeeze %dma_wait3A_341 : memref<1x64x128xf32, #tpu.memory_space<vmem>> -> memref<64x128xf32, #tpu.memory_space<vmem>>
    %dma_wait3A_343 = arith.constant 0 : i32
    %dma_wait3A_344 = tpu.memref_slice %arg2[%add3A_45, %dma_wait3A_343] : memref<4096x128xf32, #tpu.memory_space<hbm>> -> memref<64x128xf32, #tpu.memory_space<hbm>>
    tpu.wait_dma2 semaphore(%arg19 : memref<!tpu.dma_semaphore, #tpu.memory_space<semaphore_mem>>) src(%dma_wait3A_344 : memref<64x128xf32, #tpu.memory_space<hbm>>) dst(%dma_wait3A_342 : memref<64x128xf32, #tpu.memory_space<vmem>>)
    %dma_wait3A_345 = arith.constant 0 : i32
    %dma_wait3A_346 = arith.constant 0 : i32
    %dma_wait3A_347 = arith.constant 0 : i32
    %dma_wait3A_348 = tpu.memref_slice %arg13[%dma_wait3A_345, %dma_wait3A_346, %dma_wait3A_347] : memref<2x64x128xf32, #tpu.memory_space<vmem>> -> memref<1x64x128xf32, #tpu.memory_space<vmem>>
    %dma_wait3A_349 = tpu.memref_squeeze %dma_wait3A_348 : memref<1x64x128xf32, #tpu.memory_space<vmem>> -> memref<64x128xf32, #tpu.memory_space<vmem>>
    %dma_wait3A_350 = arith.constant 0 : i32
    %dma_wait3A_351 = tpu.memref_slice %arg3[%add3A_45, %dma_wait3A_350] : memref<4096x128xf32, #tpu.memory_space<hbm>> -> memref<64x128xf32, #tpu.memory_space<hbm>>
    %dma_wait3A_352 = arith.constant 0 : i32
    %dma_wait3A_353 = arith.constant 0 : i32
    %dma_wait3A_354 = tpu.memref_slice %arg13[%dma_wait3A_345, %dma_wait3A_352, %dma_wait3A_353] : memref<2x64x128xf32, #tpu.memory_space<vmem>> -> memref<1x64x128xf32, #tpu.memory_space<vmem>>
    %dma_wait3A_355 = tpu.memref_squeeze %dma_wait3A_354 : memref<1x64x128xf32, #tpu.memory_space<vmem>> -> memref<64x128xf32, #tpu.memory_space<vmem>>
    %dma_wait3A_356 = arith.constant 0 : i32
    %dma_wait3A_357 = tpu.memref_slice %arg3[%add3A_45, %dma_wait3A_356] : memref<4096x128xf32, #tpu.memory_space<hbm>> -> memref<64x128xf32, #tpu.memory_space<hbm>>
    tpu.wait_dma2 semaphore(%arg19 : memref<!tpu.dma_semaphore, #tpu.memory_space<semaphore_mem>>) src(%dma_wait3A_357 : memref<64x128xf32, #tpu.memory_space<hbm>>) dst(%dma_wait3A_355 : memref<64x128xf32, #tpu.memory_space<vmem>>)
    %parallel_loop3A = arith.constant 0 : i32
    %parallel_loop3A_358 = arith.constant 64 : i32
    %parallel_loop3A_359 = arith.constant 1 : i32
    scf.for %parallel_loop3A_503 = %parallel_loop3A to %parallel_loop3A_358 step %parallel_loop3A_359  : i32 {
      %parallel_loop3A_504 = arith.constant 0.000000e+00 : f32
      %parallel_loop3A_505 = vector.broadcast %parallel_loop3A_504 : f32 to vector<16xf32>
      %parallel_loop3A_506 = arith.constant 0.000000e+00 : f32
      %parallel_loop3A_507 = vector.broadcast %parallel_loop3A_506 : f32 to vector<16xf32>
      %parallel_loop3A_508 = arith.constant 0.000000e+00 : f32
      %parallel_loop3A_509 = vector.broadcast %parallel_loop3A_508 : f32 to vector<16xf32>
      %parallel_loop3A_510 = arith.constant 0.000000e+00 : f32
      %parallel_loop3A_511 = vector.broadcast %parallel_loop3A_510 : f32 to vector<16xf32>
      %parallel_loop3A_512 = arith.constant 0 : i32
      %parallel_loop3A_513 = arith.index_cast %parallel_loop3A_512 : i32 to index
      %parallel_loop3A_514 = arith.index_cast %parallel_loop3A_503 : i32 to index
      %parallel_loop3A_515 = arith.constant 0 : index
      %parallel_loop3A_516 = tpu.vector_load %arg12[%parallel_loop3A_513, %parallel_loop3A_514, %parallel_loop3A_515] {strides = array<i32>} : memref<2x64x128xf32, #tpu.memory_space<vmem>>, vector<16xf32>,
      %parallel_loop3A_517 = arith.constant 0 : i32
      %parallel_loop3A_518 = arith.index_cast %parallel_loop3A_517 : i32 to index
      %parallel_loop3A_519 = arith.index_cast %parallel_loop3A_503 : i32 to index
      %parallel_loop3A_520 = arith.constant 0 : index
      %parallel_loop3A_521 = tpu.vector_load %arg13[%parallel_loop3A_518, %parallel_loop3A_519, %parallel_loop3A_520] {strides = array<i32>} : memref<2x64x128xf32, #tpu.memory_space<vmem>>, vector<16xf32>,
      %parallel_loop3A_522 = arith.mulf %parallel_loop3A_521, %get3A_143 : vector<16xf32>
      %parallel_loop3A_523 = arith.addf %parallel_loop3A_505, %parallel_loop3A_522 : vector<16xf32>
      %parallel_loop3A_524 = arith.mulf %parallel_loop3A_516, %get3A_175 : vector<16xf32>
      %parallel_loop3A_525 = arith.addf %parallel_loop3A_507, %parallel_loop3A_524 : vector<16xf32>
      %parallel_loop3A_526 = arith.mulf %parallel_loop3A_521, %get3A_207 : vector<16xf32>
      %parallel_loop3A_527 = arith.addf %parallel_loop3A_509, %parallel_loop3A_526 : vector<16xf32>
      %parallel_loop3A_528 = arith.mulf %parallel_loop3A_516, %get3A_239 : vector<16xf32>
      %parallel_loop3A_529 = arith.addf %parallel_loop3A_511, %parallel_loop3A_528 : vector<16xf32>
      %parallel_loop3A_530 = arith.constant 0 : i32
      %parallel_loop3A_531 = arith.index_cast %parallel_loop3A_530 : i32 to index
      %parallel_loop3A_532 = arith.index_cast %parallel_loop3A_503 : i32 to index
      %parallel_loop3A_533 = arith.constant 16 : index
      %parallel_loop3A_534 = tpu.vector_load %arg12[%parallel_loop3A_531, %parallel_loop3A_532, %parallel_loop3A_533] {strides = array<i32>} : memref<2x64x128xf32, #tpu.memory_space<vmem>>, vector<16xf32>,
      %parallel_loop3A_535 = arith.constant 0 : i32
      %parallel_loop3A_536 = arith.index_cast %parallel_loop3A_535 : i32 to index
      %parallel_loop3A_537 = arith.index_cast %parallel_loop3A_503 : i32 to index
      %parallel_loop3A_538 = arith.constant 16 : index
      %parallel_loop3A_539 = tpu.vector_load %arg13[%parallel_loop3A_536, %parallel_loop3A_537, %parallel_loop3A_538] {strides = array<i32>} : memref<2x64x128xf32, #tpu.memory_space<vmem>>, vector<16xf32>,
      %parallel_loop3A_540 = arith.mulf %parallel_loop3A_539, %get3A_147 : vector<16xf32>
      %parallel_loop3A_541 = arith.addf %parallel_loop3A_523, %parallel_loop3A_540 : vector<16xf32>
      %parallel_loop3A_542 = arith.mulf %parallel_loop3A_534, %get3A_179 : vector<16xf32>
      %parallel_loop3A_543 = arith.addf %parallel_loop3A_525, %parallel_loop3A_542 : vector<16xf32>
      %parallel_loop3A_544 = arith.mulf %parallel_loop3A_539, %get3A_211 : vector<16xf32>
      %parallel_loop3A_545 = arith.addf %parallel_loop3A_527, %parallel_loop3A_544 : vector<16xf32>
      %parallel_loop3A_546 = arith.mulf %parallel_loop3A_534, %get3A_243 : vector<16xf32>
      %parallel_loop3A_547 = arith.addf %parallel_loop3A_529, %parallel_loop3A_546 : vector<16xf32>
      %parallel_loop3A_548 = arith.constant 0 : i32
      %parallel_loop3A_549 = arith.index_cast %parallel_loop3A_548 : i32 to index
      %parallel_loop3A_550 = arith.index_cast %parallel_loop3A_503 : i32 to index
      %parallel_loop3A_551 = arith.constant 32 : index
      %parallel_loop3A_552 = tpu.vector_load %arg12[%parallel_loop3A_549, %parallel_loop3A_550, %parallel_loop3A_551] {strides = array<i32>} : memref<2x64x128xf32, #tpu.memory_space<vmem>>, vector<16xf32>,
      %parallel_loop3A_553 = arith.constant 0 : i32
      %parallel_loop3A_554 = arith.index_cast %parallel_loop3A_553 : i32 to index
      %parallel_loop3A_555 = arith.index_cast %parallel_loop3A_503 : i32 to index
      %parallel_loop3A_556 = arith.constant 32 : index
      %parallel_loop3A_557 = tpu.vector_load %arg13[%parallel_loop3A_554, %parallel_loop3A_555, %parallel_loop3A_556] {strides = array<i32>} : memref<2x64x128xf32, #tpu.memory_space<vmem>>, vector<16xf32>,
      %parallel_loop3A_558 = arith.mulf %parallel_loop3A_557, %get3A_151 : vector<16xf32>
      %parallel_loop3A_559 = arith.addf %parallel_loop3A_541, %parallel_loop3A_558 : vector<16xf32>
      %parallel_loop3A_560 = arith.mulf %parallel_loop3A_552, %get3A_183 : vector<16xf32>
      %parallel_loop3A_561 = arith.addf %parallel_loop3A_543, %parallel_loop3A_560 : vector<16xf32>
      %parallel_loop3A_562 = arith.mulf %parallel_loop3A_557, %get3A_215 : vector<16xf32>
      %parallel_loop3A_563 = arith.addf %parallel_loop3A_545, %parallel_loop3A_562 : vector<16xf32>
      %parallel_loop3A_564 = arith.mulf %parallel_loop3A_552, %get3A_247 : vector<16xf32>
      %parallel_loop3A_565 = arith.addf %parallel_loop3A_547, %parallel_loop3A_564 : vector<16xf32>
      %parallel_loop3A_566 = arith.constant 0 : i32
      %parallel_loop3A_567 = arith.index_cast %parallel_loop3A_566 : i32 to index
      %parallel_loop3A_568 = arith.index_cast %parallel_loop3A_503 : i32 to index
      %parallel_loop3A_569 = arith.constant 48 : index
      %parallel_loop3A_570 = tpu.vector_load %arg12[%parallel_loop3A_567, %parallel_loop3A_568, %parallel_loop3A_569] {strides = array<i32>} : memref<2x64x128xf32, #tpu.memory_space<vmem>>, vector<16xf32>,
      %parallel_loop3A_571 = arith.constant 0 : i32
      %parallel_loop3A_572 = arith.index_cast %parallel_loop3A_571 : i32 to index
      %parallel_loop3A_573 = arith.index_cast %parallel_loop3A_503 : i32 to index
      %parallel_loop3A_574 = arith.constant 48 : index
      %parallel_loop3A_575 = tpu.vector_load %arg13[%parallel_loop3A_572, %parallel_loop3A_573, %parallel_loop3A_574] {strides = array<i32>} : memref<2x64x128xf32, #tpu.memory_space<vmem>>, vector<16xf32>,
      %parallel_loop3A_576 = arith.mulf %parallel_loop3A_575, %get3A_155 : vector<16xf32>
      %parallel_loop3A_577 = arith.addf %parallel_loop3A_559, %parallel_loop3A_576 : vector<16xf32>
      %parallel_loop3A_578 = arith.mulf %parallel_loop3A_570, %get3A_187 : vector<16xf32>
      %parallel_loop3A_579 = arith.addf %parallel_loop3A_561, %parallel_loop3A_578 : vector<16xf32>
      %parallel_loop3A_580 = arith.mulf %parallel_loop3A_575, %get3A_219 : vector<16xf32>
      %parallel_loop3A_581 = arith.addf %parallel_loop3A_563, %parallel_loop3A_580 : vector<16xf32>
      %parallel_loop3A_582 = arith.mulf %parallel_loop3A_570, %get3A_251 : vector<16xf32>
      %parallel_loop3A_583 = arith.addf %parallel_loop3A_565, %parallel_loop3A_582 : vector<16xf32>
      %parallel_loop3A_584 = arith.constant 0 : i32
      %parallel_loop3A_585 = arith.index_cast %parallel_loop3A_584 : i32 to index
      %parallel_loop3A_586 = arith.index_cast %parallel_loop3A_503 : i32 to index
      %parallel_loop3A_587 = arith.constant 64 : index
      %parallel_loop3A_588 = tpu.vector_load %arg12[%parallel_loop3A_585, %parallel_loop3A_586, %parallel_loop3A_587] {strides = array<i32>} : memref<2x64x128xf32, #tpu.memory_space<vmem>>, vector<16xf32>,
      %parallel_loop3A_589 = arith.constant 0 : i32
      %parallel_loop3A_590 = arith.index_cast %parallel_loop3A_589 : i32 to index
      %parallel_loop3A_591 = arith.index_cast %parallel_loop3A_503 : i32 to index
      %parallel_loop3A_592 = arith.constant 64 : index
      %parallel_loop3A_593 = tpu.vector_load %arg13[%parallel_loop3A_590, %parallel_loop3A_591, %parallel_loop3A_592] {strides = array<i32>} : memref<2x64x128xf32, #tpu.memory_space<vmem>>, vector<16xf32>,
      %parallel_loop3A_594 = arith.mulf %parallel_loop3A_593, %get3A_159 : vector<16xf32>
      %parallel_loop3A_595 = arith.addf %parallel_loop3A_577, %parallel_loop3A_594 : vector<16xf32>
      %parallel_loop3A_596 = arith.mulf %parallel_loop3A_588, %get3A_191 : vector<16xf32>
      %parallel_loop3A_597 = arith.addf %parallel_loop3A_579, %parallel_loop3A_596 : vector<16xf32>
      %parallel_loop3A_598 = arith.mulf %parallel_loop3A_593, %get3A_223 : vector<16xf32>
      %parallel_loop3A_599 = arith.addf %parallel_loop3A_581, %parallel_loop3A_598 : vector<16xf32>
      %parallel_loop3A_600 = arith.mulf %parallel_loop3A_588, %get3A_255 : vector<16xf32>
      %parallel_loop3A_601 = arith.addf %parallel_loop3A_583, %parallel_loop3A_600 : vector<16xf32>
      %parallel_loop3A_602 = arith.constant 0 : i32
      %parallel_loop3A_603 = arith.index_cast %parallel_loop3A_602 : i32 to index
      %parallel_loop3A_604 = arith.index_cast %parallel_loop3A_503 : i32 to index
      %parallel_loop3A_605 = arith.constant 80 : index
      %parallel_loop3A_606 = tpu.vector_load %arg12[%parallel_loop3A_603, %parallel_loop3A_604, %parallel_loop3A_605] {strides = array<i32>} : memref<2x64x128xf32, #tpu.memory_space<vmem>>, vector<16xf32>,
      %parallel_loop3A_607 = arith.constant 0 : i32
      %parallel_loop3A_608 = arith.index_cast %parallel_loop3A_607 : i32 to index
      %parallel_loop3A_609 = arith.index_cast %parallel_loop3A_503 : i32 to index
      %parallel_loop3A_610 = arith.constant 80 : index
      %parallel_loop3A_611 = tpu.vector_load %arg13[%parallel_loop3A_608, %parallel_loop3A_609, %parallel_loop3A_610] {strides = array<i32>} : memref<2x64x128xf32, #tpu.memory_space<vmem>>, vector<16xf32>,
      %parallel_loop3A_612 = arith.mulf %parallel_loop3A_611, %get3A_163 : vector<16xf32>
      %parallel_loop3A_613 = arith.addf %parallel_loop3A_595, %parallel_loop3A_612 : vector<16xf32>
      %parallel_loop3A_614 = arith.mulf %parallel_loop3A_606, %get3A_195 : vector<16xf32>
      %parallel_loop3A_615 = arith.addf %parallel_loop3A_597, %parallel_loop3A_614 : vector<16xf32>
      %parallel_loop3A_616 = arith.mulf %parallel_loop3A_611, %get3A_227 : vector<16xf32>
      %parallel_loop3A_617 = arith.addf %parallel_loop3A_599, %parallel_loop3A_616 : vector<16xf32>
      %parallel_loop3A_618 = arith.mulf %parallel_loop3A_606, %get3A_259 : vector<16xf32>
      %parallel_loop3A_619 = arith.addf %parallel_loop3A_601, %parallel_loop3A_618 : vector<16xf32>
      %parallel_loop3A_620 = arith.constant 0 : i32
      %parallel_loop3A_621 = arith.index_cast %parallel_loop3A_620 : i32 to index
      %parallel_loop3A_622 = arith.index_cast %parallel_loop3A_503 : i32 to index
      %parallel_loop3A_623 = arith.constant 96 : index
      %parallel_loop3A_624 = tpu.vector_load %arg12[%parallel_loop3A_621, %parallel_loop3A_622, %parallel_loop3A_623] {strides = array<i32>} : memref<2x64x128xf32, #tpu.memory_space<vmem>>, vector<16xf32>,
      %parallel_loop3A_625 = arith.constant 0 : i32
      %parallel_loop3A_626 = arith.index_cast %parallel_loop3A_625 : i32 to index
      %parallel_loop3A_627 = arith.index_cast %parallel_loop3A_503 : i32 to index
      %parallel_loop3A_628 = arith.constant 96 : index
      %parallel_loop3A_629 = tpu.vector_load %arg13[%parallel_loop3A_626, %parallel_loop3A_627, %parallel_loop3A_628] {strides = array<i32>} : memref<2x64x128xf32, #tpu.memory_space<vmem>>, vector<16xf32>,
      %parallel_loop3A_630 = arith.mulf %parallel_loop3A_629, %get3A_167 : vector<16xf32>
      %parallel_loop3A_631 = arith.addf %parallel_loop3A_613, %parallel_loop3A_630 : vector<16xf32>
      %parallel_loop3A_632 = arith.mulf %parallel_loop3A_624, %get3A_199 : vector<16xf32>
      %parallel_loop3A_633 = arith.addf %parallel_loop3A_615, %parallel_loop3A_632 : vector<16xf32>
      %parallel_loop3A_634 = arith.mulf %parallel_loop3A_629, %get3A_231 : vector<16xf32>
      %parallel_loop3A_635 = arith.addf %parallel_loop3A_617, %parallel_loop3A_634 : vector<16xf32>
      %parallel_loop3A_636 = arith.mulf %parallel_loop3A_624, %get3A_263 : vector<16xf32>
      %parallel_loop3A_637 = arith.addf %parallel_loop3A_619, %parallel_loop3A_636 : vector<16xf32>
      %parallel_loop3A_638 = arith.constant 0 : i32
      %parallel_loop3A_639 = arith.index_cast %parallel_loop3A_638 : i32 to index
      %parallel_loop3A_640 = arith.index_cast %parallel_loop3A_503 : i32 to index
      %parallel_loop3A_641 = arith.constant 112 : index
      %parallel_loop3A_642 = tpu.vector_load %arg12[%parallel_loop3A_639, %parallel_loop3A_640, %parallel_loop3A_641] {strides = array<i32>} : memref<2x64x128xf32, #tpu.memory_space<vmem>>, vector<16xf32>,
      %parallel_loop3A_643 = arith.constant 0 : i32
      %parallel_loop3A_644 = arith.index_cast %parallel_loop3A_643 : i32 to index
      %parallel_loop3A_645 = arith.index_cast %parallel_loop3A_503 : i32 to index
      %parallel_loop3A_646 = arith.constant 112 : index
      %parallel_loop3A_647 = tpu.vector_load %arg13[%parallel_loop3A_644, %parallel_loop3A_645, %parallel_loop3A_646] {strides = array<i32>} : memref<2x64x128xf32, #tpu.memory_space<vmem>>, vector<16xf32>,
      %parallel_loop3A_648 = arith.mulf %parallel_loop3A_647, %get3A_171 : vector<16xf32>
      %parallel_loop3A_649 = arith.addf %parallel_loop3A_631, %parallel_loop3A_648 : vector<16xf32>
      %parallel_loop3A_650 = arith.mulf %parallel_loop3A_642, %get3A_203 : vector<16xf32>
      %parallel_loop3A_651 = arith.addf %parallel_loop3A_633, %parallel_loop3A_650 : vector<16xf32>
      %parallel_loop3A_652 = arith.mulf %parallel_loop3A_647, %get3A_235 : vector<16xf32>
      %parallel_loop3A_653 = arith.addf %parallel_loop3A_635, %parallel_loop3A_652 : vector<16xf32>
      %parallel_loop3A_654 = arith.mulf %parallel_loop3A_642, %get3A_267 : vector<16xf32>
      %parallel_loop3A_655 = arith.addf %parallel_loop3A_637, %parallel_loop3A_654 : vector<16xf32>
      %parallel_loop3A_656 = arith.constant true
      %parallel_loop3A_657 = vector.broadcast %parallel_loop3A_656 : i1 to vector<16xi1>
      %parallel_loop3A_658 = tpu.scan <sum>, %parallel_loop3A_649 masked %parallel_loop3A_657 : vector<16xf32>, vector<16xi1> -> vector<16xf32>
      %parallel_loop3A_659 = vector.extract %parallel_loop3A_658[15] : f32 from vector<16xf32>
      %parallel_loop3A_660 = arith.constant 0 : i32
      %parallel_loop3A_661 = arith.index_cast %parallel_loop3A_660 : i32 to index
      %parallel_loop3A_662 = arith.index_cast %parallel_loop3A_503 : i32 to index
      %parallel_loop3A_663 = memref.load %arg17[%parallel_loop3A_661, %parallel_loop3A_662] : memref<4x64xf32, #tpu.memory_space<smem>>
      memref.store %parallel_loop3A_659, %arg17[%parallel_loop3A_661, %parallel_loop3A_662] : memref<4x64xf32, #tpu.memory_space<smem>>
      %parallel_loop3A_664 = arith.constant true
      %parallel_loop3A_665 = vector.broadcast %parallel_loop3A_664 : i1 to vector<16xi1>
      %parallel_loop3A_666 = tpu.scan <sum>, %parallel_loop3A_651 masked %parallel_loop3A_665 : vector<16xf32>, vector<16xi1> -> vector<16xf32>
      %parallel_loop3A_667 = vector.extract %parallel_loop3A_666[15] : f32 from vector<16xf32>
      %parallel_loop3A_668 = arith.constant 1 : i32
      %parallel_loop3A_669 = arith.index_cast %parallel_loop3A_668 : i32 to index
      %parallel_loop3A_670 = arith.index_cast %parallel_loop3A_503 : i32 to index
      %parallel_loop3A_671 = memref.load %arg17[%parallel_loop3A_669, %parallel_loop3A_670] : memref<4x64xf32, #tpu.memory_space<smem>>
      memref.store %parallel_loop3A_667, %arg17[%parallel_loop3A_669, %parallel_loop3A_670] : memref<4x64xf32, #tpu.memory_space<smem>>
      %parallel_loop3A_672 = arith.constant true
      %parallel_loop3A_673 = vector.broadcast %parallel_loop3A_672 : i1 to vector<16xi1>
      %parallel_loop3A_674 = tpu.scan <sum>, %parallel_loop3A_653 masked %parallel_loop3A_673 : vector<16xf32>, vector<16xi1> -> vector<16xf32>
      %parallel_loop3A_675 = vector.extract %parallel_loop3A_674[15] : f32 from vector<16xf32>
      %parallel_loop3A_676 = arith.constant 2 : i32
      %parallel_loop3A_677 = arith.index_cast %parallel_loop3A_676 : i32 to index
      %parallel_loop3A_678 = arith.index_cast %parallel_loop3A_503 : i32 to index
      %parallel_loop3A_679 = memref.load %arg17[%parallel_loop3A_677, %parallel_loop3A_678] : memref<4x64xf32, #tpu.memory_space<smem>>
      memref.store %parallel_loop3A_675, %arg17[%parallel_loop3A_677, %parallel_loop3A_678] : memref<4x64xf32, #tpu.memory_space<smem>>
      %parallel_loop3A_680 = arith.constant true
      %parallel_loop3A_681 = vector.broadcast %parallel_loop3A_680 : i1 to vector<16xi1>
      %parallel_loop3A_682 = tpu.scan <sum>, %parallel_loop3A_655 masked %parallel_loop3A_681 : vector<16xf32>, vector<16xi1> -> vector<16xf32>
      %parallel_loop3A_683 = vector.extract %parallel_loop3A_682[15] : f32 from vector<16xf32>
      %parallel_loop3A_684 = arith.constant 3 : i32
      %parallel_loop3A_685 = arith.index_cast %parallel_loop3A_684 : i32 to index
      %parallel_loop3A_686 = arith.index_cast %parallel_loop3A_503 : i32 to index
      %parallel_loop3A_687 = memref.load %arg17[%parallel_loop3A_685, %parallel_loop3A_686] : memref<4x64xf32, #tpu.memory_space<smem>>
      memref.store %parallel_loop3A_683, %arg17[%parallel_loop3A_685, %parallel_loop3A_686] : memref<4x64xf32, #tpu.memory_space<smem>>
    } {sc.loop_unroll_factor = 1 : i64, sc.parallel_access}
    %parallel_loop3A_360 = arith.constant 0 : i32
    %parallel_loop3A_361 = arith.constant 64 : i32
    %parallel_loop3A_362 = arith.constant 1 : i32
    scf.for %parallel_loop3A_503 = %parallel_loop3A_360 to %parallel_loop3A_361 step %parallel_loop3A_362  : i32 {
      %parallel_loop3A_504 = arith.constant 0 : i32
      %parallel_loop3A_505 = arith.index_cast %parallel_loop3A_504 : i32 to index
      %parallel_loop3A_506 = arith.index_cast %parallel_loop3A_503 : i32 to index
      %parallel_loop3A_507 = memref.load %arg17[%parallel_loop3A_505, %parallel_loop3A_506] : memref<4x64xf32, #tpu.memory_space<smem>>
      %parallel_loop3A_508 = arith.constant 1 : i32
      %parallel_loop3A_509 = arith.index_cast %parallel_loop3A_508 : i32 to index
      %parallel_loop3A_510 = arith.index_cast %parallel_loop3A_503 : i32 to index
      %parallel_loop3A_511 = memref.load %arg17[%parallel_loop3A_509, %parallel_loop3A_510] : memref<4x64xf32, #tpu.memory_space<smem>>
      %parallel_loop3A_512 = arith.constant 2 : i32
      %parallel_loop3A_513 = arith.index_cast %parallel_loop3A_512 : i32 to index
      %parallel_loop3A_514 = arith.index_cast %parallel_loop3A_503 : i32 to index
      %parallel_loop3A_515 = memref.load %arg17[%parallel_loop3A_513, %parallel_loop3A_514] : memref<4x64xf32, #tpu.memory_space<smem>>
      %parallel_loop3A_516 = arith.constant 3 : i32
      %parallel_loop3A_517 = arith.index_cast %parallel_loop3A_516 : i32 to index
      %parallel_loop3A_518 = arith.index_cast %parallel_loop3A_503 : i32 to index
      %parallel_loop3A_519 = memref.load %arg17[%parallel_loop3A_517, %parallel_loop3A_518] : memref<4x64xf32, #tpu.memory_space<smem>>
      %parallel_loop3A_520 = arith.constant 0 : i32
      %parallel_loop3A_521 = arith.index_cast %parallel_loop3A_520 : i32 to index
      %parallel_loop3A_522 = arith.index_cast %parallel_loop3A_503 : i32 to index
      %parallel_loop3A_523 = arith.constant 0 : index
      %parallel_loop3A_524 = tpu.vector_load %arg12[%parallel_loop3A_521, %parallel_loop3A_522, %parallel_loop3A_523] {strides = array<i32>} : memref<2x64x128xf32, #tpu.memory_space<vmem>>, vector<16xf32>,
      %parallel_loop3A_525 = arith.constant 0 : i32
      %parallel_loop3A_526 = arith.index_cast %parallel_loop3A_525 : i32 to index
      %parallel_loop3A_527 = arith.index_cast %parallel_loop3A_503 : i32 to index
      %parallel_loop3A_528 = arith.constant 0 : index
      %parallel_loop3A_529 = tpu.vector_load %arg13[%parallel_loop3A_526, %parallel_loop3A_527, %parallel_loop3A_528] {strides = array<i32>} : memref<2x64x128xf32, #tpu.memory_space<vmem>>, vector<16xf32>,
      %parallel_loop3A_530 = vector.broadcast %parallel_loop3A_507 : f32 to vector<16xf32>
      %parallel_loop3A_531 = arith.mulf %parallel_loop3A_524, %parallel_loop3A_530 : vector<16xf32>
      %parallel_loop3A_532 = vector.broadcast %parallel_loop3A_511 : f32 to vector<16xf32>
      %parallel_loop3A_533 = arith.mulf %parallel_loop3A_529, %parallel_loop3A_532 : vector<16xf32>
      %parallel_loop3A_534 = arith.addf %parallel_loop3A_531, %parallel_loop3A_533 : vector<16xf32>
      %parallel_loop3A_535 = arith.addf %parallel_loop3A_534, %get3A_271 : vector<16xf32>
      %parallel_loop3A_536 = arith.constant 0 : i32
      %parallel_loop3A_537 = arith.index_cast %parallel_loop3A_536 : i32 to index
      %parallel_loop3A_538 = arith.index_cast %parallel_loop3A_503 : i32 to index
      %parallel_loop3A_539 = arith.constant 0 : index
      %parallel_loop3A_540 = tpu.vector_load %arg14[%parallel_loop3A_537, %parallel_loop3A_538, %parallel_loop3A_539] {strides = array<i32>} : memref<2x64x128xf32, #tpu.memory_space<vmem>>, vector<16xf32>,
      tpu.vector_store %arg14[%parallel_loop3A_537, %parallel_loop3A_538, %parallel_loop3A_539], %parallel_loop3A_535 {strides = array<i32>} : memref<2x64x128xf32, #tpu.memory_space<vmem>>, vector<16xf32>,
      %parallel_loop3A_541 = vector.broadcast %parallel_loop3A_515 : f32 to vector<16xf32>
      %parallel_loop3A_542 = arith.mulf %parallel_loop3A_524, %parallel_loop3A_541 : vector<16xf32>
      %parallel_loop3A_543 = vector.broadcast %parallel_loop3A_519 : f32 to vector<16xf32>
      %parallel_loop3A_544 = arith.mulf %parallel_loop3A_529, %parallel_loop3A_543 : vector<16xf32>
      %parallel_loop3A_545 = arith.addf %parallel_loop3A_542, %parallel_loop3A_544 : vector<16xf32>
      %parallel_loop3A_546 = arith.addf %parallel_loop3A_545, %get3A_303 : vector<16xf32>
      %parallel_loop3A_547 = arith.constant 0 : i32
      %parallel_loop3A_548 = arith.index_cast %parallel_loop3A_547 : i32 to index
      %parallel_loop3A_549 = arith.index_cast %parallel_loop3A_503 : i32 to index
      %parallel_loop3A_550 = arith.constant 0 : index
      %parallel_loop3A_551 = tpu.vector_load %arg15[%parallel_loop3A_548, %parallel_loop3A_549, %parallel_loop3A_550] {strides = array<i32>} : memref<2x64x128xf32, #tpu.memory_space<vmem>>, vector<16xf32>,
      tpu.vector_store %arg15[%parallel_loop3A_548, %parallel_loop3A_549, %parallel_loop3A_550], %parallel_loop3A_546 {strides = array<i32>} : memref<2x64x128xf32, #tpu.memory_space<vmem>>, vector<16xf32>,
      %parallel_loop3A_552 = arith.constant 0 : i32
      %parallel_loop3A_553 = arith.index_cast %parallel_loop3A_552 : i32 to index
      %parallel_loop3A_554 = arith.index_cast %parallel_loop3A_503 : i32 to index
      %parallel_loop3A_555 = arith.constant 16 : index
      %parallel_loop3A_556 = tpu.vector_load %arg12[%parallel_loop3A_553, %parallel_loop3A_554, %parallel_loop3A_555] {strides = array<i32>} : memref<2x64x128xf32, #tpu.memory_space<vmem>>, vector<16xf32>,
      %parallel_loop3A_557 = arith.constant 0 : i32
      %parallel_loop3A_558 = arith.index_cast %parallel_loop3A_557 : i32 to index
      %parallel_loop3A_559 = arith.index_cast %parallel_loop3A_503 : i32 to index
      %parallel_loop3A_560 = arith.constant 16 : index
      %parallel_loop3A_561 = tpu.vector_load %arg13[%parallel_loop3A_558, %parallel_loop3A_559, %parallel_loop3A_560] {strides = array<i32>} : memref<2x64x128xf32, #tpu.memory_space<vmem>>, vector<16xf32>,
      %parallel_loop3A_562 = vector.broadcast %parallel_loop3A_507 : f32 to vector<16xf32>
      %parallel_loop3A_563 = arith.mulf %parallel_loop3A_556, %parallel_loop3A_562 : vector<16xf32>
      %parallel_loop3A_564 = vector.broadcast %parallel_loop3A_511 : f32 to vector<16xf32>
      %parallel_loop3A_565 = arith.mulf %parallel_loop3A_561, %parallel_loop3A_564 : vector<16xf32>
      %parallel_loop3A_566 = arith.addf %parallel_loop3A_563, %parallel_loop3A_565 : vector<16xf32>
      %parallel_loop3A_567 = arith.addf %parallel_loop3A_566, %get3A_275 : vector<16xf32>
      %parallel_loop3A_568 = arith.constant 0 : i32
      %parallel_loop3A_569 = arith.index_cast %parallel_loop3A_568 : i32 to index
      %parallel_loop3A_570 = arith.index_cast %parallel_loop3A_503 : i32 to index
      %parallel_loop3A_571 = arith.constant 16 : index
      %parallel_loop3A_572 = tpu.vector_load %arg14[%parallel_loop3A_569, %parallel_loop3A_570, %parallel_loop3A_571] {strides = array<i32>} : memref<2x64x128xf32, #tpu.memory_space<vmem>>, vector<16xf32>,
      tpu.vector_store %arg14[%parallel_loop3A_569, %parallel_loop3A_570, %parallel_loop3A_571], %parallel_loop3A_567 {strides = array<i32>} : memref<2x64x128xf32, #tpu.memory_space<vmem>>, vector<16xf32>,
      %parallel_loop3A_573 = vector.broadcast %parallel_loop3A_515 : f32 to vector<16xf32>
      %parallel_loop3A_574 = arith.mulf %parallel_loop3A_556, %parallel_loop3A_573 : vector<16xf32>
      %parallel_loop3A_575 = vector.broadcast %parallel_loop3A_519 : f32 to vector<16xf32>
      %parallel_loop3A_576 = arith.mulf %parallel_loop3A_561, %parallel_loop3A_575 : vector<16xf32>
      %parallel_loop3A_577 = arith.addf %parallel_loop3A_574, %parallel_loop3A_576 : vector<16xf32>
      %parallel_loop3A_578 = arith.addf %parallel_loop3A_577, %get3A_307 : vector<16xf32>
      %parallel_loop3A_579 = arith.constant 0 : i32
      %parallel_loop3A_580 = arith.index_cast %parallel_loop3A_579 : i32 to index
      %parallel_loop3A_581 = arith.index_cast %parallel_loop3A_503 : i32 to index
      %parallel_loop3A_582 = arith.constant 16 : index
      %parallel_loop3A_583 = tpu.vector_load %arg15[%parallel_loop3A_580, %parallel_loop3A_581, %parallel_loop3A_582] {strides = array<i32>} : memref<2x64x128xf32, #tpu.memory_space<vmem>>, vector<16xf32>,
      tpu.vector_store %arg15[%parallel_loop3A_580, %parallel_loop3A_581, %parallel_loop3A_582], %parallel_loop3A_578 {strides = array<i32>} : memref<2x64x128xf32, #tpu.memory_space<vmem>>, vector<16xf32>,
      %parallel_loop3A_584 = arith.constant 0 : i32
      %parallel_loop3A_585 = arith.index_cast %parallel_loop3A_584 : i32 to index
      %parallel_loop3A_586 = arith.index_cast %parallel_loop3A_503 : i32 to index
      %parallel_loop3A_587 = arith.constant 32 : index
      %parallel_loop3A_588 = tpu.vector_load %arg12[%parallel_loop3A_585, %parallel_loop3A_586, %parallel_loop3A_587] {strides = array<i32>} : memref<2x64x128xf32, #tpu.memory_space<vmem>>, vector<16xf32>,
      %parallel_loop3A_589 = arith.constant 0 : i32
      %parallel_loop3A_590 = arith.index_cast %parallel_loop3A_589 : i32 to index
      %parallel_loop3A_591 = arith.index_cast %parallel_loop3A_503 : i32 to index
      %parallel_loop3A_592 = arith.constant 32 : index
      %parallel_loop3A_593 = tpu.vector_load %arg13[%parallel_loop3A_590, %parallel_loop3A_591, %parallel_loop3A_592] {strides = array<i32>} : memref<2x64x128xf32, #tpu.memory_space<vmem>>, vector<16xf32>,
      %parallel_loop3A_594 = vector.broadcast %parallel_loop3A_507 : f32 to vector<16xf32>
      %parallel_loop3A_595 = arith.mulf %parallel_loop3A_588, %parallel_loop3A_594 : vector<16xf32>
      %parallel_loop3A_596 = vector.broadcast %parallel_loop3A_511 : f32 to vector<16xf32>
      %parallel_loop3A_597 = arith.mulf %parallel_loop3A_593, %parallel_loop3A_596 : vector<16xf32>
      %parallel_loop3A_598 = arith.addf %parallel_loop3A_595, %parallel_loop3A_597 : vector<16xf32>
      %parallel_loop3A_599 = arith.addf %parallel_loop3A_598, %get3A_279 : vector<16xf32>
      %parallel_loop3A_600 = arith.constant 0 : i32
      %parallel_loop3A_601 = arith.index_cast %parallel_loop3A_600 : i32 to index
      %parallel_loop3A_602 = arith.index_cast %parallel_loop3A_503 : i32 to index
      %parallel_loop3A_603 = arith.constant 32 : index
      %parallel_loop3A_604 = tpu.vector_load %arg14[%parallel_loop3A_601, %parallel_loop3A_602, %parallel_loop3A_603] {strides = array<i32>} : memref<2x64x128xf32, #tpu.memory_space<vmem>>, vector<16xf32>,
      tpu.vector_store %arg14[%parallel_loop3A_601, %parallel_loop3A_602, %parallel_loop3A_603], %parallel_loop3A_599 {strides = array<i32>} : memref<2x64x128xf32, #tpu.memory_space<vmem>>, vector<16xf32>,
      %parallel_loop3A_605 = vector.broadcast %parallel_loop3A_515 : f32 to vector<16xf32>
      %parallel_loop3A_606 = arith.mulf %parallel_loop3A_588, %parallel_loop3A_605 : vector<16xf32>
      %parallel_loop3A_607 = vector.broadcast %parallel_loop3A_519 : f32 to vector<16xf32>
      %parallel_loop3A_608 = arith.mulf %parallel_loop3A_593, %parallel_loop3A_607 : vector<16xf32>
      %parallel_loop3A_609 = arith.addf %parallel_loop3A_606, %parallel_loop3A_608 : vector<16xf32>
      %parallel_loop3A_610 = arith.addf %parallel_loop3A_609, %get3A_311 : vector<16xf32>
      %parallel_loop3A_611 = arith.constant 0 : i32
      %parallel_loop3A_612 = arith.index_cast %parallel_loop3A_611 : i32 to index
      %parallel_loop3A_613 = arith.index_cast %parallel_loop3A_503 : i32 to index
      %parallel_loop3A_614 = arith.constant 32 : index
      %parallel_loop3A_615 = tpu.vector_load %arg15[%parallel_loop3A_612, %parallel_loop3A_613, %parallel_loop3A_614] {strides = array<i32>} : memref<2x64x128xf32, #tpu.memory_space<vmem>>, vector<16xf32>,
      tpu.vector_store %arg15[%parallel_loop3A_612, %parallel_loop3A_613, %parallel_loop3A_614], %parallel_loop3A_610 {strides = array<i32>} : memref<2x64x128xf32, #tpu.memory_space<vmem>>, vector<16xf32>,
      %parallel_loop3A_616 = arith.constant 0 : i32
      %parallel_loop3A_617 = arith.index_cast %parallel_loop3A_616 : i32 to index
      %parallel_loop3A_618 = arith.index_cast %parallel_loop3A_503 : i32 to index
      %parallel_loop3A_619 = arith.constant 48 : index
      %parallel_loop3A_620 = tpu.vector_load %arg12[%parallel_loop3A_617, %parallel_loop3A_618, %parallel_loop3A_619] {strides = array<i32>} : memref<2x64x128xf32, #tpu.memory_space<vmem>>, vector<16xf32>,
      %parallel_loop3A_621 = arith.constant 0 : i32
      %parallel_loop3A_622 = arith.index_cast %parallel_loop3A_621 : i32 to index
      %parallel_loop3A_623 = arith.index_cast %parallel_loop3A_503 : i32 to index
      %parallel_loop3A_624 = arith.constant 48 : index
      %parallel_loop3A_625 = tpu.vector_load %arg13[%parallel_loop3A_622, %parallel_loop3A_623, %parallel_loop3A_624] {strides = array<i32>} : memref<2x64x128xf32, #tpu.memory_space<vmem>>, vector<16xf32>,
      %parallel_loop3A_626 = vector.broadcast %parallel_loop3A_507 : f32 to vector<16xf32>
      %parallel_loop3A_627 = arith.mulf %parallel_loop3A_620, %parallel_loop3A_626 : vector<16xf32>
      %parallel_loop3A_628 = vector.broadcast %parallel_loop3A_511 : f32 to vector<16xf32>
      %parallel_loop3A_629 = arith.mulf %parallel_loop3A_625, %parallel_loop3A_628 : vector<16xf32>
      %parallel_loop3A_630 = arith.addf %parallel_loop3A_627, %parallel_loop3A_629 : vector<16xf32>
      %parallel_loop3A_631 = arith.addf %parallel_loop3A_630, %get3A_283 : vector<16xf32>
      %parallel_loop3A_632 = arith.constant 0 : i32
      %parallel_loop3A_633 = arith.index_cast %parallel_loop3A_632 : i32 to index
      %parallel_loop3A_634 = arith.index_cast %parallel_loop3A_503 : i32 to index
      %parallel_loop3A_635 = arith.constant 48 : index
      %parallel_loop3A_636 = tpu.vector_load %arg14[%parallel_loop3A_633, %parallel_loop3A_634, %parallel_loop3A_635] {strides = array<i32>} : memref<2x64x128xf32, #tpu.memory_space<vmem>>, vector<16xf32>,
      tpu.vector_store %arg14[%parallel_loop3A_633, %parallel_loop3A_634, %parallel_loop3A_635], %parallel_loop3A_631 {strides = array<i32>} : memref<2x64x128xf32, #tpu.memory_space<vmem>>, vector<16xf32>,
      %parallel_loop3A_637 = vector.broadcast %parallel_loop3A_515 : f32 to vector<16xf32>
      %parallel_loop3A_638 = arith.mulf %parallel_loop3A_620, %parallel_loop3A_637 : vector<16xf32>
      %parallel_loop3A_639 = vector.broadcast %parallel_loop3A_519 : f32 to vector<16xf32>
      %parallel_loop3A_640 = arith.mulf %parallel_loop3A_625, %parallel_loop3A_639 : vector<16xf32>
      %parallel_loop3A_641 = arith.addf %parallel_loop3A_638, %parallel_loop3A_640 : vector<16xf32>
      %parallel_loop3A_642 = arith.addf %parallel_loop3A_641, %get3A_315 : vector<16xf32>
      %parallel_loop3A_643 = arith.constant 0 : i32
      %parallel_loop3A_644 = arith.index_cast %parallel_loop3A_643 : i32 to index
      %parallel_loop3A_645 = arith.index_cast %parallel_loop3A_503 : i32 to index
      %parallel_loop3A_646 = arith.constant 48 : index
      %parallel_loop3A_647 = tpu.vector_load %arg15[%parallel_loop3A_644, %parallel_loop3A_645, %parallel_loop3A_646] {strides = array<i32>} : memref<2x64x128xf32, #tpu.memory_space<vmem>>, vector<16xf32>,
      tpu.vector_store %arg15[%parallel_loop3A_644, %parallel_loop3A_645, %parallel_loop3A_646], %parallel_loop3A_642 {strides = array<i32>} : memref<2x64x128xf32, #tpu.memory_space<vmem>>, vector<16xf32>,
      %parallel_loop3A_648 = arith.constant 0 : i32
      %parallel_loop3A_649 = arith.index_cast %parallel_loop3A_648 : i32 to index
      %parallel_loop3A_650 = arith.index_cast %parallel_loop3A_503 : i32 to index
      %parallel_loop3A_651 = arith.constant 64 : index
      %parallel_loop3A_652 = tpu.vector_load %arg12[%parallel_loop3A_649, %parallel_loop3A_650, %parallel_loop3A_651] {strides = array<i32>} : memref<2x64x128xf32, #tpu.memory_space<vmem>>, vector<16xf32>,
      %parallel_loop3A_653 = arith.constant 0 : i32
      %parallel_loop3A_654 = arith.index_cast %parallel_loop3A_653 : i32 to index
      %parallel_loop3A_655 = arith.index_cast %parallel_loop3A_503 : i32 to index
      %parallel_loop3A_656 = arith.constant 64 : index
      %parallel_loop3A_657 = tpu.vector_load %arg13[%parallel_loop3A_654, %parallel_loop3A_655, %parallel_loop3A_656] {strides = array<i32>} : memref<2x64x128xf32, #tpu.memory_space<vmem>>, vector<16xf32>,
      %parallel_loop3A_658 = vector.broadcast %parallel_loop3A_507 : f32 to vector<16xf32>
      %parallel_loop3A_659 = arith.mulf %parallel_loop3A_652, %parallel_loop3A_658 : vector<16xf32>
      %parallel_loop3A_660 = vector.broadcast %parallel_loop3A_511 : f32 to vector<16xf32>
      %parallel_loop3A_661 = arith.mulf %parallel_loop3A_657, %parallel_loop3A_660 : vector<16xf32>
      %parallel_loop3A_662 = arith.addf %parallel_loop3A_659, %parallel_loop3A_661 : vector<16xf32>
      %parallel_loop3A_663 = arith.addf %parallel_loop3A_662, %get3A_287 : vector<16xf32>
      %parallel_loop3A_664 = arith.constant 0 : i32
      %parallel_loop3A_665 = arith.index_cast %parallel_loop3A_664 : i32 to index
      %parallel_loop3A_666 = arith.index_cast %parallel_loop3A_503 : i32 to index
      %parallel_loop3A_667 = arith.constant 64 : index
      %parallel_loop3A_668 = tpu.vector_load %arg14[%parallel_loop3A_665, %parallel_loop3A_666, %parallel_loop3A_667] {strides = array<i32>} : memref<2x64x128xf32, #tpu.memory_space<vmem>>, vector<16xf32>,
      tpu.vector_store %arg14[%parallel_loop3A_665, %parallel_loop3A_666, %parallel_loop3A_667], %parallel_loop3A_663 {strides = array<i32>} : memref<2x64x128xf32, #tpu.memory_space<vmem>>, vector<16xf32>,
      %parallel_loop3A_669 = vector.broadcast %parallel_loop3A_515 : f32 to vector<16xf32>
      %parallel_loop3A_670 = arith.mulf %parallel_loop3A_652, %parallel_loop3A_669 : vector<16xf32>
      %parallel_loop3A_671 = vector.broadcast %parallel_loop3A_519 : f32 to vector<16xf32>
      %parallel_loop3A_672 = arith.mulf %parallel_loop3A_657, %parallel_loop3A_671 : vector<16xf32>
      %parallel_loop3A_673 = arith.addf %parallel_loop3A_670, %parallel_loop3A_672 : vector<16xf32>
      %parallel_loop3A_674 = arith.addf %parallel_loop3A_673, %get3A_319 : vector<16xf32>
      %parallel_loop3A_675 = arith.constant 0 : i32
      %parallel_loop3A_676 = arith.index_cast %parallel_loop3A_675 : i32 to index
      %parallel_loop3A_677 = arith.index_cast %parallel_loop3A_503 : i32 to index
      %parallel_loop3A_678 = arith.constant 64 : index
      %parallel_loop3A_679 = tpu.vector_load %arg15[%parallel_loop3A_676, %parallel_loop3A_677, %parallel_loop3A_678] {strides = array<i32>} : memref<2x64x128xf32, #tpu.memory_space<vmem>>, vector<16xf32>,
      tpu.vector_store %arg15[%parallel_loop3A_676, %parallel_loop3A_677, %parallel_loop3A_678], %parallel_loop3A_674 {strides = array<i32>} : memref<2x64x128xf32, #tpu.memory_space<vmem>>, vector<16xf32>,
      %parallel_loop3A_680 = arith.constant 0 : i32
      %parallel_loop3A_681 = arith.index_cast %parallel_loop3A_680 : i32 to index
      %parallel_loop3A_682 = arith.index_cast %parallel_loop3A_503 : i32 to index
      %parallel_loop3A_683 = arith.constant 80 : index
      %parallel_loop3A_684 = tpu.vector_load %arg12[%parallel_loop3A_681, %parallel_loop3A_682, %parallel_loop3A_683] {strides = array<i32>} : memref<2x64x128xf32, #tpu.memory_space<vmem>>, vector<16xf32>,
      %parallel_loop3A_685 = arith.constant 0 : i32
      %parallel_loop3A_686 = arith.index_cast %parallel_loop3A_685 : i32 to index
      %parallel_loop3A_687 = arith.index_cast %parallel_loop3A_503 : i32 to index
      %parallel_loop3A_688 = arith.constant 80 : index
      %parallel_loop3A_689 = tpu.vector_load %arg13[%parallel_loop3A_686, %parallel_loop3A_687, %parallel_loop3A_688] {strides = array<i32>} : memref<2x64x128xf32, #tpu.memory_space<vmem>>, vector<16xf32>,
      %parallel_loop3A_690 = vector.broadcast %parallel_loop3A_507 : f32 to vector<16xf32>
      %parallel_loop3A_691 = arith.mulf %parallel_loop3A_684, %parallel_loop3A_690 : vector<16xf32>
      %parallel_loop3A_692 = vector.broadcast %parallel_loop3A_511 : f32 to vector<16xf32>
      %parallel_loop3A_693 = arith.mulf %parallel_loop3A_689, %parallel_loop3A_692 : vector<16xf32>
      %parallel_loop3A_694 = arith.addf %parallel_loop3A_691, %parallel_loop3A_693 : vector<16xf32>
      %parallel_loop3A_695 = arith.addf %parallel_loop3A_694, %get3A_291 : vector<16xf32>
      %parallel_loop3A_696 = arith.constant 0 : i32
      %parallel_loop3A_697 = arith.index_cast %parallel_loop3A_696 : i32 to index
      %parallel_loop3A_698 = arith.index_cast %parallel_loop3A_503 : i32 to index
      %parallel_loop3A_699 = arith.constant 80 : index
      %parallel_loop3A_700 = tpu.vector_load %arg14[%parallel_loop3A_697, %parallel_loop3A_698, %parallel_loop3A_699] {strides = array<i32>} : memref<2x64x128xf32, #tpu.memory_space<vmem>>, vector<16xf32>,
      tpu.vector_store %arg14[%parallel_loop3A_697, %parallel_loop3A_698, %parallel_loop3A_699], %parallel_loop3A_695 {strides = array<i32>} : memref<2x64x128xf32, #tpu.memory_space<vmem>>, vector<16xf32>,
      %parallel_loop3A_701 = vector.broadcast %parallel_loop3A_515 : f32 to vector<16xf32>
      %parallel_loop3A_702 = arith.mulf %parallel_loop3A_684, %parallel_loop3A_701 : vector<16xf32>
      %parallel_loop3A_703 = vector.broadcast %parallel_loop3A_519 : f32 to vector<16xf32>
      %parallel_loop3A_704 = arith.mulf %parallel_loop3A_689, %parallel_loop3A_703 : vector<16xf32>
      %parallel_loop3A_705 = arith.addf %parallel_loop3A_702, %parallel_loop3A_704 : vector<16xf32>
      %parallel_loop3A_706 = arith.addf %parallel_loop3A_705, %get3A_323 : vector<16xf32>
      %parallel_loop3A_707 = arith.constant 0 : i32
      %parallel_loop3A_708 = arith.index_cast %parallel_loop3A_707 : i32 to index
      %parallel_loop3A_709 = arith.index_cast %parallel_loop3A_503 : i32 to index
      %parallel_loop3A_710 = arith.constant 80 : index
      %parallel_loop3A_711 = tpu.vector_load %arg15[%parallel_loop3A_708, %parallel_loop3A_709, %parallel_loop3A_710] {strides = array<i32>} : memref<2x64x128xf32, #tpu.memory_space<vmem>>, vector<16xf32>,
      tpu.vector_store %arg15[%parallel_loop3A_708, %parallel_loop3A_709, %parallel_loop3A_710], %parallel_loop3A_706 {strides = array<i32>} : memref<2x64x128xf32, #tpu.memory_space<vmem>>, vector<16xf32>,
      %parallel_loop3A_712 = arith.constant 0 : i32
      %parallel_loop3A_713 = arith.index_cast %parallel_loop3A_712 : i32 to index
      %parallel_loop3A_714 = arith.index_cast %parallel_loop3A_503 : i32 to index
      %parallel_loop3A_715 = arith.constant 96 : index
      %parallel_loop3A_716 = tpu.vector_load %arg12[%parallel_loop3A_713, %parallel_loop3A_714, %parallel_loop3A_715] {strides = array<i32>} : memref<2x64x128xf32, #tpu.memory_space<vmem>>, vector<16xf32>,
      %parallel_loop3A_717 = arith.constant 0 : i32
      %parallel_loop3A_718 = arith.index_cast %parallel_loop3A_717 : i32 to index
      %parallel_loop3A_719 = arith.index_cast %parallel_loop3A_503 : i32 to index
      %parallel_loop3A_720 = arith.constant 96 : index
      %parallel_loop3A_721 = tpu.vector_load %arg13[%parallel_loop3A_718, %parallel_loop3A_719, %parallel_loop3A_720] {strides = array<i32>} : memref<2x64x128xf32, #tpu.memory_space<vmem>>, vector<16xf32>,
      %parallel_loop3A_722 = vector.broadcast %parallel_loop3A_507 : f32 to vector<16xf32>
      %parallel_loop3A_723 = arith.mulf %parallel_loop3A_716, %parallel_loop3A_722 : vector<16xf32>
      %parallel_loop3A_724 = vector.broadcast %parallel_loop3A_511 : f32 to vector<16xf32>
      %parallel_loop3A_725 = arith.mulf %parallel_loop3A_721, %parallel_loop3A_724 : vector<16xf32>
      %parallel_loop3A_726 = arith.addf %parallel_loop3A_723, %parallel_loop3A_725 : vector<16xf32>
      %parallel_loop3A_727 = arith.addf %parallel_loop3A_726, %get3A_295 : vector<16xf32>
      %parallel_loop3A_728 = arith.constant 0 : i32
      %parallel_loop3A_729 = arith.index_cast %parallel_loop3A_728 : i32 to index
      %parallel_loop3A_730 = arith.index_cast %parallel_loop3A_503 : i32 to index
      %parallel_loop3A_731 = arith.constant 96 : index
      %parallel_loop3A_732 = tpu.vector_load %arg14[%parallel_loop3A_729, %parallel_loop3A_730, %parallel_loop3A_731] {strides = array<i32>} : memref<2x64x128xf32, #tpu.memory_space<vmem>>, vector<16xf32>,
      tpu.vector_store %arg14[%parallel_loop3A_729, %parallel_loop3A_730, %parallel_loop3A_731], %parallel_loop3A_727 {strides = array<i32>} : memref<2x64x128xf32, #tpu.memory_space<vmem>>, vector<16xf32>,
      %parallel_loop3A_733 = vector.broadcast %parallel_loop3A_515 : f32 to vector<16xf32>
      %parallel_loop3A_734 = arith.mulf %parallel_loop3A_716, %parallel_loop3A_733 : vector<16xf32>
      %parallel_loop3A_735 = vector.broadcast %parallel_loop3A_519 : f32 to vector<16xf32>
      %parallel_loop3A_736 = arith.mulf %parallel_loop3A_721, %parallel_loop3A_735 : vector<16xf32>
      %parallel_loop3A_737 = arith.addf %parallel_loop3A_734, %parallel_loop3A_736 : vector<16xf32>
      %parallel_loop3A_738 = arith.addf %parallel_loop3A_737, %get3A_327 : vector<16xf32>
      %parallel_loop3A_739 = arith.constant 0 : i32
      %parallel_loop3A_740 = arith.index_cast %parallel_loop3A_739 : i32 to index
      %parallel_loop3A_741 = arith.index_cast %parallel_loop3A_503 : i32 to index
      %parallel_loop3A_742 = arith.constant 96 : index
      %parallel_loop3A_743 = tpu.vector_load %arg15[%parallel_loop3A_740, %parallel_loop3A_741, %parallel_loop3A_742] {strides = array<i32>} : memref<2x64x128xf32, #tpu.memory_space<vmem>>, vector<16xf32>,
      tpu.vector_store %arg15[%parallel_loop3A_740, %parallel_loop3A_741, %parallel_loop3A_742], %parallel_loop3A_738 {strides = array<i32>} : memref<2x64x128xf32, #tpu.memory_space<vmem>>, vector<16xf32>,
      %parallel_loop3A_744 = arith.constant 0 : i32
      %parallel_loop3A_745 = arith.index_cast %parallel_loop3A_744 : i32 to index
      %parallel_loop3A_746 = arith.index_cast %parallel_loop3A_503 : i32 to index
      %parallel_loop3A_747 = arith.constant 112 : index
      %parallel_loop3A_748 = tpu.vector_load %arg12[%parallel_loop3A_745, %parallel_loop3A_746, %parallel_loop3A_747] {strides = array<i32>} : memref<2x64x128xf32, #tpu.memory_space<vmem>>, vector<16xf32>,
      %parallel_loop3A_749 = arith.constant 0 : i32
      %parallel_loop3A_750 = arith.index_cast %parallel_loop3A_749 : i32 to index
      %parallel_loop3A_751 = arith.index_cast %parallel_loop3A_503 : i32 to index
      %parallel_loop3A_752 = arith.constant 112 : index
      %parallel_loop3A_753 = tpu.vector_load %arg13[%parallel_loop3A_750, %parallel_loop3A_751, %parallel_loop3A_752] {strides = array<i32>} : memref<2x64x128xf32, #tpu.memory_space<vmem>>, vector<16xf32>,
      %parallel_loop3A_754 = vector.broadcast %parallel_loop3A_507 : f32 to vector<16xf32>
      %parallel_loop3A_755 = arith.mulf %parallel_loop3A_748, %parallel_loop3A_754 : vector<16xf32>
      %parallel_loop3A_756 = vector.broadcast %parallel_loop3A_511 : f32 to vector<16xf32>
      %parallel_loop3A_757 = arith.mulf %parallel_loop3A_753, %parallel_loop3A_756 : vector<16xf32>
      %parallel_loop3A_758 = arith.addf %parallel_loop3A_755, %parallel_loop3A_757 : vector<16xf32>
      %parallel_loop3A_759 = arith.addf %parallel_loop3A_758, %get3A_299 : vector<16xf32>
      %parallel_loop3A_760 = arith.constant 0 : i32
      %parallel_loop3A_761 = arith.index_cast %parallel_loop3A_760 : i32 to index
      %parallel_loop3A_762 = arith.index_cast %parallel_loop3A_503 : i32 to index
      %parallel_loop3A_763 = arith.constant 112 : index
      %parallel_loop3A_764 = tpu.vector_load %arg14[%parallel_loop3A_761, %parallel_loop3A_762, %parallel_loop3A_763] {strides = array<i32>} : memref<2x64x128xf32, #tpu.memory_space<vmem>>, vector<16xf32>,
      tpu.vector_store %arg14[%parallel_loop3A_761, %parallel_loop3A_762, %parallel_loop3A_763], %parallel_loop3A_759 {strides = array<i32>} : memref<2x64x128xf32, #tpu.memory_space<vmem>>, vector<16xf32>,
      %parallel_loop3A_765 = vector.broadcast %parallel_loop3A_515 : f32 to vector<16xf32>
      %parallel_loop3A_766 = arith.mulf %parallel_loop3A_748, %parallel_loop3A_765 : vector<16xf32>
      %parallel_loop3A_767 = vector.broadcast %parallel_loop3A_519 : f32 to vector<16xf32>
      %parallel_loop3A_768 = arith.mulf %parallel_loop3A_753, %parallel_loop3A_767 : vector<16xf32>
      %parallel_loop3A_769 = arith.addf %parallel_loop3A_766, %parallel_loop3A_768 : vector<16xf32>
      %parallel_loop3A_770 = arith.addf %parallel_loop3A_769, %get3A_331 : vector<16xf32>
      %parallel_loop3A_771 = arith.constant 0 : i32
      %parallel_loop3A_772 = arith.index_cast %parallel_loop3A_771 : i32 to index
      %parallel_loop3A_773 = arith.index_cast %parallel_loop3A_503 : i32 to index
      %parallel_loop3A_774 = arith.constant 112 : index
      %parallel_loop3A_775 = tpu.vector_load %arg15[%parallel_loop3A_772, %parallel_loop3A_773, %parallel_loop3A_774] {strides = array<i32>} : memref<2x64x128xf32, #tpu.memory_space<vmem>>, vector<16xf32>,
      tpu.vector_store %arg15[%parallel_loop3A_772, %parallel_loop3A_773, %parallel_loop3A_774], %parallel_loop3A_770 {strides = array<i32>} : memref<2x64x128xf32, #tpu.memory_space<vmem>>, vector<16xf32>,
    } {sc.loop_unroll_factor = 1 : i64, sc.parallel_access}
    %add3A_363 = arith.constant 0 : i32
    %add3A_364 = arith.addi %mul3A_2, %add3A_363 : i32
    %dma_start3A_365 = arith.constant 0 : i32
    %dma_start3A_366 = arith.constant 0 : i32
    %dma_start3A_367 = arith.constant 0 : i32
    %dma_start3A_368 = tpu.memref_slice %arg14[%dma_start3A_365, %dma_start3A_366, %dma_start3A_367] : memref<2x64x128xf32, #tpu.memory_space<vmem>> -> memref<1x64x128xf32, #tpu.memory_space<vmem>>
    %dma_start3A_369 = tpu.memref_squeeze %dma_start3A_368 : memref<1x64x128xf32, #tpu.memory_space<vmem>> -> memref<64x128xf32, #tpu.memory_space<vmem>>
    %dma_start3A_370 = arith.constant 0 : i32
    %dma_start3A_371 = tpu.memref_slice %arg10[%add3A_364, %dma_start3A_370] : memref<4096x128xf32, #tpu.memory_space<hbm>> -> memref<64x128xf32, #tpu.memory_space<hbm>>
    %dma_start3A_372 = arith.constant 0 : i32
    %dma_start3A_373 = tpu.memref_slice %arg10[%add3A_364, %dma_start3A_372] : memref<4096x128xf32, #tpu.memory_space<hbm>> -> memref<64x128xf32, #tpu.memory_space<hbm>>
    %dma_start3A_374 = arith.constant 0 : i32
    %dma_start3A_375 = arith.constant 0 : i32
    %dma_start3A_376 = tpu.memref_slice %arg14[%dma_start3A_365, %dma_start3A_374, %dma_start3A_375] : memref<2x64x128xf32, #tpu.memory_space<vmem>> -> memref<1x64x128xf32, #tpu.memory_space<vmem>>
    %dma_start3A_377 = tpu.memref_squeeze %dma_start3A_376 : memref<1x64x128xf32, #tpu.memory_space<vmem>> -> memref<64x128xf32, #tpu.memory_space<vmem>>
    tpu.enqueue_dma source(%dma_start3A_377 : memref<64x128xf32, #tpu.memory_space<vmem>>) target(%dma_start3A_373 : memref<64x128xf32, #tpu.memory_space<hbm>>) target_semaphore(%arg21 : memref<!tpu.dma_semaphore, #tpu.memory_space<semaphore_mem>>)
    %dma_start3A_378 = arith.constant 0 : i32
    %dma_start3A_379 = arith.constant 0 : i32
    %dma_start3A_380 = arith.constant 0 : i32
    %dma_start3A_381 = tpu.memref_slice %arg15[%dma_start3A_378, %dma_start3A_379, %dma_start3A_380] : memref<2x64x128xf32, #tpu.memory_space<vmem>> -> memref<1x64x128xf32, #tpu.memory_space<vmem>>
    %dma_start3A_382 = tpu.memref_squeeze %dma_start3A_381 : memref<1x64x128xf32, #tpu.memory_space<vmem>> -> memref<64x128xf32, #tpu.memory_space<vmem>>
    %dma_start3A_383 = arith.constant 0 : i32
    %dma_start3A_384 = tpu.memref_slice %arg11[%add3A_364, %dma_start3A_383] : memref<4096x128xf32, #tpu.memory_space<hbm>> -> memref<64x128xf32, #tpu.memory_space<hbm>>
    %dma_start3A_385 = arith.constant 0 : i32
    %dma_start3A_386 = tpu.memref_slice %arg11[%add3A_364, %dma_start3A_385] : memref<4096x128xf32, #tpu.memory_space<hbm>> -> memref<64x128xf32, #tpu.memory_space<hbm>>
    %dma_start3A_387 = arith.constant 0 : i32
    %dma_start3A_388 = arith.constant 0 : i32
    %dma_start3A_389 = tpu.memref_slice %arg15[%dma_start3A_378, %dma_start3A_387, %dma_start3A_388] : memref<2x64x128xf32, #tpu.memory_space<vmem>> -> memref<1x64x128xf32, #tpu.memory_space<vmem>>
    %dma_start3A_390 = tpu.memref_squeeze %dma_start3A_389 : memref<1x64x128xf32, #tpu.memory_space<vmem>> -> memref<64x128xf32, #tpu.memory_space<vmem>>
    tpu.enqueue_dma source(%dma_start3A_390 : memref<64x128xf32, #tpu.memory_space<vmem>>) target(%dma_start3A_386 : memref<64x128xf32, #tpu.memory_space<hbm>>) target_semaphore(%arg21 : memref<!tpu.dma_semaphore, #tpu.memory_space<semaphore_mem>>)
    %dma_wait3A_391 = arith.constant 1 : i32
    %dma_wait3A_392 = arith.constant 0 : i32
    %dma_wait3A_393 = arith.constant 0 : i32
    %dma_wait3A_394 = tpu.memref_slice %arg12[%dma_wait3A_391, %dma_wait3A_392, %dma_wait3A_393] : memref<2x64x128xf32, #tpu.memory_space<vmem>> -> memref<1x64x128xf32, #tpu.memory_space<vmem>>
    %dma_wait3A_395 = tpu.memref_squeeze %dma_wait3A_394 : memref<1x64x128xf32, #tpu.memory_space<vmem>> -> memref<64x128xf32, #tpu.memory_space<vmem>>
    %dma_wait3A_396 = arith.constant 0 : i32
    %dma_wait3A_397 = tpu.memref_slice %arg2[%add3A_73, %dma_wait3A_396] : memref<4096x128xf32, #tpu.memory_space<hbm>> -> memref<64x128xf32, #tpu.memory_space<hbm>>
    %dma_wait3A_398 = arith.constant 0 : i32
    %dma_wait3A_399 = arith.constant 0 : i32
    %dma_wait3A_400 = tpu.memref_slice %arg12[%dma_wait3A_391, %dma_wait3A_398, %dma_wait3A_399] : memref<2x64x128xf32, #tpu.memory_space<vmem>> -> memref<1x64x128xf32, #tpu.memory_space<vmem>>
    %dma_wait3A_401 = tpu.memref_squeeze %dma_wait3A_400 : memref<1x64x128xf32, #tpu.memory_space<vmem>> -> memref<64x128xf32, #tpu.memory_space<vmem>>
    %dma_wait3A_402 = arith.constant 0 : i32
    %dma_wait3A_403 = tpu.memref_slice %arg2[%add3A_73, %dma_wait3A_402] : memref<4096x128xf32, #tpu.memory_space<hbm>> -> memref<64x128xf32, #tpu.memory_space<hbm>>
    tpu.wait_dma2 semaphore(%arg20 : memref<!tpu.dma_semaphore, #tpu.memory_space<semaphore_mem>>) src(%dma_wait3A_403 : memref<64x128xf32, #tpu.memory_space<hbm>>) dst(%dma_wait3A_401 : memref<64x128xf32, #tpu.memory_space<vmem>>)
    %dma_wait3A_404 = arith.constant 1 : i32
    %dma_wait3A_405 = arith.constant 0 : i32
    %dma_wait3A_406 = arith.constant 0 : i32
    %dma_wait3A_407 = tpu.memref_slice %arg13[%dma_wait3A_404, %dma_wait3A_405, %dma_wait3A_406] : memref<2x64x128xf32, #tpu.memory_space<vmem>> -> memref<1x64x128xf32, #tpu.memory_space<vmem>>
    %dma_wait3A_408 = tpu.memref_squeeze %dma_wait3A_407 : memref<1x64x128xf32, #tpu.memory_space<vmem>> -> memref<64x128xf32, #tpu.memory_space<vmem>>
    %dma_wait3A_409 = arith.constant 0 : i32
    %dma_wait3A_410 = tpu.memref_slice %arg3[%add3A_73, %dma_wait3A_409] : memref<4096x128xf32, #tpu.memory_space<hbm>> -> memref<64x128xf32, #tpu.memory_space<hbm>>
    %dma_wait3A_411 = arith.constant 0 : i32
    %dma_wait3A_412 = arith.constant 0 : i32
    %dma_wait3A_413 = tpu.memref_slice %arg13[%dma_wait3A_404, %dma_wait3A_411, %dma_wait3A_412] : memref<2x64x128xf32, #tpu.memory_space<vmem>> -> memref<1x64x128xf32, #tpu.memory_space<vmem>>
    %dma_wait3A_414 = tpu.memref_squeeze %dma_wait3A_413 : memref<1x64x128xf32, #tpu.memory_space<vmem>> -> memref<64x128xf32, #tpu.memory_space<vmem>>
    %dma_wait3A_415 = arith.constant 0 : i32
    %dma_wait3A_416 = tpu.memref_slice %arg3[%add3A_73, %dma_wait3A_415] : memref<4096x128xf32, #tpu.memory_space<hbm>> -> memref<64x128xf32, #tpu.memory_space<hbm>>
    tpu.wait_dma2 semaphore(%arg20 : memref<!tpu.dma_semaphore, #tpu.memory_space<semaphore_mem>>) src(%dma_wait3A_416 : memref<64x128xf32, #tpu.memory_space<hbm>>) dst(%dma_wait3A_414 : memref<64x128xf32, #tpu.memory_space<vmem>>)
    %parallel_loop3A_417 = arith.constant 0 : i32
    %parallel_loop3A_418 = arith.constant 64 : i32
    %parallel_loop3A_419 = arith.constant 1 : i32
    scf.for %parallel_loop3A_503 = %parallel_loop3A_417 to %parallel_loop3A_418 step %parallel_loop3A_419  : i32 {
      %parallel_loop3A_504 = arith.constant 0.000000e+00 : f32
      %parallel_loop3A_505 = vector.broadcast %parallel_loop3A_504 : f32 to vector<16xf32>
      %parallel_loop3A_506 = arith.constant 0.000000e+00 : f32
      %parallel_loop3A_507 = vector.broadcast %parallel_loop3A_506 : f32 to vector<16xf32>
      %parallel_loop3A_508 = arith.constant 0.000000e+00 : f32
      %parallel_loop3A_509 = vector.broadcast %parallel_loop3A_508 : f32 to vector<16xf32>
      %parallel_loop3A_510 = arith.constant 0.000000e+00 : f32
      %parallel_loop3A_511 = vector.broadcast %parallel_loop3A_510 : f32 to vector<16xf32>
      %parallel_loop3A_512 = arith.constant 1 : i32
      %parallel_loop3A_513 = arith.index_cast %parallel_loop3A_512 : i32 to index
      %parallel_loop3A_514 = arith.index_cast %parallel_loop3A_503 : i32 to index
      %parallel_loop3A_515 = arith.constant 0 : index
      %parallel_loop3A_516 = tpu.vector_load %arg12[%parallel_loop3A_513, %parallel_loop3A_514, %parallel_loop3A_515] {strides = array<i32>} : memref<2x64x128xf32, #tpu.memory_space<vmem>>, vector<16xf32>,
      %parallel_loop3A_517 = arith.constant 1 : i32
      %parallel_loop3A_518 = arith.index_cast %parallel_loop3A_517 : i32 to index
      %parallel_loop3A_519 = arith.index_cast %parallel_loop3A_503 : i32 to index
      %parallel_loop3A_520 = arith.constant 0 : index
      %parallel_loop3A_521 = tpu.vector_load %arg13[%parallel_loop3A_518, %parallel_loop3A_519, %parallel_loop3A_520] {strides = array<i32>} : memref<2x64x128xf32, #tpu.memory_space<vmem>>, vector<16xf32>,
      %parallel_loop3A_522 = arith.mulf %parallel_loop3A_521, %get3A_143 : vector<16xf32>
      %parallel_loop3A_523 = arith.addf %parallel_loop3A_505, %parallel_loop3A_522 : vector<16xf32>
      %parallel_loop3A_524 = arith.mulf %parallel_loop3A_516, %get3A_175 : vector<16xf32>
      %parallel_loop3A_525 = arith.addf %parallel_loop3A_507, %parallel_loop3A_524 : vector<16xf32>
      %parallel_loop3A_526 = arith.mulf %parallel_loop3A_521, %get3A_207 : vector<16xf32>
      %parallel_loop3A_527 = arith.addf %parallel_loop3A_509, %parallel_loop3A_526 : vector<16xf32>
      %parallel_loop3A_528 = arith.mulf %parallel_loop3A_516, %get3A_239 : vector<16xf32>
      %parallel_loop3A_529 = arith.addf %parallel_loop3A_511, %parallel_loop3A_528 : vector<16xf32>
      %parallel_loop3A_530 = arith.constant 1 : i32
      %parallel_loop3A_531 = arith.index_cast %parallel_loop3A_530 : i32 to index
      %parallel_loop3A_532 = arith.index_cast %parallel_loop3A_503 : i32 to index
      %parallel_loop3A_533 = arith.constant 16 : index
      %parallel_loop3A_534 = tpu.vector_load %arg12[%parallel_loop3A_531, %parallel_loop3A_532, %parallel_loop3A_533] {strides = array<i32>} : memref<2x64x128xf32, #tpu.memory_space<vmem>>, vector<16xf32>,
      %parallel_loop3A_535 = arith.constant 1 : i32
      %parallel_loop3A_536 = arith.index_cast %parallel_loop3A_535 : i32 to index
      %parallel_loop3A_537 = arith.index_cast %parallel_loop3A_503 : i32 to index
      %parallel_loop3A_538 = arith.constant 16 : index
      %parallel_loop3A_539 = tpu.vector_load %arg13[%parallel_loop3A_536, %parallel_loop3A_537, %parallel_loop3A_538] {strides = array<i32>} : memref<2x64x128xf32, #tpu.memory_space<vmem>>, vector<16xf32>,
      %parallel_loop3A_540 = arith.mulf %parallel_loop3A_539, %get3A_147 : vector<16xf32>
      %parallel_loop3A_541 = arith.addf %parallel_loop3A_523, %parallel_loop3A_540 : vector<16xf32>
      %parallel_loop3A_542 = arith.mulf %parallel_loop3A_534, %get3A_179 : vector<16xf32>
      %parallel_loop3A_543 = arith.addf %parallel_loop3A_525, %parallel_loop3A_542 : vector<16xf32>
      %parallel_loop3A_544 = arith.mulf %parallel_loop3A_539, %get3A_211 : vector<16xf32>
      %parallel_loop3A_545 = arith.addf %parallel_loop3A_527, %parallel_loop3A_544 : vector<16xf32>
      %parallel_loop3A_546 = arith.mulf %parallel_loop3A_534, %get3A_243 : vector<16xf32>
      %parallel_loop3A_547 = arith.addf %parallel_loop3A_529, %parallel_loop3A_546 : vector<16xf32>
      %parallel_loop3A_548 = arith.constant 1 : i32
      %parallel_loop3A_549 = arith.index_cast %parallel_loop3A_548 : i32 to index
      %parallel_loop3A_550 = arith.index_cast %parallel_loop3A_503 : i32 to index
      %parallel_loop3A_551 = arith.constant 32 : index
      %parallel_loop3A_552 = tpu.vector_load %arg12[%parallel_loop3A_549, %parallel_loop3A_550, %parallel_loop3A_551] {strides = array<i32>} : memref<2x64x128xf32, #tpu.memory_space<vmem>>, vector<16xf32>,
      %parallel_loop3A_553 = arith.constant 1 : i32
      %parallel_loop3A_554 = arith.index_cast %parallel_loop3A_553 : i32 to index
      %parallel_loop3A_555 = arith.index_cast %parallel_loop3A_503 : i32 to index
      %parallel_loop3A_556 = arith.constant 32 : index
      %parallel_loop3A_557 = tpu.vector_load %arg13[%parallel_loop3A_554, %parallel_loop3A_555, %parallel_loop3A_556] {strides = array<i32>} : memref<2x64x128xf32, #tpu.memory_space<vmem>>, vector<16xf32>,
      %parallel_loop3A_558 = arith.mulf %parallel_loop3A_557, %get3A_151 : vector<16xf32>
      %parallel_loop3A_559 = arith.addf %parallel_loop3A_541, %parallel_loop3A_558 : vector<16xf32>
      %parallel_loop3A_560 = arith.mulf %parallel_loop3A_552, %get3A_183 : vector<16xf32>
      %parallel_loop3A_561 = arith.addf %parallel_loop3A_543, %parallel_loop3A_560 : vector<16xf32>
      %parallel_loop3A_562 = arith.mulf %parallel_loop3A_557, %get3A_215 : vector<16xf32>
      %parallel_loop3A_563 = arith.addf %parallel_loop3A_545, %parallel_loop3A_562 : vector<16xf32>
      %parallel_loop3A_564 = arith.mulf %parallel_loop3A_552, %get3A_247 : vector<16xf32>
      %parallel_loop3A_565 = arith.addf %parallel_loop3A_547, %parallel_loop3A_564 : vector<16xf32>
      %parallel_loop3A_566 = arith.constant 1 : i32
      %parallel_loop3A_567 = arith.index_cast %parallel_loop3A_566 : i32 to index
      %parallel_loop3A_568 = arith.index_cast %parallel_loop3A_503 : i32 to index
      %parallel_loop3A_569 = arith.constant 48 : index
      %parallel_loop3A_570 = tpu.vector_load %arg12[%parallel_loop3A_567, %parallel_loop3A_568, %parallel_loop3A_569] {strides = array<i32>} : memref<2x64x128xf32, #tpu.memory_space<vmem>>, vector<16xf32>,
      %parallel_loop3A_571 = arith.constant 1 : i32
      %parallel_loop3A_572 = arith.index_cast %parallel_loop3A_571 : i32 to index
      %parallel_loop3A_573 = arith.index_cast %parallel_loop3A_503 : i32 to index
      %parallel_loop3A_574 = arith.constant 48 : index
      %parallel_loop3A_575 = tpu.vector_load %arg13[%parallel_loop3A_572, %parallel_loop3A_573, %parallel_loop3A_574] {strides = array<i32>} : memref<2x64x128xf32, #tpu.memory_space<vmem>>, vector<16xf32>,
      %parallel_loop3A_576 = arith.mulf %parallel_loop3A_575, %get3A_155 : vector<16xf32>
      %parallel_loop3A_577 = arith.addf %parallel_loop3A_559, %parallel_loop3A_576 : vector<16xf32>
      %parallel_loop3A_578 = arith.mulf %parallel_loop3A_570, %get3A_187 : vector<16xf32>
      %parallel_loop3A_579 = arith.addf %parallel_loop3A_561, %parallel_loop3A_578 : vector<16xf32>
      %parallel_loop3A_580 = arith.mulf %parallel_loop3A_575, %get3A_219 : vector<16xf32>
      %parallel_loop3A_581 = arith.addf %parallel_loop3A_563, %parallel_loop3A_580 : vector<16xf32>
      %parallel_loop3A_582 = arith.mulf %parallel_loop3A_570, %get3A_251 : vector<16xf32>
      %parallel_loop3A_583 = arith.addf %parallel_loop3A_565, %parallel_loop3A_582 : vector<16xf32>
      %parallel_loop3A_584 = arith.constant 1 : i32
      %parallel_loop3A_585 = arith.index_cast %parallel_loop3A_584 : i32 to index
      %parallel_loop3A_586 = arith.index_cast %parallel_loop3A_503 : i32 to index
      %parallel_loop3A_587 = arith.constant 64 : index
      %parallel_loop3A_588 = tpu.vector_load %arg12[%parallel_loop3A_585, %parallel_loop3A_586, %parallel_loop3A_587] {strides = array<i32>} : memref<2x64x128xf32, #tpu.memory_space<vmem>>, vector<16xf32>,
      %parallel_loop3A_589 = arith.constant 1 : i32
      %parallel_loop3A_590 = arith.index_cast %parallel_loop3A_589 : i32 to index
      %parallel_loop3A_591 = arith.index_cast %parallel_loop3A_503 : i32 to index
      %parallel_loop3A_592 = arith.constant 64 : index
      %parallel_loop3A_593 = tpu.vector_load %arg13[%parallel_loop3A_590, %parallel_loop3A_591, %parallel_loop3A_592] {strides = array<i32>} : memref<2x64x128xf32, #tpu.memory_space<vmem>>, vector<16xf32>,
      %parallel_loop3A_594 = arith.mulf %parallel_loop3A_593, %get3A_159 : vector<16xf32>
      %parallel_loop3A_595 = arith.addf %parallel_loop3A_577, %parallel_loop3A_594 : vector<16xf32>
      %parallel_loop3A_596 = arith.mulf %parallel_loop3A_588, %get3A_191 : vector<16xf32>
      %parallel_loop3A_597 = arith.addf %parallel_loop3A_579, %parallel_loop3A_596 : vector<16xf32>
      %parallel_loop3A_598 = arith.mulf %parallel_loop3A_593, %get3A_223 : vector<16xf32>
      %parallel_loop3A_599 = arith.addf %parallel_loop3A_581, %parallel_loop3A_598 : vector<16xf32>
      %parallel_loop3A_600 = arith.mulf %parallel_loop3A_588, %get3A_255 : vector<16xf32>
      %parallel_loop3A_601 = arith.addf %parallel_loop3A_583, %parallel_loop3A_600 : vector<16xf32>
      %parallel_loop3A_602 = arith.constant 1 : i32
      %parallel_loop3A_603 = arith.index_cast %parallel_loop3A_602 : i32 to index
      %parallel_loop3A_604 = arith.index_cast %parallel_loop3A_503 : i32 to index
      %parallel_loop3A_605 = arith.constant 80 : index
      %parallel_loop3A_606 = tpu.vector_load %arg12[%parallel_loop3A_603, %parallel_loop3A_604, %parallel_loop3A_605] {strides = array<i32>} : memref<2x64x128xf32, #tpu.memory_space<vmem>>, vector<16xf32>,
      %parallel_loop3A_607 = arith.constant 1 : i32
      %parallel_loop3A_608 = arith.index_cast %parallel_loop3A_607 : i32 to index
      %parallel_loop3A_609 = arith.index_cast %parallel_loop3A_503 : i32 to index
      %parallel_loop3A_610 = arith.constant 80 : index
      %parallel_loop3A_611 = tpu.vector_load %arg13[%parallel_loop3A_608, %parallel_loop3A_609, %parallel_loop3A_610] {strides = array<i32>} : memref<2x64x128xf32, #tpu.memory_space<vmem>>, vector<16xf32>,
      %parallel_loop3A_612 = arith.mulf %parallel_loop3A_611, %get3A_163 : vector<16xf32>
      %parallel_loop3A_613 = arith.addf %parallel_loop3A_595, %parallel_loop3A_612 : vector<16xf32>
      %parallel_loop3A_614 = arith.mulf %parallel_loop3A_606, %get3A_195 : vector<16xf32>
      %parallel_loop3A_615 = arith.addf %parallel_loop3A_597, %parallel_loop3A_614 : vector<16xf32>
      %parallel_loop3A_616 = arith.mulf %parallel_loop3A_611, %get3A_227 : vector<16xf32>
      %parallel_loop3A_617 = arith.addf %parallel_loop3A_599, %parallel_loop3A_616 : vector<16xf32>
      %parallel_loop3A_618 = arith.mulf %parallel_loop3A_606, %get3A_259 : vector<16xf32>
      %parallel_loop3A_619 = arith.addf %parallel_loop3A_601, %parallel_loop3A_618 : vector<16xf32>
      %parallel_loop3A_620 = arith.constant 1 : i32
      %parallel_loop3A_621 = arith.index_cast %parallel_loop3A_620 : i32 to index
      %parallel_loop3A_622 = arith.index_cast %parallel_loop3A_503 : i32 to index
      %parallel_loop3A_623 = arith.constant 96 : index
      %parallel_loop3A_624 = tpu.vector_load %arg12[%parallel_loop3A_621, %parallel_loop3A_622, %parallel_loop3A_623] {strides = array<i32>} : memref<2x64x128xf32, #tpu.memory_space<vmem>>, vector<16xf32>,
      %parallel_loop3A_625 = arith.constant 1 : i32
      %parallel_loop3A_626 = arith.index_cast %parallel_loop3A_625 : i32 to index
      %parallel_loop3A_627 = arith.index_cast %parallel_loop3A_503 : i32 to index
      %parallel_loop3A_628 = arith.constant 96 : index
      %parallel_loop3A_629 = tpu.vector_load %arg13[%parallel_loop3A_626, %parallel_loop3A_627, %parallel_loop3A_628] {strides = array<i32>} : memref<2x64x128xf32, #tpu.memory_space<vmem>>, vector<16xf32>,
      %parallel_loop3A_630 = arith.mulf %parallel_loop3A_629, %get3A_167 : vector<16xf32>
      %parallel_loop3A_631 = arith.addf %parallel_loop3A_613, %parallel_loop3A_630 : vector<16xf32>
      %parallel_loop3A_632 = arith.mulf %parallel_loop3A_624, %get3A_199 : vector<16xf32>
      %parallel_loop3A_633 = arith.addf %parallel_loop3A_615, %parallel_loop3A_632 : vector<16xf32>
      %parallel_loop3A_634 = arith.mulf %parallel_loop3A_629, %get3A_231 : vector<16xf32>
      %parallel_loop3A_635 = arith.addf %parallel_loop3A_617, %parallel_loop3A_634 : vector<16xf32>
      %parallel_loop3A_636 = arith.mulf %parallel_loop3A_624, %get3A_263 : vector<16xf32>
      %parallel_loop3A_637 = arith.addf %parallel_loop3A_619, %parallel_loop3A_636 : vector<16xf32>
      %parallel_loop3A_638 = arith.constant 1 : i32
      %parallel_loop3A_639 = arith.index_cast %parallel_loop3A_638 : i32 to index
      %parallel_loop3A_640 = arith.index_cast %parallel_loop3A_503 : i32 to index
      %parallel_loop3A_641 = arith.constant 112 : index
      %parallel_loop3A_642 = tpu.vector_load %arg12[%parallel_loop3A_639, %parallel_loop3A_640, %parallel_loop3A_641] {strides = array<i32>} : memref<2x64x128xf32, #tpu.memory_space<vmem>>, vector<16xf32>,
      %parallel_loop3A_643 = arith.constant 1 : i32
      %parallel_loop3A_644 = arith.index_cast %parallel_loop3A_643 : i32 to index
      %parallel_loop3A_645 = arith.index_cast %parallel_loop3A_503 : i32 to index
      %parallel_loop3A_646 = arith.constant 112 : index
      %parallel_loop3A_647 = tpu.vector_load %arg13[%parallel_loop3A_644, %parallel_loop3A_645, %parallel_loop3A_646] {strides = array<i32>} : memref<2x64x128xf32, #tpu.memory_space<vmem>>, vector<16xf32>,
      %parallel_loop3A_648 = arith.mulf %parallel_loop3A_647, %get3A_171 : vector<16xf32>
      %parallel_loop3A_649 = arith.addf %parallel_loop3A_631, %parallel_loop3A_648 : vector<16xf32>
      %parallel_loop3A_650 = arith.mulf %parallel_loop3A_642, %get3A_203 : vector<16xf32>
      %parallel_loop3A_651 = arith.addf %parallel_loop3A_633, %parallel_loop3A_650 : vector<16xf32>
      %parallel_loop3A_652 = arith.mulf %parallel_loop3A_647, %get3A_235 : vector<16xf32>
      %parallel_loop3A_653 = arith.addf %parallel_loop3A_635, %parallel_loop3A_652 : vector<16xf32>
      %parallel_loop3A_654 = arith.mulf %parallel_loop3A_642, %get3A_267 : vector<16xf32>
      %parallel_loop3A_655 = arith.addf %parallel_loop3A_637, %parallel_loop3A_654 : vector<16xf32>
      %parallel_loop3A_656 = arith.constant true
      %parallel_loop3A_657 = vector.broadcast %parallel_loop3A_656 : i1 to vector<16xi1>
      %parallel_loop3A_658 = tpu.scan <sum>, %parallel_loop3A_649 masked %parallel_loop3A_657 : vector<16xf32>, vector<16xi1> -> vector<16xf32>
      %parallel_loop3A_659 = vector.extract %parallel_loop3A_658[15] : f32 from vector<16xf32>
      %parallel_loop3A_660 = arith.constant 0 : i32
      %parallel_loop3A_661 = arith.index_cast %parallel_loop3A_660 : i32 to index
      %parallel_loop3A_662 = arith.index_cast %parallel_loop3A_503 : i32 to index
      %parallel_loop3A_663 = memref.load %arg17[%parallel_loop3A_661, %parallel_loop3A_662] : memref<4x64xf32, #tpu.memory_space<smem>>
      memref.store %parallel_loop3A_659, %arg17[%parallel_loop3A_661, %parallel_loop3A_662] : memref<4x64xf32, #tpu.memory_space<smem>>
      %parallel_loop3A_664 = arith.constant true
      %parallel_loop3A_665 = vector.broadcast %parallel_loop3A_664 : i1 to vector<16xi1>
      %parallel_loop3A_666 = tpu.scan <sum>, %parallel_loop3A_651 masked %parallel_loop3A_665 : vector<16xf32>, vector<16xi1> -> vector<16xf32>
      %parallel_loop3A_667 = vector.extract %parallel_loop3A_666[15] : f32 from vector<16xf32>
      %parallel_loop3A_668 = arith.constant 1 : i32
      %parallel_loop3A_669 = arith.index_cast %parallel_loop3A_668 : i32 to index
      %parallel_loop3A_670 = arith.index_cast %parallel_loop3A_503 : i32 to index
      %parallel_loop3A_671 = memref.load %arg17[%parallel_loop3A_669, %parallel_loop3A_670] : memref<4x64xf32, #tpu.memory_space<smem>>
      memref.store %parallel_loop3A_667, %arg17[%parallel_loop3A_669, %parallel_loop3A_670] : memref<4x64xf32, #tpu.memory_space<smem>>
      %parallel_loop3A_672 = arith.constant true
      %parallel_loop3A_673 = vector.broadcast %parallel_loop3A_672 : i1 to vector<16xi1>
      %parallel_loop3A_674 = tpu.scan <sum>, %parallel_loop3A_653 masked %parallel_loop3A_673 : vector<16xf32>, vector<16xi1> -> vector<16xf32>
      %parallel_loop3A_675 = vector.extract %parallel_loop3A_674[15] : f32 from vector<16xf32>
      %parallel_loop3A_676 = arith.constant 2 : i32
      %parallel_loop3A_677 = arith.index_cast %parallel_loop3A_676 : i32 to index
      %parallel_loop3A_678 = arith.index_cast %parallel_loop3A_503 : i32 to index
      %parallel_loop3A_679 = memref.load %arg17[%parallel_loop3A_677, %parallel_loop3A_678] : memref<4x64xf32, #tpu.memory_space<smem>>
      memref.store %parallel_loop3A_675, %arg17[%parallel_loop3A_677, %parallel_loop3A_678] : memref<4x64xf32, #tpu.memory_space<smem>>
      %parallel_loop3A_680 = arith.constant true
      %parallel_loop3A_681 = vector.broadcast %parallel_loop3A_680 : i1 to vector<16xi1>
      %parallel_loop3A_682 = tpu.scan <sum>, %parallel_loop3A_655 masked %parallel_loop3A_681 : vector<16xf32>, vector<16xi1> -> vector<16xf32>
      %parallel_loop3A_683 = vector.extract %parallel_loop3A_682[15] : f32 from vector<16xf32>
      %parallel_loop3A_684 = arith.constant 3 : i32
      %parallel_loop3A_685 = arith.index_cast %parallel_loop3A_684 : i32 to index
      %parallel_loop3A_686 = arith.index_cast %parallel_loop3A_503 : i32 to index
      %parallel_loop3A_687 = memref.load %arg17[%parallel_loop3A_685, %parallel_loop3A_686] : memref<4x64xf32, #tpu.memory_space<smem>>
      memref.store %parallel_loop3A_683, %arg17[%parallel_loop3A_685, %parallel_loop3A_686] : memref<4x64xf32, #tpu.memory_space<smem>>
    } {sc.loop_unroll_factor = 1 : i64, sc.parallel_access}
    %parallel_loop3A_420 = arith.constant 0 : i32
    %parallel_loop3A_421 = arith.constant 64 : i32
    %parallel_loop3A_422 = arith.constant 1 : i32
    scf.for %parallel_loop3A_503 = %parallel_loop3A_420 to %parallel_loop3A_421 step %parallel_loop3A_422  : i32 {
      %parallel_loop3A_504 = arith.constant 0 : i32
      %parallel_loop3A_505 = arith.index_cast %parallel_loop3A_504 : i32 to index
      %parallel_loop3A_506 = arith.index_cast %parallel_loop3A_503 : i32 to index
      %parallel_loop3A_507 = memref.load %arg17[%parallel_loop3A_505, %parallel_loop3A_506] : memref<4x64xf32, #tpu.memory_space<smem>>
      %parallel_loop3A_508 = arith.constant 1 : i32
      %parallel_loop3A_509 = arith.index_cast %parallel_loop3A_508 : i32 to index
      %parallel_loop3A_510 = arith.index_cast %parallel_loop3A_503 : i32 to index
      %parallel_loop3A_511 = memref.load %arg17[%parallel_loop3A_509, %parallel_loop3A_510] : memref<4x64xf32, #tpu.memory_space<smem>>
      %parallel_loop3A_512 = arith.constant 2 : i32
      %parallel_loop3A_513 = arith.index_cast %parallel_loop3A_512 : i32 to index
      %parallel_loop3A_514 = arith.index_cast %parallel_loop3A_503 : i32 to index
      %parallel_loop3A_515 = memref.load %arg17[%parallel_loop3A_513, %parallel_loop3A_514] : memref<4x64xf32, #tpu.memory_space<smem>>
      %parallel_loop3A_516 = arith.constant 3 : i32
      %parallel_loop3A_517 = arith.index_cast %parallel_loop3A_516 : i32 to index
      %parallel_loop3A_518 = arith.index_cast %parallel_loop3A_503 : i32 to index
      %parallel_loop3A_519 = memref.load %arg17[%parallel_loop3A_517, %parallel_loop3A_518] : memref<4x64xf32, #tpu.memory_space<smem>>
      %parallel_loop3A_520 = arith.constant 1 : i32
      %parallel_loop3A_521 = arith.index_cast %parallel_loop3A_520 : i32 to index
      %parallel_loop3A_522 = arith.index_cast %parallel_loop3A_503 : i32 to index
      %parallel_loop3A_523 = arith.constant 0 : index
      %parallel_loop3A_524 = tpu.vector_load %arg12[%parallel_loop3A_521, %parallel_loop3A_522, %parallel_loop3A_523] {strides = array<i32>} : memref<2x64x128xf32, #tpu.memory_space<vmem>>, vector<16xf32>,
      %parallel_loop3A_525 = arith.constant 1 : i32
      %parallel_loop3A_526 = arith.index_cast %parallel_loop3A_525 : i32 to index
      %parallel_loop3A_527 = arith.index_cast %parallel_loop3A_503 : i32 to index
      %parallel_loop3A_528 = arith.constant 0 : index
      %parallel_loop3A_529 = tpu.vector_load %arg13[%parallel_loop3A_526, %parallel_loop3A_527, %parallel_loop3A_528] {strides = array<i32>} : memref<2x64x128xf32, #tpu.memory_space<vmem>>, vector<16xf32>,
      %parallel_loop3A_530 = vector.broadcast %parallel_loop3A_507 : f32 to vector<16xf32>
      %parallel_loop3A_531 = arith.mulf %parallel_loop3A_524, %parallel_loop3A_530 : vector<16xf32>
      %parallel_loop3A_532 = vector.broadcast %parallel_loop3A_511 : f32 to vector<16xf32>
      %parallel_loop3A_533 = arith.mulf %parallel_loop3A_529, %parallel_loop3A_532 : vector<16xf32>
      %parallel_loop3A_534 = arith.addf %parallel_loop3A_531, %parallel_loop3A_533 : vector<16xf32>
      %parallel_loop3A_535 = arith.addf %parallel_loop3A_534, %get3A_271 : vector<16xf32>
      %parallel_loop3A_536 = arith.constant 1 : i32
      %parallel_loop3A_537 = arith.index_cast %parallel_loop3A_536 : i32 to index
      %parallel_loop3A_538 = arith.index_cast %parallel_loop3A_503 : i32 to index
      %parallel_loop3A_539 = arith.constant 0 : index
      %parallel_loop3A_540 = tpu.vector_load %arg14[%parallel_loop3A_537, %parallel_loop3A_538, %parallel_loop3A_539] {strides = array<i32>} : memref<2x64x128xf32, #tpu.memory_space<vmem>>, vector<16xf32>,
      tpu.vector_store %arg14[%parallel_loop3A_537, %parallel_loop3A_538, %parallel_loop3A_539], %parallel_loop3A_535 {strides = array<i32>} : memref<2x64x128xf32, #tpu.memory_space<vmem>>, vector<16xf32>,
      %parallel_loop3A_541 = vector.broadcast %parallel_loop3A_515 : f32 to vector<16xf32>
      %parallel_loop3A_542 = arith.mulf %parallel_loop3A_524, %parallel_loop3A_541 : vector<16xf32>
      %parallel_loop3A_543 = vector.broadcast %parallel_loop3A_519 : f32 to vector<16xf32>
      %parallel_loop3A_544 = arith.mulf %parallel_loop3A_529, %parallel_loop3A_543 : vector<16xf32>
      %parallel_loop3A_545 = arith.addf %parallel_loop3A_542, %parallel_loop3A_544 : vector<16xf32>
      %parallel_loop3A_546 = arith.addf %parallel_loop3A_545, %get3A_303 : vector<16xf32>
      %parallel_loop3A_547 = arith.constant 1 : i32
      %parallel_loop3A_548 = arith.index_cast %parallel_loop3A_547 : i32 to index
      %parallel_loop3A_549 = arith.index_cast %parallel_loop3A_503 : i32 to index
      %parallel_loop3A_550 = arith.constant 0 : index
      %parallel_loop3A_551 = tpu.vector_load %arg15[%parallel_loop3A_548, %parallel_loop3A_549, %parallel_loop3A_550] {strides = array<i32>} : memref<2x64x128xf32, #tpu.memory_space<vmem>>, vector<16xf32>,
      tpu.vector_store %arg15[%parallel_loop3A_548, %parallel_loop3A_549, %parallel_loop3A_550], %parallel_loop3A_546 {strides = array<i32>} : memref<2x64x128xf32, #tpu.memory_space<vmem>>, vector<16xf32>,
      %parallel_loop3A_552 = arith.constant 1 : i32
      %parallel_loop3A_553 = arith.index_cast %parallel_loop3A_552 : i32 to index
      %parallel_loop3A_554 = arith.index_cast %parallel_loop3A_503 : i32 to index
      %parallel_loop3A_555 = arith.constant 16 : index
      %parallel_loop3A_556 = tpu.vector_load %arg12[%parallel_loop3A_553, %parallel_loop3A_554, %parallel_loop3A_555] {strides = array<i32>} : memref<2x64x128xf32, #tpu.memory_space<vmem>>, vector<16xf32>,
      %parallel_loop3A_557 = arith.constant 1 : i32
      %parallel_loop3A_558 = arith.index_cast %parallel_loop3A_557 : i32 to index
      %parallel_loop3A_559 = arith.index_cast %parallel_loop3A_503 : i32 to index
      %parallel_loop3A_560 = arith.constant 16 : index
      %parallel_loop3A_561 = tpu.vector_load %arg13[%parallel_loop3A_558, %parallel_loop3A_559, %parallel_loop3A_560] {strides = array<i32>} : memref<2x64x128xf32, #tpu.memory_space<vmem>>, vector<16xf32>,
      %parallel_loop3A_562 = vector.broadcast %parallel_loop3A_507 : f32 to vector<16xf32>
      %parallel_loop3A_563 = arith.mulf %parallel_loop3A_556, %parallel_loop3A_562 : vector<16xf32>
      %parallel_loop3A_564 = vector.broadcast %parallel_loop3A_511 : f32 to vector<16xf32>
      %parallel_loop3A_565 = arith.mulf %parallel_loop3A_561, %parallel_loop3A_564 : vector<16xf32>
      %parallel_loop3A_566 = arith.addf %parallel_loop3A_563, %parallel_loop3A_565 : vector<16xf32>
      %parallel_loop3A_567 = arith.addf %parallel_loop3A_566, %get3A_275 : vector<16xf32>
      %parallel_loop3A_568 = arith.constant 1 : i32
      %parallel_loop3A_569 = arith.index_cast %parallel_loop3A_568 : i32 to index
      %parallel_loop3A_570 = arith.index_cast %parallel_loop3A_503 : i32 to index
      %parallel_loop3A_571 = arith.constant 16 : index
      %parallel_loop3A_572 = tpu.vector_load %arg14[%parallel_loop3A_569, %parallel_loop3A_570, %parallel_loop3A_571] {strides = array<i32>} : memref<2x64x128xf32, #tpu.memory_space<vmem>>, vector<16xf32>,
      tpu.vector_store %arg14[%parallel_loop3A_569, %parallel_loop3A_570, %parallel_loop3A_571], %parallel_loop3A_567 {strides = array<i32>} : memref<2x64x128xf32, #tpu.memory_space<vmem>>, vector<16xf32>,
      %parallel_loop3A_573 = vector.broadcast %parallel_loop3A_515 : f32 to vector<16xf32>
      %parallel_loop3A_574 = arith.mulf %parallel_loop3A_556, %parallel_loop3A_573 : vector<16xf32>
      %parallel_loop3A_575 = vector.broadcast %parallel_loop3A_519 : f32 to vector<16xf32>
      %parallel_loop3A_576 = arith.mulf %parallel_loop3A_561, %parallel_loop3A_575 : vector<16xf32>
      %parallel_loop3A_577 = arith.addf %parallel_loop3A_574, %parallel_loop3A_576 : vector<16xf32>
      %parallel_loop3A_578 = arith.addf %parallel_loop3A_577, %get3A_307 : vector<16xf32>
      %parallel_loop3A_579 = arith.constant 1 : i32
      %parallel_loop3A_580 = arith.index_cast %parallel_loop3A_579 : i32 to index
      %parallel_loop3A_581 = arith.index_cast %parallel_loop3A_503 : i32 to index
      %parallel_loop3A_582 = arith.constant 16 : index
      %parallel_loop3A_583 = tpu.vector_load %arg15[%parallel_loop3A_580, %parallel_loop3A_581, %parallel_loop3A_582] {strides = array<i32>} : memref<2x64x128xf32, #tpu.memory_space<vmem>>, vector<16xf32>,
      tpu.vector_store %arg15[%parallel_loop3A_580, %parallel_loop3A_581, %parallel_loop3A_582], %parallel_loop3A_578 {strides = array<i32>} : memref<2x64x128xf32, #tpu.memory_space<vmem>>, vector<16xf32>,
      %parallel_loop3A_584 = arith.constant 1 : i32
      %parallel_loop3A_585 = arith.index_cast %parallel_loop3A_584 : i32 to index
      %parallel_loop3A_586 = arith.index_cast %parallel_loop3A_503 : i32 to index
      %parallel_loop3A_587 = arith.constant 32 : index
      %parallel_loop3A_588 = tpu.vector_load %arg12[%parallel_loop3A_585, %parallel_loop3A_586, %parallel_loop3A_587] {strides = array<i32>} : memref<2x64x128xf32, #tpu.memory_space<vmem>>, vector<16xf32>,
      %parallel_loop3A_589 = arith.constant 1 : i32
      %parallel_loop3A_590 = arith.index_cast %parallel_loop3A_589 : i32 to index
      %parallel_loop3A_591 = arith.index_cast %parallel_loop3A_503 : i32 to index
      %parallel_loop3A_592 = arith.constant 32 : index
      %parallel_loop3A_593 = tpu.vector_load %arg13[%parallel_loop3A_590, %parallel_loop3A_591, %parallel_loop3A_592] {strides = array<i32>} : memref<2x64x128xf32, #tpu.memory_space<vmem>>, vector<16xf32>,
      %parallel_loop3A_594 = vector.broadcast %parallel_loop3A_507 : f32 to vector<16xf32>
      %parallel_loop3A_595 = arith.mulf %parallel_loop3A_588, %parallel_loop3A_594 : vector<16xf32>
      %parallel_loop3A_596 = vector.broadcast %parallel_loop3A_511 : f32 to vector<16xf32>
      %parallel_loop3A_597 = arith.mulf %parallel_loop3A_593, %parallel_loop3A_596 : vector<16xf32>
      %parallel_loop3A_598 = arith.addf %parallel_loop3A_595, %parallel_loop3A_597 : vector<16xf32>
      %parallel_loop3A_599 = arith.addf %parallel_loop3A_598, %get3A_279 : vector<16xf32>
      %parallel_loop3A_600 = arith.constant 1 : i32
      %parallel_loop3A_601 = arith.index_cast %parallel_loop3A_600 : i32 to index
      %parallel_loop3A_602 = arith.index_cast %parallel_loop3A_503 : i32 to index
      %parallel_loop3A_603 = arith.constant 32 : index
      %parallel_loop3A_604 = tpu.vector_load %arg14[%parallel_loop3A_601, %parallel_loop3A_602, %parallel_loop3A_603] {strides = array<i32>} : memref<2x64x128xf32, #tpu.memory_space<vmem>>, vector<16xf32>,
      tpu.vector_store %arg14[%parallel_loop3A_601, %parallel_loop3A_602, %parallel_loop3A_603], %parallel_loop3A_599 {strides = array<i32>} : memref<2x64x128xf32, #tpu.memory_space<vmem>>, vector<16xf32>,
      %parallel_loop3A_605 = vector.broadcast %parallel_loop3A_515 : f32 to vector<16xf32>
      %parallel_loop3A_606 = arith.mulf %parallel_loop3A_588, %parallel_loop3A_605 : vector<16xf32>
      %parallel_loop3A_607 = vector.broadcast %parallel_loop3A_519 : f32 to vector<16xf32>
      %parallel_loop3A_608 = arith.mulf %parallel_loop3A_593, %parallel_loop3A_607 : vector<16xf32>
      %parallel_loop3A_609 = arith.addf %parallel_loop3A_606, %parallel_loop3A_608 : vector<16xf32>
      %parallel_loop3A_610 = arith.addf %parallel_loop3A_609, %get3A_311 : vector<16xf32>
      %parallel_loop3A_611 = arith.constant 1 : i32
      %parallel_loop3A_612 = arith.index_cast %parallel_loop3A_611 : i32 to index
      %parallel_loop3A_613 = arith.index_cast %parallel_loop3A_503 : i32 to index
      %parallel_loop3A_614 = arith.constant 32 : index
      %parallel_loop3A_615 = tpu.vector_load %arg15[%parallel_loop3A_612, %parallel_loop3A_613, %parallel_loop3A_614] {strides = array<i32>} : memref<2x64x128xf32, #tpu.memory_space<vmem>>, vector<16xf32>,
      tpu.vector_store %arg15[%parallel_loop3A_612, %parallel_loop3A_613, %parallel_loop3A_614], %parallel_loop3A_610 {strides = array<i32>} : memref<2x64x128xf32, #tpu.memory_space<vmem>>, vector<16xf32>,
      %parallel_loop3A_616 = arith.constant 1 : i32
      %parallel_loop3A_617 = arith.index_cast %parallel_loop3A_616 : i32 to index
      %parallel_loop3A_618 = arith.index_cast %parallel_loop3A_503 : i32 to index
      %parallel_loop3A_619 = arith.constant 48 : index
      %parallel_loop3A_620 = tpu.vector_load %arg12[%parallel_loop3A_617, %parallel_loop3A_618, %parallel_loop3A_619] {strides = array<i32>} : memref<2x64x128xf32, #tpu.memory_space<vmem>>, vector<16xf32>,
      %parallel_loop3A_621 = arith.constant 1 : i32
      %parallel_loop3A_622 = arith.index_cast %parallel_loop3A_621 : i32 to index
      %parallel_loop3A_623 = arith.index_cast %parallel_loop3A_503 : i32 to index
      %parallel_loop3A_624 = arith.constant 48 : index
      %parallel_loop3A_625 = tpu.vector_load %arg13[%parallel_loop3A_622, %parallel_loop3A_623, %parallel_loop3A_624] {strides = array<i32>} : memref<2x64x128xf32, #tpu.memory_space<vmem>>, vector<16xf32>,
      %parallel_loop3A_626 = vector.broadcast %parallel_loop3A_507 : f32 to vector<16xf32>
      %parallel_loop3A_627 = arith.mulf %parallel_loop3A_620, %parallel_loop3A_626 : vector<16xf32>
      %parallel_loop3A_628 = vector.broadcast %parallel_loop3A_511 : f32 to vector<16xf32>
      %parallel_loop3A_629 = arith.mulf %parallel_loop3A_625, %parallel_loop3A_628 : vector<16xf32>
      %parallel_loop3A_630 = arith.addf %parallel_loop3A_627, %parallel_loop3A_629 : vector<16xf32>
      %parallel_loop3A_631 = arith.addf %parallel_loop3A_630, %get3A_283 : vector<16xf32>
      %parallel_loop3A_632 = arith.constant 1 : i32
      %parallel_loop3A_633 = arith.index_cast %parallel_loop3A_632 : i32 to index
      %parallel_loop3A_634 = arith.index_cast %parallel_loop3A_503 : i32 to index
      %parallel_loop3A_635 = arith.constant 48 : index
      %parallel_loop3A_636 = tpu.vector_load %arg14[%parallel_loop3A_633, %parallel_loop3A_634, %parallel_loop3A_635] {strides = array<i32>} : memref<2x64x128xf32, #tpu.memory_space<vmem>>, vector<16xf32>,
      tpu.vector_store %arg14[%parallel_loop3A_633, %parallel_loop3A_634, %parallel_loop3A_635], %parallel_loop3A_631 {strides = array<i32>} : memref<2x64x128xf32, #tpu.memory_space<vmem>>, vector<16xf32>,
      %parallel_loop3A_637 = vector.broadcast %parallel_loop3A_515 : f32 to vector<16xf32>
      %parallel_loop3A_638 = arith.mulf %parallel_loop3A_620, %parallel_loop3A_637 : vector<16xf32>
      %parallel_loop3A_639 = vector.broadcast %parallel_loop3A_519 : f32 to vector<16xf32>
      %parallel_loop3A_640 = arith.mulf %parallel_loop3A_625, %parallel_loop3A_639 : vector<16xf32>
      %parallel_loop3A_641 = arith.addf %parallel_loop3A_638, %parallel_loop3A_640 : vector<16xf32>
      %parallel_loop3A_642 = arith.addf %parallel_loop3A_641, %get3A_315 : vector<16xf32>
      %parallel_loop3A_643 = arith.constant 1 : i32
      %parallel_loop3A_644 = arith.index_cast %parallel_loop3A_643 : i32 to index
      %parallel_loop3A_645 = arith.index_cast %parallel_loop3A_503 : i32 to index
      %parallel_loop3A_646 = arith.constant 48 : index
      %parallel_loop3A_647 = tpu.vector_load %arg15[%parallel_loop3A_644, %parallel_loop3A_645, %parallel_loop3A_646] {strides = array<i32>} : memref<2x64x128xf32, #tpu.memory_space<vmem>>, vector<16xf32>,
      tpu.vector_store %arg15[%parallel_loop3A_644, %parallel_loop3A_645, %parallel_loop3A_646], %parallel_loop3A_642 {strides = array<i32>} : memref<2x64x128xf32, #tpu.memory_space<vmem>>, vector<16xf32>,
      %parallel_loop3A_648 = arith.constant 1 : i32
      %parallel_loop3A_649 = arith.index_cast %parallel_loop3A_648 : i32 to index
      %parallel_loop3A_650 = arith.index_cast %parallel_loop3A_503 : i32 to index
      %parallel_loop3A_651 = arith.constant 64 : index
      %parallel_loop3A_652 = tpu.vector_load %arg12[%parallel_loop3A_649, %parallel_loop3A_650, %parallel_loop3A_651] {strides = array<i32>} : memref<2x64x128xf32, #tpu.memory_space<vmem>>, vector<16xf32>,
      %parallel_loop3A_653 = arith.constant 1 : i32
      %parallel_loop3A_654 = arith.index_cast %parallel_loop3A_653 : i32 to index
      %parallel_loop3A_655 = arith.index_cast %parallel_loop3A_503 : i32 to index
      %parallel_loop3A_656 = arith.constant 64 : index
      %parallel_loop3A_657 = tpu.vector_load %arg13[%parallel_loop3A_654, %parallel_loop3A_655, %parallel_loop3A_656] {strides = array<i32>} : memref<2x64x128xf32, #tpu.memory_space<vmem>>, vector<16xf32>,
      %parallel_loop3A_658 = vector.broadcast %parallel_loop3A_507 : f32 to vector<16xf32>
      %parallel_loop3A_659 = arith.mulf %parallel_loop3A_652, %parallel_loop3A_658 : vector<16xf32>
      %parallel_loop3A_660 = vector.broadcast %parallel_loop3A_511 : f32 to vector<16xf32>
      %parallel_loop3A_661 = arith.mulf %parallel_loop3A_657, %parallel_loop3A_660 : vector<16xf32>
      %parallel_loop3A_662 = arith.addf %parallel_loop3A_659, %parallel_loop3A_661 : vector<16xf32>
      %parallel_loop3A_663 = arith.addf %parallel_loop3A_662, %get3A_287 : vector<16xf32>
      %parallel_loop3A_664 = arith.constant 1 : i32
      %parallel_loop3A_665 = arith.index_cast %parallel_loop3A_664 : i32 to index
      %parallel_loop3A_666 = arith.index_cast %parallel_loop3A_503 : i32 to index
      %parallel_loop3A_667 = arith.constant 64 : index
      %parallel_loop3A_668 = tpu.vector_load %arg14[%parallel_loop3A_665, %parallel_loop3A_666, %parallel_loop3A_667] {strides = array<i32>} : memref<2x64x128xf32, #tpu.memory_space<vmem>>, vector<16xf32>,
      tpu.vector_store %arg14[%parallel_loop3A_665, %parallel_loop3A_666, %parallel_loop3A_667], %parallel_loop3A_663 {strides = array<i32>} : memref<2x64x128xf32, #tpu.memory_space<vmem>>, vector<16xf32>,
      %parallel_loop3A_669 = vector.broadcast %parallel_loop3A_515 : f32 to vector<16xf32>
      %parallel_loop3A_670 = arith.mulf %parallel_loop3A_652, %parallel_loop3A_669 : vector<16xf32>
      %parallel_loop3A_671 = vector.broadcast %parallel_loop3A_519 : f32 to vector<16xf32>
      %parallel_loop3A_672 = arith.mulf %parallel_loop3A_657, %parallel_loop3A_671 : vector<16xf32>
      %parallel_loop3A_673 = arith.addf %parallel_loop3A_670, %parallel_loop3A_672 : vector<16xf32>
      %parallel_loop3A_674 = arith.addf %parallel_loop3A_673, %get3A_319 : vector<16xf32>
      %parallel_loop3A_675 = arith.constant 1 : i32
      %parallel_loop3A_676 = arith.index_cast %parallel_loop3A_675 : i32 to index
      %parallel_loop3A_677 = arith.index_cast %parallel_loop3A_503 : i32 to index
      %parallel_loop3A_678 = arith.constant 64 : index
      %parallel_loop3A_679 = tpu.vector_load %arg15[%parallel_loop3A_676, %parallel_loop3A_677, %parallel_loop3A_678] {strides = array<i32>} : memref<2x64x128xf32, #tpu.memory_space<vmem>>, vector<16xf32>,
      tpu.vector_store %arg15[%parallel_loop3A_676, %parallel_loop3A_677, %parallel_loop3A_678], %parallel_loop3A_674 {strides = array<i32>} : memref<2x64x128xf32, #tpu.memory_space<vmem>>, vector<16xf32>,
      %parallel_loop3A_680 = arith.constant 1 : i32
      %parallel_loop3A_681 = arith.index_cast %parallel_loop3A_680 : i32 to index
      %parallel_loop3A_682 = arith.index_cast %parallel_loop3A_503 : i32 to index
      %parallel_loop3A_683 = arith.constant 80 : index
      %parallel_loop3A_684 = tpu.vector_load %arg12[%parallel_loop3A_681, %parallel_loop3A_682, %parallel_loop3A_683] {strides = array<i32>} : memref<2x64x128xf32, #tpu.memory_space<vmem>>, vector<16xf32>,
      %parallel_loop3A_685 = arith.constant 1 : i32
      %parallel_loop3A_686 = arith.index_cast %parallel_loop3A_685 : i32 to index
      %parallel_loop3A_687 = arith.index_cast %parallel_loop3A_503 : i32 to index
      %parallel_loop3A_688 = arith.constant 80 : index
      %parallel_loop3A_689 = tpu.vector_load %arg13[%parallel_loop3A_686, %parallel_loop3A_687, %parallel_loop3A_688] {strides = array<i32>} : memref<2x64x128xf32, #tpu.memory_space<vmem>>, vector<16xf32>,
      %parallel_loop3A_690 = vector.broadcast %parallel_loop3A_507 : f32 to vector<16xf32>
      %parallel_loop3A_691 = arith.mulf %parallel_loop3A_684, %parallel_loop3A_690 : vector<16xf32>
      %parallel_loop3A_692 = vector.broadcast %parallel_loop3A_511 : f32 to vector<16xf32>
      %parallel_loop3A_693 = arith.mulf %parallel_loop3A_689, %parallel_loop3A_692 : vector<16xf32>
      %parallel_loop3A_694 = arith.addf %parallel_loop3A_691, %parallel_loop3A_693 : vector<16xf32>
      %parallel_loop3A_695 = arith.addf %parallel_loop3A_694, %get3A_291 : vector<16xf32>
      %parallel_loop3A_696 = arith.constant 1 : i32
      %parallel_loop3A_697 = arith.index_cast %parallel_loop3A_696 : i32 to index
      %parallel_loop3A_698 = arith.index_cast %parallel_loop3A_503 : i32 to index
      %parallel_loop3A_699 = arith.constant 80 : index
      %parallel_loop3A_700 = tpu.vector_load %arg14[%parallel_loop3A_697, %parallel_loop3A_698, %parallel_loop3A_699] {strides = array<i32>} : memref<2x64x128xf32, #tpu.memory_space<vmem>>, vector<16xf32>,
      tpu.vector_store %arg14[%parallel_loop3A_697, %parallel_loop3A_698, %parallel_loop3A_699], %parallel_loop3A_695 {strides = array<i32>} : memref<2x64x128xf32, #tpu.memory_space<vmem>>, vector<16xf32>,
      %parallel_loop3A_701 = vector.broadcast %parallel_loop3A_515 : f32 to vector<16xf32>
      %parallel_loop3A_702 = arith.mulf %parallel_loop3A_684, %parallel_loop3A_701 : vector<16xf32>
      %parallel_loop3A_703 = vector.broadcast %parallel_loop3A_519 : f32 to vector<16xf32>
      %parallel_loop3A_704 = arith.mulf %parallel_loop3A_689, %parallel_loop3A_703 : vector<16xf32>
      %parallel_loop3A_705 = arith.addf %parallel_loop3A_702, %parallel_loop3A_704 : vector<16xf32>
      %parallel_loop3A_706 = arith.addf %parallel_loop3A_705, %get3A_323 : vector<16xf32>
      %parallel_loop3A_707 = arith.constant 1 : i32
      %parallel_loop3A_708 = arith.index_cast %parallel_loop3A_707 : i32 to index
      %parallel_loop3A_709 = arith.index_cast %parallel_loop3A_503 : i32 to index
      %parallel_loop3A_710 = arith.constant 80 : index
      %parallel_loop3A_711 = tpu.vector_load %arg15[%parallel_loop3A_708, %parallel_loop3A_709, %parallel_loop3A_710] {strides = array<i32>} : memref<2x64x128xf32, #tpu.memory_space<vmem>>, vector<16xf32>,
      tpu.vector_store %arg15[%parallel_loop3A_708, %parallel_loop3A_709, %parallel_loop3A_710], %parallel_loop3A_706 {strides = array<i32>} : memref<2x64x128xf32, #tpu.memory_space<vmem>>, vector<16xf32>,
      %parallel_loop3A_712 = arith.constant 1 : i32
      %parallel_loop3A_713 = arith.index_cast %parallel_loop3A_712 : i32 to index
      %parallel_loop3A_714 = arith.index_cast %parallel_loop3A_503 : i32 to index
      %parallel_loop3A_715 = arith.constant 96 : index
      %parallel_loop3A_716 = tpu.vector_load %arg12[%parallel_loop3A_713, %parallel_loop3A_714, %parallel_loop3A_715] {strides = array<i32>} : memref<2x64x128xf32, #tpu.memory_space<vmem>>, vector<16xf32>,
      %parallel_loop3A_717 = arith.constant 1 : i32
      %parallel_loop3A_718 = arith.index_cast %parallel_loop3A_717 : i32 to index
      %parallel_loop3A_719 = arith.index_cast %parallel_loop3A_503 : i32 to index
      %parallel_loop3A_720 = arith.constant 96 : index
      %parallel_loop3A_721 = tpu.vector_load %arg13[%parallel_loop3A_718, %parallel_loop3A_719, %parallel_loop3A_720] {strides = array<i32>} : memref<2x64x128xf32, #tpu.memory_space<vmem>>, vector<16xf32>,
      %parallel_loop3A_722 = vector.broadcast %parallel_loop3A_507 : f32 to vector<16xf32>
      %parallel_loop3A_723 = arith.mulf %parallel_loop3A_716, %parallel_loop3A_722 : vector<16xf32>
      %parallel_loop3A_724 = vector.broadcast %parallel_loop3A_511 : f32 to vector<16xf32>
      %parallel_loop3A_725 = arith.mulf %parallel_loop3A_721, %parallel_loop3A_724 : vector<16xf32>
      %parallel_loop3A_726 = arith.addf %parallel_loop3A_723, %parallel_loop3A_725 : vector<16xf32>
      %parallel_loop3A_727 = arith.addf %parallel_loop3A_726, %get3A_295 : vector<16xf32>
      %parallel_loop3A_728 = arith.constant 1 : i32
      %parallel_loop3A_729 = arith.index_cast %parallel_loop3A_728 : i32 to index
      %parallel_loop3A_730 = arith.index_cast %parallel_loop3A_503 : i32 to index
      %parallel_loop3A_731 = arith.constant 96 : index
      %parallel_loop3A_732 = tpu.vector_load %arg14[%parallel_loop3A_729, %parallel_loop3A_730, %parallel_loop3A_731] {strides = array<i32>} : memref<2x64x128xf32, #tpu.memory_space<vmem>>, vector<16xf32>,
      tpu.vector_store %arg14[%parallel_loop3A_729, %parallel_loop3A_730, %parallel_loop3A_731], %parallel_loop3A_727 {strides = array<i32>} : memref<2x64x128xf32, #tpu.memory_space<vmem>>, vector<16xf32>,
      %parallel_loop3A_733 = vector.broadcast %parallel_loop3A_515 : f32 to vector<16xf32>
      %parallel_loop3A_734 = arith.mulf %parallel_loop3A_716, %parallel_loop3A_733 : vector<16xf32>
      %parallel_loop3A_735 = vector.broadcast %parallel_loop3A_519 : f32 to vector<16xf32>
      %parallel_loop3A_736 = arith.mulf %parallel_loop3A_721, %parallel_loop3A_735 : vector<16xf32>
      %parallel_loop3A_737 = arith.addf %parallel_loop3A_734, %parallel_loop3A_736 : vector<16xf32>
      %parallel_loop3A_738 = arith.addf %parallel_loop3A_737, %get3A_327 : vector<16xf32>
      %parallel_loop3A_739 = arith.constant 1 : i32
      %parallel_loop3A_740 = arith.index_cast %parallel_loop3A_739 : i32 to index
      %parallel_loop3A_741 = arith.index_cast %parallel_loop3A_503 : i32 to index
      %parallel_loop3A_742 = arith.constant 96 : index
      %parallel_loop3A_743 = tpu.vector_load %arg15[%parallel_loop3A_740, %parallel_loop3A_741, %parallel_loop3A_742] {strides = array<i32>} : memref<2x64x128xf32, #tpu.memory_space<vmem>>, vector<16xf32>,
      tpu.vector_store %arg15[%parallel_loop3A_740, %parallel_loop3A_741, %parallel_loop3A_742], %parallel_loop3A_738 {strides = array<i32>} : memref<2x64x128xf32, #tpu.memory_space<vmem>>, vector<16xf32>,
      %parallel_loop3A_744 = arith.constant 1 : i32
      %parallel_loop3A_745 = arith.index_cast %parallel_loop3A_744 : i32 to index
      %parallel_loop3A_746 = arith.index_cast %parallel_loop3A_503 : i32 to index
      %parallel_loop3A_747 = arith.constant 112 : index
      %parallel_loop3A_748 = tpu.vector_load %arg12[%parallel_loop3A_745, %parallel_loop3A_746, %parallel_loop3A_747] {strides = array<i32>} : memref<2x64x128xf32, #tpu.memory_space<vmem>>, vector<16xf32>,
      %parallel_loop3A_749 = arith.constant 1 : i32
      %parallel_loop3A_750 = arith.index_cast %parallel_loop3A_749 : i32 to index
      %parallel_loop3A_751 = arith.index_cast %parallel_loop3A_503 : i32 to index
      %parallel_loop3A_752 = arith.constant 112 : index
      %parallel_loop3A_753 = tpu.vector_load %arg13[%parallel_loop3A_750, %parallel_loop3A_751, %parallel_loop3A_752] {strides = array<i32>} : memref<2x64x128xf32, #tpu.memory_space<vmem>>, vector<16xf32>,
      %parallel_loop3A_754 = vector.broadcast %parallel_loop3A_507 : f32 to vector<16xf32>
      %parallel_loop3A_755 = arith.mulf %parallel_loop3A_748, %parallel_loop3A_754 : vector<16xf32>
      %parallel_loop3A_756 = vector.broadcast %parallel_loop3A_511 : f32 to vector<16xf32>
      %parallel_loop3A_757 = arith.mulf %parallel_loop3A_753, %parallel_loop3A_756 : vector<16xf32>
      %parallel_loop3A_758 = arith.addf %parallel_loop3A_755, %parallel_loop3A_757 : vector<16xf32>
      %parallel_loop3A_759 = arith.addf %parallel_loop3A_758, %get3A_299 : vector<16xf32>
      %parallel_loop3A_760 = arith.constant 1 : i32
      %parallel_loop3A_761 = arith.index_cast %parallel_loop3A_760 : i32 to index
      %parallel_loop3A_762 = arith.index_cast %parallel_loop3A_503 : i32 to index
      %parallel_loop3A_763 = arith.constant 112 : index
      %parallel_loop3A_764 = tpu.vector_load %arg14[%parallel_loop3A_761, %parallel_loop3A_762, %parallel_loop3A_763] {strides = array<i32>} : memref<2x64x128xf32, #tpu.memory_space<vmem>>, vector<16xf32>,
      tpu.vector_store %arg14[%parallel_loop3A_761, %parallel_loop3A_762, %parallel_loop3A_763], %parallel_loop3A_759 {strides = array<i32>} : memref<2x64x128xf32, #tpu.memory_space<vmem>>, vector<16xf32>,
      %parallel_loop3A_765 = vector.broadcast %parallel_loop3A_515 : f32 to vector<16xf32>
      %parallel_loop3A_766 = arith.mulf %parallel_loop3A_748, %parallel_loop3A_765 : vector<16xf32>
      %parallel_loop3A_767 = vector.broadcast %parallel_loop3A_519 : f32 to vector<16xf32>
      %parallel_loop3A_768 = arith.mulf %parallel_loop3A_753, %parallel_loop3A_767 : vector<16xf32>
      %parallel_loop3A_769 = arith.addf %parallel_loop3A_766, %parallel_loop3A_768 : vector<16xf32>
      %parallel_loop3A_770 = arith.addf %parallel_loop3A_769, %get3A_331 : vector<16xf32>
      %parallel_loop3A_771 = arith.constant 1 : i32
      %parallel_loop3A_772 = arith.index_cast %parallel_loop3A_771 : i32 to index
      %parallel_loop3A_773 = arith.index_cast %parallel_loop3A_503 : i32 to index
      %parallel_loop3A_774 = arith.constant 112 : index
      %parallel_loop3A_775 = tpu.vector_load %arg15[%parallel_loop3A_772, %parallel_loop3A_773, %parallel_loop3A_774] {strides = array<i32>} : memref<2x64x128xf32, #tpu.memory_space<vmem>>, vector<16xf32>,
      tpu.vector_store %arg15[%parallel_loop3A_772, %parallel_loop3A_773, %parallel_loop3A_774], %parallel_loop3A_770 {strides = array<i32>} : memref<2x64x128xf32, #tpu.memory_space<vmem>>, vector<16xf32>,
    } {sc.loop_unroll_factor = 1 : i64, sc.parallel_access}
    %add3A_423 = arith.constant 64 : i32
    %add3A_424 = arith.addi %mul3A_2, %add3A_423 : i32
    %dma_start3A_425 = arith.constant 1 : i32
    %dma_start3A_426 = arith.constant 0 : i32
    %dma_start3A_427 = arith.constant 0 : i32
    %dma_start3A_428 = tpu.memref_slice %arg14[%dma_start3A_425, %dma_start3A_426, %dma_start3A_427] : memref<2x64x128xf32, #tpu.memory_space<vmem>> -> memref<1x64x128xf32, #tpu.memory_space<vmem>>
    %dma_start3A_429 = tpu.memref_squeeze %dma_start3A_428 : memref<1x64x128xf32, #tpu.memory_space<vmem>> -> memref<64x128xf32, #tpu.memory_space<vmem>>
    %dma_start3A_430 = arith.constant 0 : i32
    %dma_start3A_431 = tpu.memref_slice %arg10[%add3A_424, %dma_start3A_430] : memref<4096x128xf32, #tpu.memory_space<hbm>> -> memref<64x128xf32, #tpu.memory_space<hbm>>
    %dma_start3A_432 = arith.constant 0 : i32
    %dma_start3A_433 = tpu.memref_slice %arg10[%add3A_424, %dma_start3A_432] : memref<4096x128xf32, #tpu.memory_space<hbm>> -> memref<64x128xf32, #tpu.memory_space<hbm>>
    %dma_start3A_434 = arith.constant 0 : i32
    %dma_start3A_435 = arith.constant 0 : i32
    %dma_start3A_436 = tpu.memref_slice %arg14[%dma_start3A_425, %dma_start3A_434, %dma_start3A_435] : memref<2x64x128xf32, #tpu.memory_space<vmem>> -> memref<1x64x128xf32, #tpu.memory_space<vmem>>
    %dma_start3A_437 = tpu.memref_squeeze %dma_start3A_436 : memref<1x64x128xf32, #tpu.memory_space<vmem>> -> memref<64x128xf32, #tpu.memory_space<vmem>>
    tpu.enqueue_dma source(%dma_start3A_437 : memref<64x128xf32, #tpu.memory_space<vmem>>) target(%dma_start3A_433 : memref<64x128xf32, #tpu.memory_space<hbm>>) target_semaphore(%arg22 : memref<!tpu.dma_semaphore, #tpu.memory_space<semaphore_mem>>)
    %dma_start3A_438 = arith.constant 1 : i32
    %dma_start3A_439 = arith.constant 0 : i32
    %dma_start3A_440 = arith.constant 0 : i32
    %dma_start3A_441 = tpu.memref_slice %arg15[%dma_start3A_438, %dma_start3A_439, %dma_start3A_440] : memref<2x64x128xf32, #tpu.memory_space<vmem>> -> memref<1x64x128xf32, #tpu.memory_space<vmem>>
    %dma_start3A_442 = tpu.memref_squeeze %dma_start3A_441 : memref<1x64x128xf32, #tpu.memory_space<vmem>> -> memref<64x128xf32, #tpu.memory_space<vmem>>
    %dma_start3A_443 = arith.constant 0 : i32
    %dma_start3A_444 = tpu.memref_slice %arg11[%add3A_424, %dma_start3A_443] : memref<4096x128xf32, #tpu.memory_space<hbm>> -> memref<64x128xf32, #tpu.memory_space<hbm>>
    %dma_start3A_445 = arith.constant 0 : i32
    %dma_start3A_446 = tpu.memref_slice %arg11[%add3A_424, %dma_start3A_445] : memref<4096x128xf32, #tpu.memory_space<hbm>> -> memref<64x128xf32, #tpu.memory_space<hbm>>
    %dma_start3A_447 = arith.constant 0 : i32
    %dma_start3A_448 = arith.constant 0 : i32
    %dma_start3A_449 = tpu.memref_slice %arg15[%dma_start3A_438, %dma_start3A_447, %dma_start3A_448] : memref<2x64x128xf32, #tpu.memory_space<vmem>> -> memref<1x64x128xf32, #tpu.memory_space<vmem>>
    %dma_start3A_450 = tpu.memref_squeeze %dma_start3A_449 : memref<1x64x128xf32, #tpu.memory_space<vmem>> -> memref<64x128xf32, #tpu.memory_space<vmem>>
    tpu.enqueue_dma source(%dma_start3A_450 : memref<64x128xf32, #tpu.memory_space<vmem>>) target(%dma_start3A_446 : memref<64x128xf32, #tpu.memory_space<hbm>>) target_semaphore(%arg22 : memref<!tpu.dma_semaphore, #tpu.memory_space<semaphore_mem>>)
    %dma_wait3A_451 = arith.constant 0 : i32
    %dma_wait3A_452 = arith.constant 0 : i32
    %dma_wait3A_453 = arith.constant 0 : i32
    %dma_wait3A_454 = tpu.memref_slice %arg14[%dma_wait3A_451, %dma_wait3A_452, %dma_wait3A_453] : memref<2x64x128xf32, #tpu.memory_space<vmem>> -> memref<1x64x128xf32, #tpu.memory_space<vmem>>
    %dma_wait3A_455 = tpu.memref_squeeze %dma_wait3A_454 : memref<1x64x128xf32, #tpu.memory_space<vmem>> -> memref<64x128xf32, #tpu.memory_space<vmem>>
    %dma_wait3A_456 = arith.constant 0 : i32
    %dma_wait3A_457 = tpu.memref_slice %arg10[%add3A_364, %dma_wait3A_456] : memref<4096x128xf32, #tpu.memory_space<hbm>> -> memref<64x128xf32, #tpu.memory_space<hbm>>
    %dma_wait3A_458 = arith.constant 0 : i32
    %dma_wait3A_459 = tpu.memref_slice %arg10[%add3A_364, %dma_wait3A_458] : memref<4096x128xf32, #tpu.memory_space<hbm>> -> memref<64x128xf32, #tpu.memory_space<hbm>>
    %dma_wait3A_460 = arith.constant 0 : i32
    %dma_wait3A_461 = arith.constant 0 : i32
    %dma_wait3A_462 = tpu.memref_slice %arg14[%dma_wait3A_451, %dma_wait3A_460, %dma_wait3A_461] : memref<2x64x128xf32, #tpu.memory_space<vmem>> -> memref<1x64x128xf32, #tpu.memory_space<vmem>>
    %dma_wait3A_463 = tpu.memref_squeeze %dma_wait3A_462 : memref<1x64x128xf32, #tpu.memory_space<vmem>> -> memref<64x128xf32, #tpu.memory_space<vmem>>
    tpu.wait_dma2 semaphore(%arg21 : memref<!tpu.dma_semaphore, #tpu.memory_space<semaphore_mem>>) src(%dma_wait3A_463 : memref<64x128xf32, #tpu.memory_space<vmem>>) dst(%dma_wait3A_459 : memref<64x128xf32, #tpu.memory_space<hbm>>)
    %dma_wait3A_464 = arith.constant 0 : i32
    %dma_wait3A_465 = arith.constant 0 : i32
    %dma_wait3A_466 = arith.constant 0 : i32
    %dma_wait3A_467 = tpu.memref_slice %arg15[%dma_wait3A_464, %dma_wait3A_465, %dma_wait3A_466] : memref<2x64x128xf32, #tpu.memory_space<vmem>> -> memref<1x64x128xf32, #tpu.memory_space<vmem>>
    %dma_wait3A_468 = tpu.memref_squeeze %dma_wait3A_467 : memref<1x64x128xf32, #tpu.memory_space<vmem>> -> memref<64x128xf32, #tpu.memory_space<vmem>>
    %dma_wait3A_469 = arith.constant 0 : i32
    %dma_wait3A_470 = tpu.memref_slice %arg11[%add3A_364, %dma_wait3A_469] : memref<4096x128xf32, #tpu.memory_space<hbm>> -> memref<64x128xf32, #tpu.memory_space<hbm>>
    %dma_wait3A_471 = arith.constant 0 : i32
    %dma_wait3A_472 = tpu.memref_slice %arg11[%add3A_364, %dma_wait3A_471] : memref<4096x128xf32, #tpu.memory_space<hbm>> -> memref<64x128xf32, #tpu.memory_space<hbm>>
    %dma_wait3A_473 = arith.constant 0 : i32
    %dma_wait3A_474 = arith.constant 0 : i32
    %dma_wait3A_475 = tpu.memref_slice %arg15[%dma_wait3A_464, %dma_wait3A_473, %dma_wait3A_474] : memref<2x64x128xf32, #tpu.memory_space<vmem>> -> memref<1x64x128xf32, #tpu.memory_space<vmem>>
    %dma_wait3A_476 = tpu.memref_squeeze %dma_wait3A_475 : memref<1x64x128xf32, #tpu.memory_space<vmem>> -> memref<64x128xf32, #tpu.memory_space<vmem>>
    tpu.wait_dma2 semaphore(%arg21 : memref<!tpu.dma_semaphore, #tpu.memory_space<semaphore_mem>>) src(%dma_wait3A_476 : memref<64x128xf32, #tpu.memory_space<vmem>>) dst(%dma_wait3A_472 : memref<64x128xf32, #tpu.memory_space<hbm>>)
    %dma_wait3A_477 = arith.constant 1 : i32
    %dma_wait3A_478 = arith.constant 0 : i32
    %dma_wait3A_479 = arith.constant 0 : i32
    %dma_wait3A_480 = tpu.memref_slice %arg14[%dma_wait3A_477, %dma_wait3A_478, %dma_wait3A_479] : memref<2x64x128xf32, #tpu.memory_space<vmem>> -> memref<1x64x128xf32, #tpu.memory_space<vmem>>
    %dma_wait3A_481 = tpu.memref_squeeze %dma_wait3A_480 : memref<1x64x128xf32, #tpu.memory_space<vmem>> -> memref<64x128xf32, #tpu.memory_space<vmem>>
    %dma_wait3A_482 = arith.constant 0 : i32
    %dma_wait3A_483 = tpu.memref_slice %arg10[%add3A_424, %dma_wait3A_482] : memref<4096x128xf32, #tpu.memory_space<hbm>> -> memref<64x128xf32, #tpu.memory_space<hbm>>
    %dma_wait3A_484 = arith.constant 0 : i32
    %dma_wait3A_485 = tpu.memref_slice %arg10[%add3A_424, %dma_wait3A_484] : memref<4096x128xf32, #tpu.memory_space<hbm>> -> memref<64x128xf32, #tpu.memory_space<hbm>>
    %dma_wait3A_486 = arith.constant 0 : i32
    %dma_wait3A_487 = arith.constant 0 : i32
    %dma_wait3A_488 = tpu.memref_slice %arg14[%dma_wait3A_477, %dma_wait3A_486, %dma_wait3A_487] : memref<2x64x128xf32, #tpu.memory_space<vmem>> -> memref<1x64x128xf32, #tpu.memory_space<vmem>>
    %dma_wait3A_489 = tpu.memref_squeeze %dma_wait3A_488 : memref<1x64x128xf32, #tpu.memory_space<vmem>> -> memref<64x128xf32, #tpu.memory_space<vmem>>
    tpu.wait_dma2 semaphore(%arg22 : memref<!tpu.dma_semaphore, #tpu.memory_space<semaphore_mem>>) src(%dma_wait3A_489 : memref<64x128xf32, #tpu.memory_space<vmem>>) dst(%dma_wait3A_485 : memref<64x128xf32, #tpu.memory_space<hbm>>)
    %dma_wait3A_490 = arith.constant 1 : i32
    %dma_wait3A_491 = arith.constant 0 : i32
    %dma_wait3A_492 = arith.constant 0 : i32
    %dma_wait3A_493 = tpu.memref_slice %arg15[%dma_wait3A_490, %dma_wait3A_491, %dma_wait3A_492] : memref<2x64x128xf32, #tpu.memory_space<vmem>> -> memref<1x64x128xf32, #tpu.memory_space<vmem>>
    %dma_wait3A_494 = tpu.memref_squeeze %dma_wait3A_493 : memref<1x64x128xf32, #tpu.memory_space<vmem>> -> memref<64x128xf32, #tpu.memory_space<vmem>>
    %dma_wait3A_495 = arith.constant 0 : i32
    %dma_wait3A_496 = tpu.memref_slice %arg11[%add3A_424, %dma_wait3A_495] : memref<4096x128xf32, #tpu.memory_space<hbm>> -> memref<64x128xf32, #tpu.memory_space<hbm>>
    %dma_wait3A_497 = arith.constant 0 : i32
    %dma_wait3A_498 = tpu.memref_slice %arg11[%add3A_424, %dma_wait3A_497] : memref<4096x128xf32, #tpu.memory_space<hbm>> -> memref<64x128xf32, #tpu.memory_space<hbm>>
    %dma_wait3A_499 = arith.constant 0 : i32
    %dma_wait3A_500 = arith.constant 0 : i32
    %dma_wait3A_501 = tpu.memref_slice %arg15[%dma_wait3A_490, %dma_wait3A_499, %dma_wait3A_500] : memref<2x64x128xf32, #tpu.memory_space<vmem>> -> memref<1x64x128xf32, #tpu.memory_space<vmem>>
    %dma_wait3A_502 = tpu.memref_squeeze %dma_wait3A_501 : memref<1x64x128xf32, #tpu.memory_space<vmem>> -> memref<64x128xf32, #tpu.memory_space<vmem>>
    tpu.wait_dma2 semaphore(%arg22 : memref<!tpu.dma_semaphore, #tpu.memory_space<semaphore_mem>>) src(%dma_wait3A_502 : memref<64x128xf32, #tpu.memory_space<vmem>>) dst(%dma_wait3A_498 : memref<64x128xf32, #tpu.memory_space<hbm>>)
    return
  }
}

</mosaic_0001>

<sc_bundles>
// kernel: _sc_call.3.cloned.1.call-start
scs
__scs_entry_jumppad:
0x0: {  	(pc) =	sbr.rel $0x88, $3  }
0x1: {  	(tag) =	ssettag $0x0;
	lr =	simm.s32 $0x1  }
0x2: {  	[smem:$0x3F99] =	sst lr;
	_ =	strace $0xD0000000  }
0x3: {  	_ = 	snop  }
0x4: {  	_ = 	snop  }
0x5: {  	_ = 	snop  }
0x6: {  	_ = 	snop  }
0x7: {  	_ = 	snop  }
__scs_overlays_trampoline_lowered:
0x8: {  	[smem:$0x3FA8] =	sst s0  }
0x9: {  	[smem:$0x3FA9] =	sst s1  }
0xa: {  	[smem:$0x3FAA] =	sst s2  }
0xb: {  	[smem:$0x3FAB] =	sst s3  }
0xc: {  	[smem:$0x3FAC] =	sst s4  }
0xd: {  	[smem:$0x3FAD] =	sst s5  }
0xe: {  	[smem:$0x3FAE] =	sst s6  }
0xf: {  	[smem:$0x3FAF] =	sst s7  }
0x10: {  	[smem:$0x3FB0] =	sst s8  }
0x11: {  	[smem:$0x3FB1] =	sst s9;
	s0 =	simm.s32 @!p0 $0x0  }
0x12: {  	s1 =	sld [smem:$0x3F97];
	s0 =	simm.s32 @p0 $0x1  }
0x13: {  	[smem:$0x3FB2] =	sst s0;
	s0 =	simm.s32 @!p1 $0x0  }
0x14: {  	s2 =	sld [smem:$0x3F96];
	s0 =	simm.s32 @p1 $0x1  }
0x15: {  	[smem:$0x3FB3] =	sst s0;
	s0 =	simm.s32 @!p2 $0x0  }
0x16: {  	s3 =	sld [smem:$0x3FDB];
	s0 =	simm.s32 @p2 $0x1  }
0x17: {  	s4 =	simm.s32 $0x1BF5;
	[smem:$0x3FB5] =	sst s0  }
0x18: {  	s0 =	sld [smem:$0x3F98];
	_ =	swait.ge [sflag:s4], $0x0  }
0x19: {  	s7 =	sld [smem:$0x3F99]  }
0x1a: {  	s8 =	sadd.s32 $0xFFFFE003, lr  }
0x1b: {  	s9 =	sadd.s32 $0xFFFFFEF7, lr;
	s5 =	simm.s32 $0xFFFFFFFF;
	p2 =	slt.u32 s8, $0xFFFFF086  }
0x1c: {  	p1 =	slt.u32 s9, $0xF7A;
	s5 =	simm.s32 @!p2 $0x0  }
0x1d: {  	s5 =	simm.s32 @p1 $0x1;
	p0 =	seq.s32 s7, s2  }
0x1e: {  	s7 =	smul.u32 @!p0 $0xF7A, s2;
	p2 =	seq.s32 @!p0 s5, $0x0  }
0x1f: {  	s9 =	smul.u32 $0xF7A, s1;
	s8 =	simm.s32 @!p0 $0x1BF5;
	p2 =	por !p2, p0  }
0x20: {  	[sflag:s8] =	ssyncset.s32 @!p0 $0xFFFFF086;
	s6 =	sadd.s32 @!p0 s3, s7;
	s7 =	simm.s32 @!p0 $0x108  }
0x21: {  	s3 =	sadd.s32 s3, s9;
	s6 =	sadd.s32 @!p0 $0x88, s6;
	s7 =	simm.s32 @p2 $0x1082  }
0x22: {  	[simem:s7], [sflag:s8] =	dma.local @!p0 [hbm:s6], $0xF7A  }
0x23: {  	s9 =	sor.u32 $0xD0000000, s2;
	s6 =	simm.s32 $0x108;
	_ =	swait.ge @!p0 [sflag:s8], $0x0  }
0x24: {  	s3 =	sadd.s32 $0x88, s3;
	s6 =	simm.s32 @!p1 $0x1082;
	[sflag:s4] =	ssyncset.s32 $0xFFFFF086  }
0x25: {  	[simem:s6], [sflag:s4] =	dma.local [hbm:s3], $0xF7A  }
0x26: {  	[smem:$0x3F99] =	sst s1;
	(tag) =	ssettag s2;
	_ =	strace s9  }
0x27: {  	s1 =	sld [smem:$0x3FA9]  }
0x28: {  	s2 =	sld [smem:$0x3FAA]  }
0x29: {  	s4 =	sld [smem:$0x3FAC]  }
0x2a: {  	p0 =	seq.s32 s5, $0x0;
	s5 =	sld [smem:$0x3FAD]  }
0x2b: {  	s6 =	sld [smem:$0x3FAE]  }
0x2c: {  	s7 =	sld [smem:$0x3FAF]  }
0x2d: {  	s3 =	simm.s32 $0x108;
	s8 =	sld [smem:$0x3FB0]  }
0x2e: {  	s3 =	simm.s32 @!p0 $0x1082;
	s9 =	sld [smem:$0x3FB1]  }
0x2f: {  	lr =	sadd.s32 s0, s3;
	s0 =	sld [smem:$0x3FA8]  }
0x30: {  	s3 =	sld [smem:$0x3FAB]  }
0x31: {  	[smem:$0x3FB4] =	sst s10  }
0x32: {  	s10 =	sld [smem:$0x3FB2];
	_ =	sdelay $0x3  }
0x33: {  	p0 =	seq.s32 s10, $0x1;
	s10 =	sld [smem:$0x3FB4];
	_ =	sdelay $0x3  }
0x34: {  	[smem:$0x3FB4] =	sst s10  }
0x35: {  	s10 =	sld [smem:$0x3FB3];
	_ =	sdelay $0x3  }
0x36: {  	p1 =	seq.s32 s10, $0x1;
	s10 =	sld [smem:$0x3FB4];
	_ =	sdelay $0x3  }
0x37: {  	[smem:$0x3FB4] =	sst s10  }
0x38: {  	s10 =	sld [smem:$0x3FB5]  }
0x39: {  	_ = 	snop;
	(pc) =	sbr.ind lr, $3  }
0x3a: {  	_ = 	snop  }
0x3b: {  	_ = 	snop  }
0x3c: {  	p2 =	seq.s32 s10, $0x1;
	s10 =	sld [smem:$0x3FB4]  }
0x3d: {  	_ =	shalt  }
0x3e: {  	_ =	shalt  }
0x3f: {  	_ =	shalt  }
0x40: {  	_ =	shalt  }
0x41: {  	_ =	shalt  }
0x42: {  	_ =	shalt  }
0x43: {  	_ =	shalt  }
0x44: {  	_ =	shalt  }
0x45: {  	_ =	shalt  }
0x46: {  	_ =	shalt  }
0x47: {  	_ =	shalt  }
0x48: {  	_ =	shalt  }
0x49: {  	_ =	shalt  }
0x4a: {  	_ =	shalt  }
0x4b: {  	_ =	shalt  }
0x4c: {  	_ =	shalt  }
0x4d: {  	_ =	shalt  }
0x4e: {  	_ =	shalt  }
0x4f: {  	_ =	shalt  }
0x50: {  	_ =	shalt  }
0x51: {  	_ =	shalt  }
0x52: {  	_ =	shalt  }
0x53: {  	_ =	shalt  }
0x54: {  	_ =	shalt  }
0x55: {  	_ =	shalt  }
0x56: {  	_ =	shalt  }
0x57: {  	_ =	shalt  }
0x58: {  	_ =	shalt  }
0x59: {  	_ =	shalt  }
0x5a: {  	_ =	shalt  }
0x5b: {  	_ =	shalt  }
0x5c: {  	_ =	shalt  }
0x5d: {  	_ =	shalt  }
0x5e: {  	_ =	shalt  }
0x5f: {  	_ =	shalt  }
0x60: {  	_ =	shalt  }
0x61: {  	_ =	shalt  }
0x62: {  	_ =	shalt  }
0x63: {  	_ =	shalt  }
0x64: {  	_ =	shalt  }
0x65: {  	_ =	shalt  }
0x66: {  	_ =	shalt  }
0x67: {  	_ =	shalt  }
0x68: {  	_ =	shalt  }
0x69: {  	_ =	shalt  }
0x6a: {  	_ =	shalt  }
0x6b: {  	_ =	shalt  }
0x6c: {  	_ =	shalt  }
0x6d: {  	_ =	shalt  }
0x6e: {  	_ =	shalt  }
0x6f: {  	_ =	shalt  }
0x70: {  	_ =	shalt  }
0x71: {  	_ =	shalt  }
0x72: {  	_ =	shalt  }
0x73: {  	_ =	shalt  }
0x74: {  	_ =	shalt  }
0x75: {  	_ =	shalt  }
0x76: {  	_ =	shalt  }
0x77: {  	_ =	shalt  }
0x78: {  	_ =	shalt  }
0x79: {  	_ =	shalt  }
0x7a: {  	_ =	shalt  }
0x7b: {  	_ =	shalt  }
0x7c: {  	_ =	shalt  }
0x7d: {  	_ =	shalt  }
0x7e: {  	_ =	shalt  }
0x7f: {  	_ =	shalt  }
0x80: {  	_ =	shalt  }
0x81: {  	_ =	shalt  }
0x82: {  	_ =	shalt  }
0x83: {  	_ =	shalt  }
0x84: {  	_ =	shalt  }
0x85: {  	_ =	shalt  }
0x86: {  	_ =	shalt  }
0x87: {  	_ =	shalt  }
.Lfunc_end0:
.L_simem_size_0:
called_computation_lowered:
.L_overlay_start_0:
0x88: {  	s2 =	sld [smem:$0x3FD9]  }
0x89: {  	s3 =	sld [smem:$0x3FFE];
	_ =	sdelay $0x1  }
0x8a: {  	s1 =	srdreg.scid  }
0x8b: {  	s0 =	sand.u32 $0x1, s1  }
0x8c: {  	s30 =	sshll.u32 s0, $0xA;
	s2 =	sadd.s32 s3, s2  }
0x8d: {  	s2 =	sadd.s32 s2, s30  }
0x8e: {  	[smem:$0x3FC0] =	sst s2  }
0x8f: {  	_ = 	snop  }
0x90: {  	s2 =	sld [smem:$0x3FC9]  }
0x91: {  	s31 =	sld [smem:$0x3FC8]  }
0x92: {  	s4 =	sld [smem:$0x3FC7]  }
0x93: {  	s5 =	sld [smem:$0x3FC6]  }
0x94: {  	s6 =	sld [smem:$0x3FC5]  }
0x95: {  	s7 =	sld [smem:$0x3FD0]  }
0x96: {  	s8 =	sld [smem:$0x3FC4]  }
0x97: {  	s9 =	sld [smem:$0x3FC3]  }
0x98: {  	s11 =	simm.s32 $0xA;
	s12 =	simm.s32 $0x10;
	s10 =	sld [smem:$0x3FC2]  }
0x99: {  	[smem:s12], [sflag:s11] =	dma.local [hbm:s7], $0x1  }
0x9a: {  	_ =	swait.eq [sflag:s11], $0x1  }
0x9b: {  	[sflag:s11] =	ssyncset.done $0x0  }
0x9c: {  	s17 =	sld [smem:$0x10];
	[sflag:s11] =	ssyncadd.s32 $0xFFFFFFFF  }
0x9d: {  	s18 =	sld [smem:$0x11];
	(tm) =	ssettm $0x1  }
0x9e: {  	s19 =	sld [smem:$0x3FFB];
	_ =	sdelay $0x3  }
0x9f: {  	_ =	strace s19  }
0xa0: {  	s12 =	sld [smem:$0x3FFC];
	_ =	sdelay $0x3  }
0xa1: {  	_ =	strace s12  }
0xa2: {  	s12 =	sld [smem:$0x3FFD];
	_ =	sdelay $0x3  }
0xa3: {  	_ =	strace s12  }
0xa4: {  	_ =	strace $0x8FFFFFFF  }
0xa5: {  	s20 =	sld [smem:$0x3FDB];
	_ =	sdelay $0x1  }
0xa6: {  	s13 =	simm.s32 $_scs_section_size  }
0xa7: {  	s14 =	simm.s32 $_size__tile_overlayer_lowered;
	s15 =	simm.s32 $_tile_overlayer_lowered  }
0xa8: {  	s23 =	simm.s32 $0x1BFF;
	s22 =	sshll.u32 s15, $0x1;
	s12 =	sadd.s32 s13, s20  }
0xa9: {  	s16 =	simm.s32 $0x0;
	s21 =	sshll.u32 s14, $0x1;
	s14 =	sadd.s32 s22, s12  }
0xaa: {  	[timem:s16], [sflag:s23] =	dma.local [hbm:s14], s21  }
0xab: {  	_ =	swait.ge [sflag:s23], s21  }
0xac: {  	s13 =	ssub.s32 $0x0, s21;
	[sflag:s23] =	ssyncset.done $0x0  }
0xad: {  	[sflag:s23] =	ssyncadd.s32 s13;
	_ =	sdelay $0x1  }
0xae: {  	s24 =	simm.s32 $0x1B8B  }
0xaf: {  	_ =	swait.ge [sflag:s24], $0x1  }
0xb0: {  	[sflag:s24] =	ssyncset.done $0x0  }
0xb1: {  	s25 =	simm.s32 $0x1B8E;
	[sflag:s24] =	ssyncadd.s32 $0xFFFFFFFF  }
0xb2: {  	s26 =	simm.s32 $execute0_lowered;
	[smem:$0x3FD2] =	sst s25  }
0xb3: {  	s13 =	sshll.u32 s26, $0x1;
	_ =	strace $0x80000046;
	[dreg:$0x1] =	wrdreg $0xFFFFFFFF  }
0xb4: {  	s28 =	simm.s32 $_size_execute0_lowered;
	s12 =	sadd.s32 s12, s13;
	[dreg:$0x0] =	wrdreg $0x0  }
0xb5: {  	s13 =	sshll.u32 s28, $0x1;
	[dreg:$0x2] =	wrdreg s12  }
0xb6: {  	[dreg:$0x3] =	wrdreg s13  }
0xb7: {  	[dreg:$0x4] =	wrdreg $0xC0  }
0xb8: {  	_ =	task [dreg:s16], $0x5FFFF  }
0xb9: {  	[dreg:$0x1] =	wrdreg $0xFFFFFFFF  }
0xba: {  	[dreg:$0x0] =	wrdreg $0x60  }
0xbb: {  	[dreg:$0x2] =	wrdreg s2  }
0xbc: {  	[dreg:$0x3] =	wrdreg s31  }
0xbd: {  	[dreg:$0x4] =	wrdreg s4  }
0xbe: {  	[dreg:$0x5] =	wrdreg s5  }
0xbf: {  	[dreg:$0x6] =	wrdreg s6  }
0xc0: {  	[dreg:$0x7] =	wrdreg s8  }
0xc1: {  	[dreg:$0x8] =	wrdreg s9  }
0xc2: {  	[dreg:$0x9] =	wrdreg s10  }
0xc3: {  	[dreg:$0xa] =	wrdreg s17  }
0xc4: {  	[dreg:$0xb] =	wrdreg s18  }
0xc5: {  	[dreg:$0xc] =	wrdreg $0x9  }
0xc6: {  	_ =	task.clear_ibuf [dreg:s16], $0xDFFFF;
	_ =	strace $0x90000046  }
0xc7: {  	s29 =	simm.s32 $0x9;
	_ =	strace $0x80000048  }
0xc8: {  	_ =	swait.ge [sflag:s29], $0x1  }
0xc9: {  	[sflag:s29] =	ssyncadd.s32 $0xFFFFFFFF  }
0xca: {  	_ =	strace $0x90000048  }
0xcb: {  	_ =	sfence  }
0xcc: {  	s30 =	sld [smem:$0x0];
	_ =	sdelay $0x2  }
0xcd: {  	s31 =	sshll.u32 s1, $0xD;
	s1 =	sshrl.u32 s1, $0x2  }
0xce: {  	s3 =	sand.u32 $0x4000, s31;
	s1 =	sadd.s32 s1, s30  }
0xcf: {  	s0 =	sor.u32 s3, s0;
	s1 =	sshll.u32 s1, $0x11  }
0xd0: {  	s0 =	sor.u32 s1, s0  }
0xd1: {  	s0 =	sadd.s32 $0x8F2B, s0  }
0xd2: {  	[sflag:s0] =	ssyncadd.remote.s32 $0x1  }
0xd3: {  	_ =	sfence.sel $0xFFFF  }
0xd4: {  	[dreg:$0x0] =	wrdreg $0xFFFFFFFF;
	(pc) =	sbr.abs _section_cstart, $3  }
0xd5: {  	[dreg:$0x1] =	wrdreg $0xFFFFFFFF  }
0xd6: {  	_ =	task.clear_ibuf [dreg:s16], $0x2FFFF;
	_ =	strace $0x9FFFFFFF  }
0xd7: {  	(tm) =	ssettm $0x7FFFFFFF  }
tec
execute0_lowered:
.L_overlay_start_1:
0x0: {  	(tag) =	ssettag $0x1  }
0x1: {  	s0 =	rddreg [dreg:$0x0]  }
0x2: {  	s1 =	rddreg [dreg:$0x1]  }
0x3: {  	s2 =	rddreg [dreg:$0x8]  }
0x4: {  	s3 =	rddreg [dreg:$0x9]  }
0x5: {  	s8 =	simm.s32 $0x0;
	s4 =	srdreg.scid;
	s6 =	stileid.u32  }
0x6: {  	s26 =	simm.s32 $0x6000;
	s28 =	simm.s32 $0x1;
	s29 =	simm.s32 $0x2  }
0x7: {  	s30 =	simm.s32 $0x8000;
	s31 =	simm.s32 $0xC000;
	s4 =	sand.u32 $0x1, s4  }
0x8: {  	s6 =	sshll.u32 s6, $0xC;
	s5 =	ssub.s32 $0x2, s4;
	s4 =	sshll.u32 s4, $0xB  }
0x9: {  	[smem:$0x7FF] =	sst s8;
	s7 =	sshrl.u32 s5, $0x1;
	s4 =	sor.u32 s4, s6  }
0xa: {  	_ =	strace $0x80000047;
	s5 =	ssub.s32 s5, s7;
	s9 =	sadd.s32 s0, s4  }
0xb: {  	s6 =	sor.u32 $0x400, s4;
	s10 =	sadd.s32 s1, s4;
	s13 =	sadd.s32 s2, s4  }
0xc: {  	s14 =	sadd.s32 s3, s4;
	s7 =	simm.s32 $0xA000;
	s4 =	simm.s32 $0x0  }
0xd: {  	s11 =	sadd.s32 s0, s6;
	s12 =	sadd.s32 s1, s6;
	s15 =	sadd.s32 s2, s6  }
0xe: {  	s16 =	sadd.s32 s3, s6;
	s17 =	smax.u32 s5, $0x1;
	s2 =	simm.s32 $0x3  }
0xf: {  	s0 =	simm.s32 $0xE000;
	s1 =	simm.s32 $0x4;
	s3 =	simm.s32 $0x5  }
.LBB2_1:
0x10: {  	s5 =	rddreg [dreg:$0x2];
	s6 =	simm.s32 $0x10000  }
0x11: {  	[tilespmem:s6], [sflag:$0x1] =	stream.linear.gather [hbm4b:s5+s8], $0x80, $0x38;
	[tilespmem:$0x10400] =	vst v63  }
0x12: {  	s20 =	rddreg [dreg:$0x3];
	s21 =	simm.s32 $0x10080  }
0x13: {  	[tilespmem:s21], [sflag:$0x1] =	stream.linear.gather [hbm4b:s20+s8], $0x80, $0x38;
	[tilespmem:$0x10400] =	vst v63  }
0x14: {  	s22 =	rddreg [dreg:$0x4];
	s23 =	simm.s32 $0x10100  }
0x15: {  	[tilespmem:s23], [sflag:$0x1] =	stream.linear.gather [hbm4b:s22+s8], $0x80, $0x38;
	[tilespmem:$0x10400] =	vst v63  }
0x16: {  	s24 =	rddreg [dreg:$0x5];
	s25 =	simm.s32 $0x10180  }
0x17: {  	[tilespmem:s25], [sflag:$0x1] =	stream.linear.gather [hbm4b:s24+s8], $0x80, $0x38;
	[tilespmem:$0x10400] =	vst v63  }
0x18: {  	s18 =	simm.s32 $0x10200;
	s6 =	rddreg [dreg:$0x6]  }
0x19: {  	[tilespmem:s18], [sflag:$0x1] =	stream.linear.gather [hbm4b:s6+s8], $0x80, $0x38;
	[tilespmem:$0x10400] =	vst v63  }
0x1a: {  	s19 =	rddreg [dreg:$0x7];
	s20 =	simm.s32 $0x10280  }
0x1b: {  	[tilespmem:s20], [sflag:$0x1] =	stream.linear.gather [hbm4b:s19+s8], $0x80, $0x38;
	[tilespmem:$0x10400] =	vst v63  }
0x1c: {  	_ = 	snop  }
0x1d: {  	[tilespmem:s8], [sflag:$0x2] =	stream.linear.gather [hbm4b:s9+s8], $0x2000, $0x38;
	[tilespmem:$0x10400] =	vst v63  }
0x1e: {  	s21 =	simm.s32 $0x4000  }
0x1f: {  	[tilespmem:s21], [sflag:$0x2] =	stream.linear.gather [hbm4b:s10+s8], $0x2000, $0x38;
	[tilespmem:$0x10400] =	vst v63  }
0x20: {  	s22 =	simm.s32 $0x2000  }
0x21: {  	[tilespmem:s22], [sflag:$0x3] =	stream.linear.gather [hbm4b:s11+s8], $0x2000, $0x38;
	[tilespmem:$0x10400] =	vst v63  }
0x22: {  	_ = 	snop  }
0x23: {  	[tilespmem:s26], [sflag:$0x3] =	stream.linear.gather [hbm4b:s12+s8], $0x2000, $0x38;
	[tilespmem:$0x10400] =	vst v63  }
0x24: {  	_ =	swait.ge [sflag:s28], $0x80  }
0x25: {  	[sflag:s28] =	ssyncset.done $0x0  }
0x26: {  	[sflag:s28] =	ssyncadd.s32 $0xFFFFFF80  }
0x27: {  	_ =	swait.ge [sflag:s28], $0x80  }
0x28: {  	[sflag:s28] =	ssyncset.done $0x0  }
0x29: {  	[sflag:s28] =	ssyncadd.s32 $0xFFFFFF80  }
0x2a: {  	_ =	swait.ge [sflag:s28], $0x80  }
0x2b: {  	[sflag:s28] =	ssyncset.done $0x0  }
0x2c: {  	[sflag:s28] =	ssyncadd.s32 $0xFFFFFF80  }
0x2d: {  	_ =	swait.ge [sflag:s28], $0x80  }
0x2e: {  	[sflag:s28] =	ssyncset.done $0x0  }
0x2f: {  	[sflag:s28] =	ssyncadd.s32 $0xFFFFFF80  }
0x30: {  	_ =	swait.ge [sflag:s28], $0x80  }
0x31: {  	[sflag:s28] =	ssyncset.done $0x0  }
0x32: {  	[sflag:s28] =	ssyncadd.s32 $0xFFFFFF80  }
0x33: {  	_ =	swait.ge [sflag:s28], $0x80  }
0x34: {  	[sflag:s28] =	ssyncset.done $0x0  }
0x35: {  	[sflag:s28] =	ssyncadd.s32 $0xFFFFFF80  }
0x36: {  	v0 =	vld [tilespmem:$0x10200];
	_ =	sdelay $0x4  }
0x37: {  	[tilespmem:$0x1FF00] =	vst v0;
	v0 =	vld [tilespmem:$0x10210];
	_ =	sdelay $0x4  }
0x38: {  	[tilespmem:$0x1FF10] =	vst v0;
	v0 =	vld [tilespmem:$0x10220];
	_ =	sdelay $0x4  }
0x39: {  	[tilespmem:$0x1FF20] =	vst v0;
	v0 =	vld [tilespmem:$0x10230];
	_ =	sdelay $0x4  }
0x3a: {  	[tilespmem:$0x1FF30] =	vst v0;
	v0 =	vld [tilespmem:$0x10240];
	_ =	sdelay $0x4  }
0x3b: {  	[tilespmem:$0x1FF40] =	vst v0;
	v0 =	vld [tilespmem:$0x10250];
	_ =	sdelay $0x4  }
0x3c: {  	[tilespmem:$0x1FF50] =	vst v0;
	v0 =	vld [tilespmem:$0x10260];
	_ =	sdelay $0x4  }
0x3d: {  	[tilespmem:$0x1FF60] =	vst v0;
	v0 =	vld [tilespmem:$0x10270];
	_ =	sdelay $0x4  }
0x3e: {  	[tilespmem:$0x1FF70] =	vst v0;
	v0 =	vld [tilespmem:$0x10280];
	_ =	sdelay $0x2  }
0x3f: {  	v22 =	vld [tilespmem:$0x10000]  }
0x40: {  	v23 =	vld [tilespmem:$0x10010]  }
0x41: {  	[tilespmem:$0x1FF80] =	vst v0;
	v0 =	vld [tilespmem:$0x10290]  }
0x42: {  	v24 =	vld [tilespmem:$0x10020]  }
0x43: {  	v25 =	vld [tilespmem:$0x10030]  }
0x44: {  	v29 =	vld [tilespmem:$0x10040]  }
0x45: {  	v20 =	vld [tilespmem:$0x10050]  }
0x46: {  	[tilespmem:$0x1FF90] =	vst v0;
	v0 =	vld [tilespmem:$0x102A0]  }
0x47: {  	v17 =	vld [tilespmem:$0x10060]  }
0x48: {  	v16 =	vld [tilespmem:$0x10070]  }
0x49: {  	v28 =	vld [tilespmem:$0x10080]  }
0x4a: {  	v31 =	vld [tilespmem:$0x10090]  }
0x4b: {  	[tilespmem:$0x1FFA0] =	vst v0;
	v0 =	vld [tilespmem:$0x102B0]  }
0x4c: {  	v32 =	vld [tilespmem:$0x100A0]  }
0x4d: {  	v33 =	vld [tilespmem:$0x100B0]  }
0x4e: {  	v34 =	vld [tilespmem:$0x100C0]  }
0x4f: {  	v18 =	vld [tilespmem:$0x100D0]  }
0x50: {  	[tilespmem:$0x1FFB0] =	vst v0;
	v0 =	vld [tilespmem:$0x102C0]  }
0x51: {  	v36 =	vld [tilespmem:$0x100E0]  }
0x52: {  	v15 =	vld [tilespmem:$0x100F0]  }
0x53: {  	v35 =	vld [tilespmem:$0x10100]  }
0x54: {  	v38 =	vld [tilespmem:$0x10110]  }
0x55: {  	[tilespmem:$0x1FFC0] =	vst v0;
	v0 =	vld [tilespmem:$0x102D0]  }
0x56: {  	v37 =	vld [tilespmem:$0x10120]  }
0x57: {  	v39 =	vld [tilespmem:$0x10130]  }
0x58: {  	v30 =	vld [tilespmem:$0x10140]  }
0x59: {  	v26 =	vld [tilespmem:$0x10150]  }
0x5a: {  	[tilespmem:$0x1FFD0] =	vst v0;
	v0 =	vld [tilespmem:$0x102E0]  }
0x5b: {  	v21 =	vld [tilespmem:$0x10160]  }
0x5c: {  	v19 =	vld [tilespmem:$0x10170]  }
0x5d: {  	v40 =	vld [tilespmem:$0x10180]  }
0x5e: {  	v41 =	vld [tilespmem:$0x10190]  }
0x5f: {  	[tilespmem:$0x1FFE0] =	vst v0;
	v0 =	vld [tilespmem:$0x102F0]  }
0x60: {  	v42 =	vld [tilespmem:$0x101A0]  }
0x61: {  	v43 =	vld [tilespmem:$0x101B0]  }
0x62: {  	v44 =	vld [tilespmem:$0x101C0]  }
0x63: {  	v45 =	vld [tilespmem:$0x101D0]  }
0x64: {  	v47 =	vld [tilespmem:$0x101E0];
	[tilespmem:$0x1FFF0] =	vst v0  }
0x65: {  	v27 =	vld [tilespmem:$0x101F0];
	_ =	swait.ge [sflag:s29], $0x2000  }
0x66: {  	[sflag:s29] =	ssyncset.done $0x0  }
0x67: {  	[sflag:s29] =	ssyncadd.s32 $0xFFFFE000  }
0x68: {  	_ =	swait.ge [sflag:s29], $0x2000  }
0x69: {  	[sflag:s29] =	ssyncset.done $0x0  }
0x6a: {  	s23 =	simm.s32 $0x0;
	[sflag:s29] =	ssyncadd.s32 $0xFFFFE000  }
0x6b: {  	v0 =	vld [tilespmem:s23+$0x4000]  }
0x6c: {  	v1 =	vld [tilespmem:s23+$0x0]  }
0x6d: {  	v2 =	vld [tilespmem:s23+$0x4010]  }
0x6e: {  	v3 =	vld [tilespmem:s23+$0x10]  }
0x6f: {  	v5 =	vld [tilespmem:s23+$0x20]  }
0x70: {  	v9 =	vld [tilespmem:s23+$0x30]  }
0x71: {  	v48 =	vld [tilespmem:s23+$0x40]  }
0x72: {  	v6 =	vmul.f32 v0, v22;
	v7 =	vmul.f32 v1, v40  }
0x73: {  	v4 =	vld [tilespmem:s23+$0x4020];
	v10 =	vmul.f32 v2, v23;
	v11 =	vmul.f32 v3, v41  }
0x74: {  	v49 =	vld [tilespmem:s23+$0x4040];
	v50 =	vmul.f32 v5, v42;
	v1 =	vmul.f32 v1, v28  }
0x75: {  	v51 =	vld [tilespmem:s23+$0x4050];
	v56 =	vmul.f32 v9, v43;
	v0 =	vmul.f32 v0, v35  }
0x76: {  	v3 =	vmul.f32 v3, v31;
	v57 =	vmul.f32 v48, v44;
	v6 =	vadd.f32 $0.0e+00, v6  }
0x77: {  	v8 =	vld [tilespmem:s23+$0x4030];
	v2 =	vmul.f32 v2, v38;
	v7 =	vadd.f32 $0.0e+00, v7;
	v0 =	vadd.f32 $0.0e+00, v0  }
0x78: {  	s24 =	simm.s32 $0x80;
	v53 =	vld [tilespmem:s23+$0x70];
	v1 =	vadd.f32 $0.0e+00, v1;
	v6 =	vadd.f32 v10, v6;
	v10 =	vmul.f32 v4, v24  }
0x79: {  	v7 =	vadd.f32 v11, v7;
	v0 =	vadd.f32 v2, v0;
	v2 =	vmul.f32 v4, v37;
	v4 =	vld [tilespmem:s24+$0x0]  }
0x7a: {  	v52 =	vmul.f32 v49, v29;
	v58 =	vmul.f32 v51, v20;
	v6 =	vadd.f32 v10, v6;
	v10 =	vld [tilespmem:s23+$0x50]  }
0x7b: {  	v5 =	vmul.f32 v5, v32;
	v1 =	vadd.f32 v3, v1;
	v7 =	vadd.f32 v50, v7  }
0x7c: {  	v11 =	vmul.f32 v8, v25;
	v3 =	vld [tilespmem:s23+$0x60];
	v0 =	vadd.f32 v2, v0;
	v2 =	vmul.f32 v8, v39  }
0x7d: {  	v55 =	vmul.f32 v53, v27;
	v50 =	vld [tilespmem:s23+$0x4070];
	v1 =	vadd.f32 v5, v1;
	v7 =	vadd.f32 v56, v7  }
0x7e: {  	v6 =	vadd.f32 v11, v6;
	v11 =	vld [tilespmem:s23+$0x4060];
	v0 =	vadd.f32 v2, v0;
	v2 =	vmul.f32 v49, v30  }
0x7f: {  	v8 =	vld [tilespmem:s24+$0x10];
	v61 =	vmul.f32 v4, v28;
	v7 =	vadd.f32 v57, v7;
	v59 =	vmul.f32 v10, v45  }
0x80: {  	v62 =	vld [tilespmem:s24+$0x20];
	v4 =	vmul.f32 v4, v40;
	v6 =	vadd.f32 v52, v6;
	v0 =	vadd.f32 v2, v0  }
0x81: {  	v52 =	vld [tilespmem:s24+$0x4000];
	v2 =	vmul.f32 v48, v34;
	v5 =	vadd.f32 v59, v7;
	v7 =	vmul.f32 v3, v47  }
0x82: {  	v60 =	vmul.f32 v50, v16;
	v49 =	vadd.f32 $0.0e+00, v61;
	v6 =	vadd.f32 v58, v6  }
0x83: {  	v54 =	vmul.f32 v11, v17;
	v5 =	vadd.f32 v7, v5;
	v7 =	vmul.f32 v9, v33;
	v9 =	vld [tilespmem:s24+$0x4010]  }
0x84: {  	v46 =	vmul.f32 v8, v31;
	v8 =	vmul.f32 v8, v41;
	v4 =	vadd.f32 $0.0e+00, v4  }
0x85: {  	v10 =	vmul.f32 v10, v18;
	v6 =	vadd.f32 v54, v6;
	v1 =	vadd.f32 v7, v1;
	v7 =	vld [tilespmem:s24+$0x4020]  }
0x86: {  	v61 =	vmul.f32 v62, v42;
	v4 =	vadd.f32 v8, v4;
	v63 =	vmul.f32 v52, v22  }
0x87: {  	v8 =	vmul.f32 v51, v26;
	v6 =	vadd.f32 v60, v6;
	v5 =	vadd.f32 v55, v5;
	v55 =	vld [tilespmem:s24+$0x4030]  }
0x88: {  	v54 =	vld [tilespmem:s24+$0x30];
	v1 =	vadd.f32 v2, v1;
	v2 =	vadd.f32 $0.0e+00, v63;
	v56 =	vmul.f32 v9, v23  }
0x89: {  	v57 =	vld [tilespmem:s24+$0x4040];
	v49 =	vadd.f32 v46, v49;
	v0 =	vadd.f32 v8, v0;
	(xrf2) =	vadd.scan.msk.f32 $0xffff, v6;
	v6 =	vmul.f32 v11, v21  }
0x8a: {  	v51 =	vld [tilespmem:s24+$0x50];
	v4 =	vadd.f32 v61, v4;
	v2 =	vadd.f32 v56, v2;
	v60 =	vmul.f32 v7, v24  }
0x8b: {  	s19 =	simm.s32 $0x100;
	v3 =	vmul.f32 v3, v36;
	v8 =	vld [tilespmem:s24+$0x40];
	v1 =	vadd.f32 v10, v1;
	v0 =	vadd.f32 v6, v0  }
0x8c: {  	v46 =	vld [tilespmem:s19+$0x4000];
	(xrf2) =	vadd.scan.msk.f32 $0xffff, v5;
	v6 =	vmul.f32 v50, v19;
	v5 =	vmul.f32 v55, v25;
	v2 =	vadd.f32 v60, v2  }
0x8d: {  	v59 =	vld [tilespmem:s19+$0x10];
	v11 =	vmul.f32 v53, v15;
	v1 =	vadd.f32 v3, v1;
	v3 =	vmul.f32 v54, v43  }
0x8e: {  	v10 =	vld [tilespmem:s24+$0x4050];
	v0 =	vadd.f32 v6, v0;
	v2 =	vadd.f32 v5, v2;
	v5 =	vmul.f32 v57, v29  }
0x8f: {  	v6 =	vmul.f32 v52, v35;
	v3 =	vadd.f32 v3, v4;
	v1 =	vadd.f32 v11, v1;
	v11 =	vld [tilespmem:s24+$0x60]  }
0x90: {  	v4 =	vld [tilespmem:s24+$0x4060];
	v2 =	vadd.f32 v5, v2;
	v5 =	vmul.f32 v62, v32;
	v62 =	vmul.f32 v8, v44  }
0x91: {  	(xrf2) =	vadd.scan.msk.f32 $0xffff, v0;
	v0 =	vmul.f32 v9, v38;
	v6 =	vadd.f32 $0.0e+00, v6  }
0x92: {  	v52 =	vld [tilespmem:s24+$0x4070];
	(xrf2) =	vadd.scan.msk.f32 $0xffff, v1;
	v1 =	vmul.f32 v51, v45;
	v3 =	vadd.f32 v62, v3  }
0x93: {  	v48 =	vmul.f32 v59, v41;
	v9 =	vmul.f32 v10, v20;
	v0 =	vadd.f32 v0, v6  }
0x94: {  	v6 =	vld [tilespmem:s24+$0x70];
	v1 =	vadd.f32 v1, v3;
	v3 =	vmul.f32 v7, v37;
	v7 =	vmul.f32 v11, v47  }
0x95: {  	v12 =	vmul.f32 v46, v35;
	v63, _, _ =	vpop (xrf2);
	v2 =	vadd.f32 v9, v2;
	v9 =	vmul.f32 v4, v17  }
0x96: {  	v10 =	vmul.f32 v10, v26;
	v5 =	vadd.f32 v5, v49;
	v49 =	vld [tilespmem:s19+$0x0];
	(v2sf) =	vpush v63, $0xF  }
0x97: {  	v4 =	vmul.f32 v4, v21;
	v2 =	vadd.f32 v9, v2;
	v9 =	vmul.f32 v52, v16  }
0x98: {  	v1 =	vadd.f32 v7, v1;
	v0 =	vadd.f32 v3, v0;
	v3 =	vmul.f32 v55, v39;
	v7, _, _ =	vpop (xrf2)  }
0x99: {  	v60 =	vmul.f32 v6, v27;
	(v2sf) =	vpush v7, $0xF;
	v7 =	vmul.f32 v54, v33  }
0x9a: {  	v2 =	vadd.f32 v9, v2;
	v9 =	vld [tilespmem:s19+$0x4010];
	v0 =	vadd.f32 v3, v0;
	v3 =	vmul.f32 v57, v30  }
0x9b: {  	v5 =	vadd.f32 v7, v5;
	v7 =	vmul.f32 v8, v34;
	v8 =	vmul.f32 v49, v28  }
0x9c: {  	v1 =	vadd.f32 v60, v1;
	v0 =	vadd.f32 v3, v0;
	v3 =	vmul.f32 v46, v22  }
0x9d: {  	v50 =	vld [tilespmem:s19+$0x4020];
	v5 =	vadd.f32 v7, v5;
	v7 =	vadd.f32 $0.0e+00, v8;
	v8 =	vmul.f32 v59, v31  }
0x9e: {  	v53 =	vmul.f32 v6, v15;
	v6 =	vld [tilespmem:s19+$0x40];
	(xrf2) =	vadd.scan.msk.f32 $0xffff, v2;
	v2 =	vmul.f32 v49, v40  }
0x9f: {  	v61, _, _ =	vpop (xrf2);
	(xrf2) =	vadd.scan.msk.f32 $0xffff, v1;
	v62 =	vmul.f32 v9, v23;
	v3 =	vadd.f32 $0.0e+00, v3;
	v55 =	vadd.f32 v8, v7;
	v7 =	vld [tilespmem:s19+$0x20]  }
0xa0: {  	(v2sf) =	vpush v61, $0xF;
	v63, _, _ =	vpop (xrf2);
	v2 =	vadd.f32 $0.0e+00, v2;
	v61 =	vld [tilespmem:s19+$0x60];
	v8 =	vmul.f32 v51, v18  }
0xa1: {  	(v2sf) =	vpush v63, $0xF;
	v49 =	vmul.f32 v52, v19;
	v59 =	vld [tilespmem:s19+$0x4030];
	v1 =	vadd.f32 v62, v3  }
0xa2: {  	v3 =	vmul.f32 v11, v36;
	v11 =	vld [tilespmem:s19+$0x30];
	v5 =	vadd.f32 v8, v5;
	v8 =	vmul.f32 v50, v24  }
0xa3: {  	v57 =	vld [tilespmem:s19+$0x4040];
	v54 =	vmul.f32 v9, v38;
	v2 =	vadd.f32 v48, v2;
	v10 =	vadd.f32 v10, v0  }
0xa4: {  	v48 =	vld [tilespmem:s19+$0x50];
	v51 =	vmul.f32 v6, v34;
	v1 =	vadd.f32 v8, v1;
	v8 =	vmul.f32 v7, v42  }
0xa5: {  	v10 =	vadd.f32 v4, v10;
	v60 =	vmul.f32 v61, v47;
	v63 =	vmul.f32 v61, v36  }
0xa6: {  	v0 =	vld [tilespmem:s19+$0x4050];
	v58 =	vmul.f32 v7, v32;
	v7 =	vadd.f32 v8, v2;
	v2 =	vmul.f32 v59, v25  }
0xa7: {  	s5 =	simm.s32 $0x100;
	s25 =	simm.s32 $0x0;
	v4 =	vld [tilespmem:s19+$0x4060];
	v56 =	vmul.f32 v59, v39;
	v62 =	vmul.f32 v11, v43;
	v9 =	vadd.f32 v3, v5  }
0xa8: {  	s6 =	simm.s32 $0x101;
	s21 =	simm.s32 $0x180;
	s18 =	spop (v2sf);
	v52 =	vmul.f32 v11, v33;
	v3 =	vmul.f32 v6, v44;
	v59, _, _ =	vpop (xrf2);
	v8 =	vadd.f32 v2, v1;
	v2 =	vld [tilespmem:s19+$0x4070]  }
0xa9: {  	s22 =	simm.s32 $0x600;
	v61 =	vld [tilespmem:s19+$0x70];
	[smem:s25] =	sst s18;
	s18 =	simm.s32 $0x100;
	v5 =	vadd.f32 $0.0e+00, v12;
	v6 =	vmul.f32 v48, v45;
	v11 =	vmul.f32 v57, v29;
	v1, _, _ =	vpop (xrf2)  }
.LBB2_2:
0xaa: {  	s20 =	smov.u32 s22  }
0xab: {  	s19 =	sshra.s32 s22, $0x2;
	v7 =	vadd.f32 v62, v7;
	v9 =	vadd.f32 v53, v9;
	s23 =	spop (v2sf);
	v12 =	vmov v63;
	s20 =	sadd.s32 $0x200, s22  }
0xac: {  	p0 =	sne.s32 s22, $0x7E00;
	v8 =	vadd.f32 v11, v8;
	v11 =	vmul.f32 v0, v20;
	v10 =	vadd.f32 v49, v10;
	v62 =	vld [tilespmem:s19+$0x20]  }
0xad: {  	v55 =	vadd.f32 v58, v55;
	v3 =	vadd.f32 v3, v7;
	v49 =	vmul.f32 v2, v19;
	v63 =	vld [tilespmem:s19+$0x50]  }
0xae: {  	v5 =	vadd.f32 v54, v5;
	v8 =	vadd.f32 v11, v8;
	v11 =	vmul.f32 v4, v17;
	v7 =	vld [tilespmem:s19+$0x4020];
	(xrf2) =	vadd.scan.msk.f32 $0xffff, v10;
	[smem:s21] =	sst s23  }
0xaf: {  	v3 =	vadd.f32 v6, v3;
	v53 =	vmul.f32 v61, v15;
	v10 =	vld [tilespmem:s19+$0x10];
	(v2sf) =	vpush v59, $0xF  }
0xb0: {  	v46 =	vmul.f32 v50, v37;
	v2 =	vmul.f32 v2, v16;
	v8 =	vadd.f32 v11, v8;
	v6 =	vld [tilespmem:s19+$0x4010]  }
0xb1: {  	v13 =	vmul.f32 v0, v26;
	v14 =	vmul.f32 v4, v21;
	v0 =	vadd.f32 v60, v3;
	v11 =	vld [tilespmem:s19+$0x0];
	(xrf2) =	vadd.scan.msk.f32 $0xffff, v9  }
0xb2: {  	v4 =	vadd.f32 v46, v5;
	v9 =	vmul.f32 v48, v18;
	v2 =	vadd.f32 v2, v8;
	v3 =	vld [tilespmem:s19+$0x4000];
	v48 =	vmovc v63  }
0xb3: {  	s21 =	sadd.s32 $0xFFFFFF80, s18;
	v8 =	vmul.f32 v57, v30;
	v57 =	vmul.f32 v61, v27;
	v5 =	vld [tilespmem:s19+$0x30];
	(v2sf) =	vpush v1, $0xF;
	s22 =	spop (v2sf);
	v50 =	vmovc v7  }
0xb4: {  	v4 =	vadd.f32 v56, v4;
	v1 =	vmul.f32 v10, v31;
	v7 =	vmul.f32 v10, v41;
	(xrf2) =	vadd.scan.msk.f32 $0xffff, v2;
	[smem:s18] =	sst s22;
	s22 =	spop (v2sf);
	s18 =	smov.u32 s6  }
0xb5: {  	v0 =	vadd.f32 v57, v0;
	v2 =	vmul.f32 v6, v23;
	v54 =	vmul.f32 v6, v38;
	v6 =	vld [tilespmem:s19+$0x40];
	[smem:s21] =	sst s22  }
0xb6: {  	v55 =	vadd.f32 v52, v55;
	v61 =	vmul.f32 v62, v42;
	v46 =	vmul.f32 v11, v28  }
0xb7: {  	v58 =	vmul.f32 v62, v32;
	v4 =	vadd.f32 v8, v4;
	v11 =	vmul.f32 v11, v40;
	v59 =	vld [tilespmem:s19+$0x4030];
	(xrf2) =	vadd.scan.msk.f32 $0xffff, v0  }
0xb8: {  	v0 =	vmul.f32 v3, v22;
	v8 =	vadd.f32 $0.0e+00, v46;
	v62 =	vmul.f32 v5, v43;
	v10, _, _ =	vpop (xrf2)  }
0xb9: {  	v60 =	vadd.f32 v51, v55;
	v56 =	vmul.f32 v3, v35;
	v52 =	vmul.f32 v5, v33;
	v63 =	vld [tilespmem:s19+$0x60]  }
0xba: {  	v0 =	vadd.f32 $0.0e+00, v0;
	v55 =	vadd.f32 v1, v8;
	v3 =	vmul.f32 v6, v44  }
0xbb: {  	v5 =	vadd.f32 $0.0e+00, v56;
	v51 =	vmul.f32 v6, v34;
	v1, _, _ =	vpop (xrf2);
	(v2sf) =	vpush v10, $0xF  }
0xbc: {  	v6 =	vadd.f32 $0.0e+00, v11;
	v56 =	vmul.f32 v59, v39;
	v57 =	vld [tilespmem:s19+$0x4040];
	(v2sf) =	vpush v1, $0xF  }
.Ltmp0:
0xbd: {  	v8 =	vadd.f32 v9, v60;
	v1 =	vadd.f32 v2, v0;
	v2 =	vmul.f32 v50, v24;
	(pc) =	sbr.rel @p0 .LBB2_2-.Ltmp0, $4  }
0xbe: {  	s21 =	sadd.s32 $0xFFFFFF00, s6;
	v6 =	vadd.f32 v7, v6;
	v10 =	vmul.f32 v59, v25;
	v0 =	vld [tilespmem:s19+$0x4050];
	v60 =	vmul.f32 v63, v47;
	v59, _, _ =	vpop (xrf2);
	s22 =	spop (v2sf)  }
0xbf: {  	v13 =	vadd.f32 v13, v4;
	v46 =	vadd.f32 v2, v1;
	v63 =	vmul.f32 v63, v36;
	v2 =	vld [tilespmem:s19+$0x4070];
	[smem:s21] =	sst s22  }
0xc0: {  	v9 =	vadd.f32 v12, v8;
	v7 =	vadd.f32 v61, v6;
	v6 =	vmul.f32 v48, v45;
	v4 =	vld [tilespmem:s19+$0x4060]  }
0xc1: {  	s6 =	sadd.s32 $0x1, s6;
	s21 =	sadd.s32 $0x80, s18;
	s22 =	smov.u32 s20;
	v8 =	vadd.f32 v10, v46;
	v10 =	vadd.f32 v14, v13;
	v11 =	vmul.f32 v57, v29;
	v61 =	vld [tilespmem:s19+$0x70];
	v1, _, _ =	vpop (xrf2)  }
0xc2: {  	v5 =	vadd.f32 v54, v5;
	v12 =	vmul.f32 v50, v37  }
0xc3: {  	v7 =	vadd.f32 v62, v7;
	v9 =	vadd.f32 v53, v9  }
0xc4: {  	v8 =	vadd.f32 v11, v8;
	v5 =	vadd.f32 v12, v5  }
0xc5: {  	v11 =	vmul.f32 v0, v20;
	v10 =	vadd.f32 v49, v10;
	v12 =	vadd.f32 v58, v55  }
0xc6: {  	v3 =	vadd.f32 v3, v7;
	v7 =	vmul.f32 v57, v30;
	v5 =	vadd.f32 v56, v5  }
0xc7: {  	v8 =	vadd.f32 v11, v8;
	v11 =	vmul.f32 v4, v17;
	v12 =	vadd.f32 v52, v12  }
0xc8: {  	v0 =	vmul.f32 v0, v26;
	v3 =	vadd.f32 v6, v3;
	v5 =	vadd.f32 v7, v5  }
0xc9: {  	v6 =	vadd.f32 v11, v8;
	v7 =	vmul.f32 v48, v18;
	v8 =	vadd.f32 v51, v12  }
0xca: {  	v4 =	vmul.f32 v4, v21;
	v11 =	vmul.f32 v2, v16;
	v0 =	vadd.f32 v0, v5  }
0xcb: {  	v3 =	vadd.f32 v60, v3;
	v5 =	vmul.f32 v61, v27;
	v7 =	vadd.f32 v7, v8  }
0xcc: {  	(xrf2) =	vadd.scan.msk.f32 $0xffff, v10;
	v2 =	vmul.f32 v2, v19;
	v6 =	vadd.f32 v11, v6;
	v0 =	vadd.f32 v4, v0  }
0xcd: {  	(xrf2) =	vadd.scan.msk.f32 $0xffff, v9;
	v4 =	vmul.f32 v61, v15;
	v3 =	vadd.f32 v5, v3;
	v5 =	vadd.f32 v63, v7  }
0xce: {  	(xrf2) =	vadd.scan.msk.f32 $0xffff, v6;
	v0 =	vadd.f32 v2, v0  }
0xcf: {  	(xrf2) =	vadd.scan.msk.f32 $0xffff, v3;
	v2 =	vadd.f32 v4, v5  }
0xd0: {  	(xrf2) =	vadd.scan.msk.f32 $0xffff, v0  }
0xd1: {  	(xrf2) =	vadd.scan.msk.f32 $0xffff, v2;
	_ =	sdelay $0x3  }
0xd2: {  	[tilespmem:$0x1FE30] =	vst v25;
	(v2sf) =	vpush v59, $0xF  }
0xd3: {  	[tilespmem:$0x1FE40] =	vst v24;
	(v2sf) =	vpush v1, $0xF;
	v0, _, _ =	vpop (xrf2)  }
0xd4: {  	[tilespmem:$0x1FE50] =	vst v23;
	v1, _, _ =	vpop (xrf2);
	(v2sf) =	vpush v0, $0xF  }
0xd5: {  	[tilespmem:$0x1FE60] =	vst v22;
	(v2sf) =	vpush v1, $0xF;
	v0, _, _ =	vpop (xrf2)  }
0xd6: {  	[tilespmem:$0x1FE70] =	vst v20;
	(v2sf) =	vpush v0, $0xF;
	v1, _, _ =	vpop (xrf2)  }
0xd7: {  	[tilespmem:$0x1FE80] =	vst v17;
	(v2sf) =	vpush v1, $0xF;
	v0, _, _ =	vpop (xrf2)  }
0xd8: {  	[tilespmem:$0x1FE90] =	vst v26;
	v1, _, _ =	vpop (xrf2);
	(v2sf) =	vpush v0, $0xF  }
0xd9: {  	[tilespmem:$0x1FEA0] =	vst v18;
	(v2sf) =	vpush v1, $0xF  }
0xda: {  	[tilespmem:$0x1FEB0] =	vst v16  }
0xdb: {  	[tilespmem:$0x1FEC0] =	vst v21  }
0xdc: {  	[tilespmem:$0x1FED0] =	vst v27  }
0xdd: {  	[tilespmem:$0x1FEE0] =	vst v19  }
0xde: {  	[tilespmem:$0x1FEF0] =	vst v15;
	s19 =	spop (v2sf)  }
0xdf: {  	[smem:s21] =	sst s19;
	s20 =	spop (v2sf)  }
0xe0: {  	s24 =	sadd.s32 $0xFFFFFF80, s18;
	s22 =	spop (v2sf);
	[smem:s18] =	sst s20  }
0xe1: {  	s21 =	sadd.s32 $0xFFFFFF00, s6;
	[smem:s24] =	sst s22;
	s23 =	spop (v2sf)  }
0xe2: {  	s25 =	spop (v2sf);
	[smem:s21] =	sst s23;
	s23 =	sadd.s32 $0x80, s6  }
0xe3: {  	s18 =	sadd.s32 $0x1, s6;
	[smem:s23] =	sst s25;
	s22 =	spop (v2sf)  }
0xe4: {  	s25 =	sadd.s32 $0xFFFFFF80, s6;
	s24 =	spop (v2sf);
	[smem:s6] =	sst s22  }
0xe5: {  	s19 =	sadd.s32 $0xFFFFFF00, s18;
	[smem:s25] =	sst s24;
	s20 =	spop (v2sf)  }
0xe6: {  	s21 =	sadd.s32 $0x80, s18;
	[smem:s19] =	sst s20;
	s22 =	spop (v2sf)  }
0xe7: {  	[smem:s21] =	sst s22;
	s23 =	spop (v2sf)  }
0xe8: {  	s24 =	sadd.s32 $0xFFFFFF80, s18;
	[smem:s18] =	sst s23;
	s25 =	spop (v2sf)  }
0xe9: {  	s6 =	simm.s32 $0x0;
	[smem:s24] =	sst s25  }
0xea: {  	s20 =	sld [smem:$0x80];
	v1 =	vld [tilespmem:s6+$0x40]  }
0xeb: {  	s19 =	sld [smem:$0x0];
	v2 =	vld [tilespmem:s6+$0x30]  }
0xec: {  	s21 =	sld [smem:$0x100];
	v0 =	vld [tilespmem:s6+$0x4030]  }
0xed: {  	s18 =	sld [smem:$0x180];
	v3 =	vld [tilespmem:s6+$0x4070]  }
0xee: {  	v4 =	vld [tilespmem:s6+$0x70]  }
0xef: {  	v48 =	vld [tilespmem:s6+$0x4010]  }
0xf0: {  	v5 =	vld [tilespmem:s6+$0x20]  }
0xf1: {  	v7 =	vld [tilespmem:s6+$0x0]  }
0xf2: {  	v27 =	vld [tilespmem:$0x1FF70]  }
0xf3: {  	v25 =	vld [tilespmem:$0x1FF30];
	v13 =	vmul.f32 s19, v2;
	v6 =	vmul.f32 s20, v0  }
0xf4: {  	v11 =	vmul.f32 s19, v4;
	v12 =	vmul.f32 s21, v4;
	v4 =	vld [tilespmem:s6+$0x4000]  }
0xf5: {  	v10 =	vld [tilespmem:s6+$0x4040];
	v9 =	vmul.f32 s20, v3  }
0xf6: {  	v55 =	vld [tilespmem:s6+$0x4060];
	v61 =	vmul.f32 s21, v1;
	v52 =	vmul.f32 s19, v5;
	v6 =	vadd.f32 v6, v13  }
0xf7: {  	v14 =	vld [tilespmem:s6+$0x4050];
	v50 =	vmul.f32 s21, v5;
	v13 =	vmul.f32 s19, v1;
	v5 =	vadd.f32 v9, v11  }
0xf8: {  	v49 =	vld [tilespmem:s6+$0x50];
	v1 =	vmul.f32 s19, v7;
	v9 =	vmul.f32 s21, v7;
	v63 =	vadd.f32 v6, v25  }
0xf9: {  	v11 =	vld [tilespmem:s6+$0x10];
	v7 =	vadd.f32 v5, v27;
	v62 =	vmul.f32 s20, v4;
	v4 =	vmul.f32 s18, v4  }
0xfa: {  	v5 =	vld [tilespmem:s6+$0x60];
	[tilespmem:s6+$0x8030] =	vst v63  }
0xfb: {  	[tilespmem:s6+$0x8070] =	vst v7;
	v6 =	vadd.f32 v62, v1;
	v1 =	vadd.f32 v4, v9;
	v4 =	vld [tilespmem:s6+$0x4020]  }
0xfc: {  	v2 =	vmul.f32 s21, v2;
	v8 =	vmul.f32 s18, v0;
	v26 =	vld [tilespmem:$0x1FF40]  }
0xfd: {  	v15 =	vld [tilespmem:$0x1FF50]  }
0xfe: {  	v51 =	vadd.f32 v8, v2;
	v8 =	vmul.f32 s20, v10;
	v10 =	vmul.f32 s18, v10;
	v16 =	vld [tilespmem:$0x1FF90]  }
0xff: {  	v17 =	vld [tilespmem:$0x1FFC0]  }
0x100: {  	v54 =	vadd.f32 v10, v61;
	v61 =	vld [tilespmem:$0x1FF20]  }
0x101: {  	v62 =	vld [tilespmem:$0x1FFA0]  }
0x102: {  	v63 =	vld [tilespmem:$0x1FFB0]  }
0x103: {  	v18 =	vld [tilespmem:$0x1FF60]  }
0x104: {  	v19 =	vld [tilespmem:$0x1FF80]  }
0x105: {  	v20 =	vld [tilespmem:$0x1FF10]  }
0x106: {  	v0 =	vmul.f32 s20, v48;
	v3 =	vmul.f32 s18, v3;
	v21 =	vld [tilespmem:$0x1FFF0]  }
0x107: {  	v53 =	vmul.f32 s20, v14;
	v2 =	vmul.f32 s18, v55;
	v13 =	vadd.f32 v8, v13;
	v22 =	vld [tilespmem:$0x1FF00]  }
0x108: {  	v3 =	vadd.f32 v3, v12;
	v10 =	vmul.f32 s18, v14;
	v7 =	vmul.f32 s21, v49;
	v23 =	vld [tilespmem:$0x1FFE0]  }
0x109: {  	s24 =	simm.s32 $0x200;
	v8 =	vmul.f32 s19, v11;
	v56 =	vmul.f32 s21, v11;
	v24 =	vld [tilespmem:$0x1FFD0];
	v9 =	vadd.f32 v13, v26  }
.LBB2_4:
0x10a: {  	s23 =	sshra.s32 s24, $0x2  }
0x10b: {  	v0 =	vadd.f32 v0, v8;
	v8 =	vmul.f32 s20, v55;
	v11 =	vmul.f32 s21, v5;
	s5 =	sadd.s32 $0x1, s5;
	s21 =	smov.u32 s24;
	s22 =	sadd.s32 $0x200, s24  }
0x10c: {  	p0 =	sne.s32 s24, $0x7E00;
	v6 =	vadd.f32 v6, v22;
	v5 =	vmul.f32 s19, v5;
	s25 =	sld [smem:s5+$0xFFFFFF80];
	v12 =	vld [tilespmem:s23+$0x40];
	[tilespmem:s6+$0x8040] =	vst v9;
	v7 =	vadd.f32 v10, v7  }
0x10d: {  	s24 =	sld [smem:s5+$0xFFFFFF00];
	v9 =	vld [tilespmem:s23+$0x30];
	v0 =	vadd.f32 v0, v20;
	v10 =	vmul.f32 s20, v4;
	v2 =	vadd.f32 v2, v11  }
0x10e: {  	v4 =	vmul.f32 s18, v4;
	v5 =	vadd.f32 v8, v5;
	s21 =	sld [smem:s5+$0x0];
	v11 =	vld [tilespmem:s23+$0x4030];
	[tilespmem:s6+$0x8000] =	vst v6;
	v6 =	vadd.f32 v7, v24  }
0x10f: {  	v7 =	vld [tilespmem:s23+$0x4070];
	[tilespmem:s6+$0x8010] =	vst v0;
	v0 =	vmul.f32 s18, v48;
	s18 =	sld [smem:s5+$0x80];
	v8 =	vadd.f32 v10, v52;
	v2 =	vadd.f32 v2, v23;
	s20 =	smov.u32 s25  }
0x110: {  	v1 =	vadd.f32 v1, v19;
	v13 =	vmul.f32 s19, v49;
	v3 =	vadd.f32 v3, v21;
	v10 =	vld [tilespmem:s23+$0x70];
	[tilespmem:s6+$0xC050] =	vst v6;
	s19 =	smov.u32 s24  }
0x111: {  	v4 =	vadd.f32 v4, v50;
	v48 =	vld [tilespmem:s23+$0x4010];
	v6 =	vadd.f32 v8, v61;
	[tilespmem:s6+$0xC060] =	vst v2  }
0x112: {  	v0 =	vadd.f32 v0, v56;
	v2 =	vld [tilespmem:s23+$0x20];
	[tilespmem:s6+$0xC000] =	vst v1;
	v1 =	vadd.f32 v5, v18  }
0x113: {  	v14 =	vadd.f32 v51, v63;
	v5 =	vld [tilespmem:s23+$0x0];
	v8 =	vmul.f32 s20, v11;
	v11 =	vmul.f32 s18, v11;
	[tilespmem:s6+$0xC070] =	vst v3  }
0x114: {  	v4 =	vadd.f32 v4, v62;
	v56 =	vadd.f32 v0, v16;
	v49 =	vld [tilespmem:s23+$0x50];
	v3 =	vmul.f32 s20, v7;
	[tilespmem:s6+$0x8060] =	vst v1  }
0x115: {  	v1 =	vld [tilespmem:s23+$0x4040];
	v51 =	vmul.f32 s19, v10;
	v57 =	vmul.f32 s21, v10;
	[tilespmem:s6+$0x8020] =	vst v6;
	v6 =	vadd.f32 v53, v13  }
0x116: {  	v13 =	vmul.f32 s18, v7;
	v7 =	vadd.f32 v54, v17;
	v0 =	vmul.f32 s20, v48;
	v55 =	vld [tilespmem:s23+$0x4060];
	[tilespmem:s6+$0xC030] =	vst v14  }
0x117: {  	v14 =	vmul.f32 s19, v9;
	v10 =	vld [tilespmem:s23+$0x4000];
	v52 =	vmul.f32 s19, v2;
	[tilespmem:s6+$0xC020] =	vst v4;
	v4 =	vadd.f32 v6, v15  }
0x118: {  	v50 =	vmul.f32 s21, v2;
	v2 =	vmul.f32 s21, v9;
	v3 =	vadd.f32 v3, v51;
	v58 =	vld [tilespmem:s23+$0x4050];
	[tilespmem:s6+$0xC040] =	vst v7  }
0x119: {  	v7 =	vmul.f32 s21, v5;
	v6 =	vadd.f32 v8, v14;
	v8 =	vmul.f32 s19, v12;
	v9 =	vld [tilespmem:s23+$0x10];
	[tilespmem:s6+$0x8050] =	vst v4  }
0x11a: {  	v51 =	vadd.f32 v11, v2;
	v11 =	vmul.f32 s21, v12;
	v4 =	vmul.f32 s20, v1;
	[tilespmem:s6+$0xC010] =	vst v56;
	s6 =	smov.u32 s23  }
0x11b: {  	v12 =	vmul.f32 s19, v5;
	v3 =	vadd.f32 v3, v27;
	v2 =	vmul.f32 s18, v55  }
.Ltmp1:
0x11c: {  	v54 =	vadd.f32 v6, v25;
	v14 =	vmul.f32 s20, v10;
	v10 =	vmul.f32 s18, v10;
	v5 =	vld [tilespmem:s6+$0x60];
	(pc) =	sbr.rel @p0 .LBB2_4-.Ltmp1, $4  }
0x11d: {  	v60 =	vmul.f32 s18, v1;
	v59 =	vadd.f32 v4, v8;
	v53 =	vmul.f32 s20, v58;
	[tilespmem:s6+$0x8070] =	vst v3  }
0x11e: {  	v6 =	vadd.f32 v14, v12;
	v1 =	vadd.f32 v10, v7;
	v8 =	vmul.f32 s19, v9;
	v4 =	vld [tilespmem:s6+$0x4020];
	[tilespmem:s6+$0x8030] =	vst v54  }
0x11f: {  	v56 =	vmul.f32 s21, v9;
	v54 =	vadd.f32 v60, v11;
	v7 =	vmul.f32 s21, v49  }
0x120: {  	s24 =	smov.u32 s22;
	v3 =	vadd.f32 v13, v57;
	v9 =	vadd.f32 v59, v26;
	v10 =	vmul.f32 s18, v58  }
0x121: {  	v0 =	vadd.f32 v0, v8;
	v8 =	vmul.f32 s21, v5;
	v6 =	vadd.f32 v6, v22  }
0x122: {  	v5 =	vmul.f32 s19, v5;
	v1 =	vadd.f32 v1, v19;
	v7 =	vadd.f32 v10, v7;
	[tilespmem:s6+$0x8040] =	vst v9  }
0x123: {  	v0 =	vadd.f32 v0, v20;
	v2 =	vadd.f32 v2, v8;
	v8 =	vmul.f32 s20, v55;
	[tilespmem:s6+$0x8000] =	vst v6  }
0x124: {  	v3 =	vadd.f32 v3, v21;
	[tilespmem:s6+$0xC000] =	vst v1;
	v6 =	vadd.f32 v7, v24;
	v7 =	vmul.f32 s20, v4  }
0x125: {  	[tilespmem:s6+$0x8010] =	vst v0;
	v0 =	vadd.f32 v2, v23;
	v2 =	vadd.f32 v8, v5  }
0x126: {  	v4 =	vmul.f32 s18, v4;
	[tilespmem:s6+$0xC070] =	vst v3;
	v5 =	vadd.f32 v7, v52  }
0x127: {  	[tilespmem:s6+$0xC060] =	vst v0;
	v0 =	vadd.f32 v2, v18  }
0x128: {  	v1 =	vmul.f32 s19, v49;
	[tilespmem:s6+$0xC050] =	vst v6;
	v4 =	vadd.f32 v4, v50;
	v2 =	vadd.f32 v5, v61  }
0x129: {  	v3 =	vmul.f32 s18, v48;
	v5 =	vadd.f32 v51, v63;
	[tilespmem:s6+$0x8060] =	vst v0  }
0x12a: {  	v1 =	vadd.f32 v53, v1;
	v0 =	vadd.f32 v4, v62;
	[tilespmem:s6+$0x8020] =	vst v2  }
0x12b: {  	v2 =	vadd.f32 v3, v56;
	[tilespmem:s6+$0xC030] =	vst v5;
	v3 =	vadd.f32 v54, v17  }
0x12c: {  	[tilespmem:s6+$0xC020] =	vst v0;
	v0 =	vadd.f32 v1, v15  }
0x12d: {  	v1 =	vadd.f32 v2, v16;
	[tilespmem:s6+$0xC040] =	vst v3  }
0x12e: {  	[tilespmem:s6+$0x8050] =	vst v0  }
0x12f: {  	s5 =	simm.s32 $0x0;
	[tilespmem:s6+$0xC010] =	vst v1  }
0x130: {  	[hbm4b:s13+s5] =	stream.linear.scatter [tilespmem:s30], [sflag:$0x4], $0x2000, $0x38;
	[tilespmem:$0x10400] =	vst v63  }
0x131: {  	_ = 	snop  }
0x132: {  	[hbm4b:s14+s5] =	stream.linear.scatter [tilespmem:s31], [sflag:$0x4], $0x2000, $0x38;
	[tilespmem:$0x10400] =	vst v63  }
0x133: {  	_ =	swait.ge [sflag:s2], $0x2000  }
0x134: {  	[sflag:s2] =	ssyncset.done $0x0  }
0x135: {  	[sflag:s2] =	ssyncadd.s32 $0xFFFFE000  }
0x136: {  	_ =	swait.ge [sflag:s2], $0x2000  }
0x137: {  	v15 =	vld [tilespmem:$0x1FE50]  }
0x138: {  	v60 =	vld [tilespmem:$0x1FE60]  }
0x139: {  	v46 =	vld [tilespmem:$0x1FE40]  }
0x13a: {  	v63 =	vld [tilespmem:$0x1FE30]  }
0x13b: {  	v22 =	vld [tilespmem:$0x1FE70]  }
0x13c: {  	v17 =	vld [tilespmem:$0x1FEE0]  }
0x13d: {  	v20 =	vld [tilespmem:$0x1FE80]  }
0x13e: {  	v18 =	vld [tilespmem:$0x1FEF0]  }
0x13f: {  	[sflag:s2] =	ssyncset.done $0x0;
	v19 =	vld [tilespmem:$0x1FEB0]  }
0x140: {  	s5 =	simm.s32 $0x0;
	v21 =	vld [tilespmem:$0x1FE90];
	[sflag:s2] =	ssyncadd.s32 $0xFFFFE000  }
0x141: {  	v0 =	vld [tilespmem:s5+$0x2010]  }
0x142: {  	v1 =	vld [tilespmem:s5+$0x6010]  }
0x143: {  	v3 =	vld [tilespmem:s5+$0x6000]  }
0x144: {  	v2 =	vld [tilespmem:s5+$0x2000]  }
0x145: {  	v4 =	vld [tilespmem:s5+$0x2020]  }
0x146: {  	v6 =	vld [tilespmem:s5+$0x2030];
	v7 =	vmul.f32 v0, v31  }
0x147: {  	v8 =	vld [tilespmem:s5+$0x6020];
	v0 =	vmul.f32 v0, v41;
	v9 =	vmul.f32 v1, v15  }
0x148: {  	v14 =	vld [tilespmem:s5+$0x6030];
	v1 =	vmul.f32 v1, v38;
	v12 =	vmul.f32 v3, v60  }
0x149: {  	v56 =	vld [tilespmem:s5+$0x2060];
	v11 =	vmul.f32 v2, v28;
	v2 =	vmul.f32 v2, v40  }
0x14a: {  	v50 =	vld [tilespmem:s5+$0x6040];
	v13 =	vmul.f32 v4, v42;
	v4 =	vmul.f32 v4, v32;
	v12 =	vadd.f32 $0.0e+00, v12  }
0x14b: {  	v5 =	vld [tilespmem:s5+$0x2050];
	v57 =	vmul.f32 v6, v43;
	v3 =	vmul.f32 v3, v35;
	v2 =	vadd.f32 $0.0e+00, v2  }
0x14c: {  	v10 =	vld [tilespmem:s5+$0x2040];
	v6 =	vmul.f32 v6, v33;
	v58 =	vmul.f32 v8, v46;
	v9 =	vadd.f32 v9, v12  }
0x14d: {  	v24 =	vmovc v35;
	v51 =	vld [tilespmem:s5+$0x6050];
	v59 =	vmul.f32 v14, v63;
	v11 =	vadd.f32 $0.0e+00, v11;
	v0 =	vadd.f32 v0, v2  }
0x14e: {  	v14 =	vmul.f32 v14, v39;
	v61 =	vmul.f32 v56, v47;
	v2 =	vld [tilespmem:s5+$0x6070];
	[tilespmem:$0x1FDD0] =	vst v43;
	v9 =	vadd.f32 v58, v9  }
0x14f: {  	v35 =	vmovc v40;
	v40 =	vmul.f32 v50, v29;
	v7 =	vadd.f32 v7, v11;
	v12 =	vld [tilespmem:s5+$0x6060];
	v0 =	vadd.f32 v13, v0  }
0x150: {  	s21 =	simm.s32 $0x80;
	v8 =	vmul.f32 v8, v37;
	v3 =	vadd.f32 $0.0e+00, v3;
	v13 =	vld [tilespmem:s5+$0x2070];
	v9 =	vadd.f32 v59, v9  }
0x151: {  	v11 =	vmul.f32 v10, v44;
	v4 =	vadd.f32 v4, v7;
	v7 =	vld [tilespmem:s21+$0x2020];
	v0 =	vadd.f32 v57, v0  }
0x152: {  	v1 =	vadd.f32 v1, v3;
	v58 =	vld [tilespmem:s21+$0x2010];
	v57 =	vmul.f32 v51, v22;
	v9 =	vadd.f32 v40, v9  }
0x153: {  	v25 =	vmovc v43;
	v48 =	vmul.f32 v56, v36;
	v43 =	vmul.f32 v5, v45;
	v59 =	vld [tilespmem:s21+$0x6010];
	v0 =	vadd.f32 v11, v0  }
0x154: {  	v1 =	vadd.f32 v8, v1;
	v40 =	vld [tilespmem:$0x1FEC0];
	v3 =	vadd.f32 v57, v9;
	v9 =	vmul.f32 v12, v20  }
0x155: {  	v10 =	vmul.f32 v10, v34;
	v8 =	vmul.f32 v50, v30;
	v0 =	vadd.f32 v43, v0;
	v43 =	vld [tilespmem:$0x1FED0]  }
0x156: {  	v51 =	vmul.f32 v51, v21;
	v1 =	vadd.f32 v14, v1;
	v3 =	vadd.f32 v9, v3;
	v9 =	vld [tilespmem:s21+$0x2000]  }
0x157: {  	v11 =	vmul.f32 v2, v17;
	v2 =	vmul.f32 v2, v19;
	[tilespmem:$0x1FE20] =	vst v29;
	v0 =	vadd.f32 v61, v0;
	v61 =	vld [tilespmem:$0x1FEA0]  }
0x158: {  	v4 =	vadd.f32 v6, v4;
	v23 =	vmul.f32 v13, v18;
	v50 =	vmul.f32 v58, v31;
	[tilespmem:$0x1FE00] =	vst v45  }
0x159: {  	v62 =	vmovc v32;
	v1 =	vadd.f32 v8, v1;
	v49 =	vmul.f32 v58, v41;
	v57 =	vmul.f32 v7, v42;
	v53 =	vld [tilespmem:s21+$0x6000]  }
0x15a: {  	v7 =	vmul.f32 v7, v62;
	v14 =	vmul.f32 v59, v15;
	v2 =	vadd.f32 v2, v3;
	v3 =	vld [tilespmem:s21+$0x2030];
	[tilespmem:$0x1FDF0] =	vst v36  }
0x15b: {  	v1 =	vadd.f32 v51, v1;
	v54 =	vmul.f32 v59, v38;
	v12 =	vmul.f32 v12, v40;
	[tilespmem:$0x1FDE0] =	vst v47  }
0x15c: {  	v32 =	vmovc v28;
	v4 =	vadd.f32 v10, v4;
	v13 =	vmul.f32 v13, v43;
	v55 =	vld [tilespmem:s21+$0x2040];
	v5 =	vmul.f32 v5, v61  }
0x15d: {  	v26 =	vmovc v36;
	v59 =	vld [tilespmem:s21+$0x2060];
	v1 =	vadd.f32 v12, v1;
	v36 =	vmul.f32 v9, v32;
	v6 =	vmul.f32 v9, v35  }
0x15e: {  	(xrf2) =	vadd.scan.msk.f32 $0xffff, v2;
	v0 =	vadd.f32 v13, v0;
	v9 =	vld [tilespmem:s21+$0x6030];
	v8 =	vmul.f32 v53, v60;
	v53 =	vmul.f32 v53, v24  }
0x15f: {  	v13 =	vld [tilespmem:s21+$0x6020];
	v56 =	vadd.f32 $0.0e+00, v36;
	v58 =	vmul.f32 v3, v25;
	v6 =	vadd.f32 $0.0e+00, v6  }
0x160: {  	v27 =	vmovc v47;
	v36 =	vmul.f32 v3, v33;
	v4 =	vadd.f32 v5, v4;
	v2 =	vadd.f32 $0.0e+00, v8  }
0x161: {  	v28 =	vmovc v39;
	v47 =	vmovc v24;
	v10 =	vmul.f32 v55, v44;
	v8 =	vadd.f32 v50, v56;
	v50 =	vadd.f32 $0.0e+00, v53;
	v53 =	vld [tilespmem:s21+$0x6040]  }
0x162: {  	(xrf2) =	vadd.scan.msk.f32 $0xffff, v0;
	v24 =	vmul.f32 v59, v26;
	v56 =	vmul.f32 v55, v34;
	v55 =	vld [tilespmem:s21+$0x2050];
	v5 =	vadd.f32 v49, v6  }
0x163: {  	v39 =	vmovc v44;
	v4 =	vadd.f32 v48, v4;
	v3 =	vmul.f32 v9, v28;
	v6 =	vmul.f32 v9, v63;
	v9 =	vld [tilespmem:s21+$0x6050]  }
0x164: {  	s22 =	simm.s32 $0x100;
	v1 =	vadd.f32 v11, v1;
	v2 =	vadd.f32 v14, v2;
	v44 =	vmul.f32 v13, v46;
	v14 =	vld [tilespmem:s21+$0x6070];
	[tilespmem:$0x1FE10] =	vst v24  }
0x165: {  	v0 =	vmul.f32 v59, v27;
	v5 =	vadd.f32 v57, v5;
	v4 =	vadd.f32 v23, v4;
	v59 =	vld [tilespmem:s22+$0x2010]  }
0x166: {  	v7 =	vadd.f32 v7, v8;
	v2 =	vadd.f32 v44, v2;
	v44 =	vld [tilespmem:s21+$0x2070]  }
0x167: {  	v16 =	vmov v34;
	v34 =	vld [tilespmem:s21+$0x6060];
	v11 =	vadd.f32 v54, v50;
	v5 =	vadd.f32 v58, v5  }
0x168: {  	v2 =	vadd.f32 v6, v2;
	v6 =	vmul.f32 v53, v29;
	v45 =	vmul.f32 v55, v45;
	v8, _, _ =	vpop (xrf2)  }
0x169: {  	v5 =	vadd.f32 v10, v5;
	v48 =	vmul.f32 v14, v17;
	(v2sf) =	vpush v8, $0xF  }
0x16a: {  	(xrf2) =	vadd.scan.msk.f32 $0xffff, v1;
	v1 =	vld [tilespmem:s22+$0x6010];
	v8 =	vmul.f32 v13, v37;
	v2 =	vadd.f32 v6, v2;
	v6 =	vmul.f32 v9, v22  }
0x16b: {  	v12 =	vld [tilespmem:s22+$0x2000];
	v58 =	vmul.f32 v59, v41;
	v5 =	vadd.f32 v45, v5;
	v49 =	vmul.f32 v44, v18  }
0x16c: {  	v10 =	vld [tilespmem:s22+$0x2020];
	(xrf2) =	vadd.scan.msk.f32 $0xffff, v4;
	v4, _, _ =	vpop (xrf2);
	v8 =	vadd.f32 v8, v11;
	v2 =	vadd.f32 v6, v2;
	v6 =	vmul.f32 v34, v20  }
0x16d: {  	v52 =	vmovc v30;
	v11 =	vmul.f32 v55, v61;
	v51 =	vmul.f32 v44, v43;
	(v2sf) =	vpush v4, $0xF  }
0x16e: {  	v44 =	vmovc v41;
	v0 =	vadd.f32 v0, v5;
	v5 =	vld [tilespmem:s22+$0x6000];
	v2 =	vadd.f32 v6, v2;
	v6 =	vmul.f32 v14, v19  }
0x16f: {  	v41 =	vmovc v38;
	v4 =	vmul.f32 v59, v31;
	v8 =	vadd.f32 v3, v8;
	v54 =	vmul.f32 v1, v38;
	v38 =	vld [tilespmem:$0x1FDD0]  }
0x170: {  	v30 =	vmovc v61;
	v61 =	vmul.f32 v1, v15;
	v1 =	vmul.f32 v12, v32;
	v2 =	vadd.f32 v6, v2;
	v6 =	vld [tilespmem:s22+$0x2030]  }
0x171: {  	v14 =	vmul.f32 v53, v52;
	v3 =	vmul.f32 v10, v42;
	v0 =	vadd.f32 v51, v0  }
0x172: {  	v55 =	vmul.f32 v10, v62;
	v1 =	vadd.f32 $0.0e+00, v1;
	(xrf2) =	vadd.scan.msk.f32 $0xffff, v2;
	v2 =	vadd.f32 v36, v7  }
0x173: {  	v23 =	vmovc v19;
	v29 =	vmov v37;
	v10 =	vld [tilespmem:s22+$0x6030];
	(xrf2) =	vadd.scan.msk.f32 $0xffff, v0;
	v0 =	vmul.f32 v5, v60;
	v5 =	vmul.f32 v5, v47  }
0x174: {  	v37 =	vmovc v52;
	v53 =	vld [tilespmem:s22+$0x6020];
	v59 =	vadd.f32 v4, v1;
	v7 =	vmul.f32 v12, v35;
	v2 =	vadd.f32 v56, v2  }
0x175: {  	v19 =	vmovc v32;
	v32 =	vmovc v62;
	v62 =	vmul.f32 v6, v38;
	v52 =	vmul.f32 v6, v33;
	v6 =	vld [tilespmem:s22+$0x2060];
	v1 =	vadd.f32 $0.0e+00, v5  }
0x176: {  	v5 =	vadd.f32 $0.0e+00, v7;
	v7 =	vadd.f32 v11, v2;
	v2 =	vld [tilespmem:$0x1FDE0];
	_ =	sdelay $0x1  }
0x177: {  	v45 =	vmov v42;
	v42, _, _ =	vpop (xrf2)  }
0x178: {  	v9 =	vmul.f32 v9, v21;
	v8 =	vadd.f32 v14, v8;
	v4, _, _ =	vpop (xrf2)  }
0x179: {  	s23 =	simm.s32 $0x0;
	v50 =	vld [tilespmem:s22+$0x2050];
	(v2sf) =	vpush v42, $0xF;
	v42 =	vmovc v28;
	v56 =	vmul.f32 v10, v28;
	v11 =	vadd.f32 v58, v5;
	s25 =	spop (v2sf)  }
0x17a: {  	(v2sf) =	vpush v4, $0xF;
	v28 =	vmovc v46;
	v4 =	vmul.f32 v53, v46;
	v46 =	vmovc v2;
	v58 =	vmul.f32 v6, v2;
	v2 =	vld [tilespmem:$0x1FDF0];
	[smem:s23] =	sst s25  }
0x17b: {  	v8 =	vadd.f32 v9, v8;
	v9 =	vadd.f32 v3, v11;
	v3 =	vld [tilespmem:$0x1FE00];
	_ =	sdelay $0x3  }
0x17c: {  	v57 =	vld [tilespmem:s22+$0x2040];
	v0 =	vadd.f32 $0.0e+00, v0  }
0x17d: {  	v36 =	vmovc v33;
	v5 =	vmul.f32 v6, v2;
	v33 =	vmov v3;
	v6 =	vmul.f32 v50, v3;
	v3 =	vld [tilespmem:$0x1FE10]  }
0x17e: {  	v0 =	vadd.f32 v61, v0;
	_ =	sdelay $0x1  }
0x17f: {  	v10 =	vmul.f32 v10, v63;
	v0 =	vadd.f32 v4, v0  }
0x180: {  	v18 =	vmov v60;
	v51 =	vmul.f32 v57, v16;
	v60 =	vmul.f32 v57, v39;
	v57 =	vld [tilespmem:s22+$0x6040]  }
0x181: {  	v11 =	vadd.f32 v3, v7;
	v7 =	vadd.f32 v10, v0;
	v0 =	vld [tilespmem:$0x1FE20]  }
0x182: {  	v25 =	vmov v22;
	v27 =	vmov v21  }
0x183: {  	v26 =	vmovc v40;
	v24 =	vmovc v20;
	v13 =	vmul.f32 v34, v40;
	v21 =	vmov v43;
	v20 =	vmov v63;
	v63 =	vld [tilespmem:s22+$0x6050]  }
0x184: {  	v22 =	vmovc v15;
	v40 =	vmovc v35;
	v34 =	vmov v31;
	v43 =	vmov v38;
	v35 =	vmov v47;
	v4 =	vld [tilespmem:s22+$0x6060]  }
0x185: {  	s24 =	simm.s32 $0x600;
	s19 =	simm.s32 $0x101;
	s18 =	simm.s32 $0x200;
	v47 =	vmov v39;
	v39 =	vmov v16;
	v61, _, _ =	vpop (xrf2);
	v38 =	vmov v2;
	v2 =	vld [tilespmem:s22+$0x6070]  }
0x186: {  	s20 =	simm.s32 $0x100;
	s6 =	simm.s32 $0x100;
	v8 =	vadd.f32 v13, v8;
	s23 =	simm.s32 $0x180;
	v3 =	vld [tilespmem:s22+$0x2070];
	v31 =	vmov v0;
	v10 =	vmul.f32 v57, v0;
	v0, _, _ =	vpop (xrf2)  }
.LBB2_6:
0x187: {  	v9 =	vadd.f32 v62, v9  }
0x188: {  	v14 =	vadd.f32 v55, v59;
	v15 =	vld [tilespmem:$0x1FEE0];
	v11 =	vadd.f32 v49, v11  }
0x189: {  	s21 =	sshra.s32 s24, $0x2;
	v8 =	vadd.f32 v48, v8;
	v9 =	vadd.f32 v60, v9  }
0x18a: {  	v17 =	vmul.f32 v53, v29;
	v12 =	vmovc v5;
	v5 =	vld [tilespmem:s21+$0x2020];
	v7 =	vadd.f32 v10, v7;
	v1 =	vadd.f32 v54, v1  }
0x18b: {  	v62 =	vmul.f32 v57, v37;
	(xrf2) =	vadd.scan.msk.f32 $0xffff, v8;
	v10 =	vmul.f32 v63, v25;
	v6 =	vadd.f32 v6, v9;
	v9 =	vld [tilespmem:$0x1FEF0]  }
0x18c: {  	v13 =	vld [tilespmem:s21+$0x2050];
	v1 =	vadd.f32 v17, v1;
	v16 =	vmul.f32 v4, v26;
	(xrf2) =	vadd.scan.msk.f32 $0xffff, v11;
	v11 =	vmul.f32 v50, v30  }
0x18d: {  	v8 =	vld [tilespmem:s21+$0x2010];
	v48 =	vmul.f32 v2, v15;
	v7 =	vadd.f32 v10, v7;
	v10 =	vmul.f32 v4, v24  }
0x18e: {  	s25 =	spop (v2sf);
	(v2sf) =	vpush v61, $0xF;
	v2 =	vmul.f32 v2, v23;
	v4 =	vadd.f32 v58, v6;
	v6 =	vld [tilespmem:s21+$0x6000]  }
0x18f: {  	v17 =	vmul.f32 v5, v45;
	v55 =	vmul.f32 v5, v32;
	v7 =	vadd.f32 v10, v7;
	v10 =	vld [tilespmem:s21+$0x2000]  }
0x190: {  	v14 =	vadd.f32 v52, v14;
	v5 =	vld [tilespmem:s21+$0x6030];
	v49 =	vmul.f32 v3, v9;
	v3 =	vmul.f32 v3, v21  }
0x191: {  	v60 =	vld [tilespmem:s21+$0x6020];
	v15 =	vmul.f32 v63, v27;
	v1 =	vadd.f32 v56, v1;
	v2 =	vadd.f32 v2, v7  }
0x192: {  	v50 =	vmovc v13;
	(v2sf) =	vpush v0, $0xF;
	v0 =	vmul.f32 v8, v34;
	v9 =	vld [tilespmem:s21+$0x6010];
	v3 =	vadd.f32 v3, v4  }
0x193: {  	v13 =	vadd.f32 v62, v1;
	v8 =	vmul.f32 v8, v44;
	v7 =	vld [tilespmem:s21+$0x2030];
	(xrf2) =	vadd.scan.msk.f32 $0xffff, v2;
	v1 =	vmul.f32 v6, v18  }
0x194: {  	v14 =	vadd.f32 v51, v14;
	v6 =	vmul.f32 v6, v35;
	v63 =	vmul.f32 v10, v19;
	(xrf2) =	vadd.scan.msk.f32 $0xffff, v3  }
0x195: {  	v13 =	vadd.f32 v15, v13;
	v56 =	vmul.f32 v5, v42;
	v58 =	vadd.f32 $0.0e+00, v1  }
0x196: {  	v57 =	vld [tilespmem:s21+$0x6040];
	[smem:s23] =	sst s25;
	s25 =	spop (v2sf);
	v10 =	vmul.f32 v10, v40;
	v4, _, _ =	vpop (xrf2);
	v1 =	vadd.f32 $0.0e+00, v6;
	v3 =	vadd.f32 $0.0e+00, v63  }
0x197: {  	[smem:s20] =	sst s25;
	s25 =	spop (v2sf);
	(v2sf) =	vpush v4, $0xF;
	v2 =	vmul.f32 v9, v22;
	v54 =	vmul.f32 v9, v41;
	v9 =	vld [tilespmem:s21+$0x2040]  }
0x198: {  	v53 =	vmovc v60;
	v62 =	vmul.f32 v7, v43;
	v52 =	vmul.f32 v7, v36;
	v7 =	vld [tilespmem:s21+$0x2060];
	v59 =	vadd.f32 v0, v3  }
0x199: {  	p0 =	sne.s32 s24, $0x7E00;
	v6 =	vmul.f32 v50, v33;
	v0, _, _ =	vpop (xrf2);
	v3 =	vadd.f32 $0.0e+00, v10;
	v10 =	vadd.f32 v11, v14  }
.Ltmp2:
0x19a: {  	s22 =	smov.u32 s24;
	(v2sf) =	vpush v0, $0xF;
	v0 =	vadd.f32 v2, v58;
	v2 =	vmul.f32 v53, v28;
	(pc) =	sbr.rel @p0 .LBB2_6-.Ltmp2, $4  }
0x19b: {  	s22 =	sadd.s32 $0x200, s24;
	v4 =	vld [tilespmem:s21+$0x6060];
	v3 =	vadd.f32 v8, v3;
	v8 =	vmul.f32 v5, v20;
	v11 =	vadd.f32 v12, v10  }
0x19c: {  	s24 =	sadd.s32 $0xFFFFFF00, s19;
	s23 =	sadd.s32 $0xFFFFFF80, s20;
	s20 =	smov.u32 s19;
	v63 =	vld [tilespmem:s21+$0x6050];
	v10 =	vmul.f32 v57, v31;
	v60 =	vmul.f32 v9, v47;
	v14 =	vadd.f32 v2, v0  }
0x19d: {  	s19 =	sadd.s32 $0x1, s19;
	[smem:s23] =	sst s25;
	v51 =	vmul.f32 v9, v39;
	v58 =	vmul.f32 v7, v46;
	s25 =	spop (v2sf);
	v2 =	vld [tilespmem:s21+$0x6070];
	v9 =	vadd.f32 v17, v3;
	v61, _, _ =	vpop (xrf2)  }
0x19e: {  	s23 =	sadd.s32 $0x80, s20;
	v5 =	vmul.f32 v7, v38;
	[smem:s24] =	sst s25;
	v3 =	vld [tilespmem:s21+$0x2070];
	s24 =	smov.u32 s22;
	v7 =	vadd.f32 v8, v14;
	v8 =	vadd.f32 v16, v13;
	v0, _, _ =	vpop (xrf2)  }
0x19f: {  	v1 =	vadd.f32 v54, v1;
	v12 =	vmul.f32 v53, v29;
	_ =	sdelay $0x1  }
0x1a0: {  	v9 =	vadd.f32 v62, v9;
	v1 =	vadd.f32 v12, v1  }
0x1a1: {  	v59 =	vadd.f32 v55, v59;
	v7 =	vadd.f32 v10, v7;
	v10 =	vmul.f32 v63, v25  }
0x1a2: {  	v13 =	vmul.f32 v57, v37;
	v9 =	vadd.f32 v60, v9;
	v1 =	vadd.f32 v56, v1  }
0x1a3: {  	v12 =	vadd.f32 v52, v59;
	v7 =	vadd.f32 v10, v7;
	v10 =	vmul.f32 v4, v24  }
0x1a4: {  	v6 =	vadd.f32 v6, v9;
	v9 =	vmul.f32 v63, v27;
	v1 =	vadd.f32 v13, v1  }
0x1a5: {  	v12 =	vadd.f32 v51, v12;
	v7 =	vadd.f32 v10, v7;
	v10 =	vmul.f32 v50, v30  }
0x1a6: {  	v4 =	vmul.f32 v4, v26;
	v1 =	vadd.f32 v9, v1  }
0x1a7: {  	v9 =	vadd.f32 v10, v12;
	v10 =	vld [tilespmem:$0x1FEE0]  }
0x1a8: {  	v1 =	vadd.f32 v4, v1;
	v4 =	vld [tilespmem:$0x1FEF0]  }
0x1a9: {  	v8 =	vadd.f32 v48, v8  }
0x1aa: {  	v60 =	vmul.f32 v2, v23  }
0x1ab: {  	v11 =	vadd.f32 v49, v11;
	(xrf2) =	vadd.scan.msk.f32 $0xffff, v8;
	v8 =	vmul.f32 v3, v21;
	v6 =	vadd.f32 v58, v6  }
0x1ac: {  	v7 =	vadd.f32 v60, v7;
	v2 =	vmul.f32 v2, v10  }
0x1ad: {  	(xrf2) =	vadd.scan.msk.f32 $0xffff, v11;
	v5 =	vadd.f32 v5, v9;
	v3 =	vmul.f32 v3, v4;
	v4 =	vadd.f32 v8, v6  }
0x1ae: {  	(xrf2) =	vadd.scan.msk.f32 $0xffff, v7;
	v1 =	vadd.f32 v2, v1  }
0x1af: {  	(xrf2) =	vadd.scan.msk.f32 $0xffff, v4;
	v2 =	vadd.f32 v3, v5  }
0x1b0: {  	(xrf2) =	vadd.scan.msk.f32 $0xffff, v1  }
0x1b1: {  	(xrf2) =	vadd.scan.msk.f32 $0xffff, v2;
	_ =	sdelay $0x3  }
0x1b2: {  	(v2sf) =	vpush v61, $0xF  }
0x1b3: {  	(v2sf) =	vpush v0, $0xF;
	v1, _, _ =	vpop (xrf2)  }
0x1b4: {  	v0, _, _ =	vpop (xrf2);
	(v2sf) =	vpush v1, $0xF  }
0x1b5: {  	(v2sf) =	vpush v0, $0xF;
	v0, _, _ =	vpop (xrf2)  }
0x1b6: {  	(v2sf) =	vpush v0, $0xF;
	v1, _, _ =	vpop (xrf2)  }
0x1b7: {  	(v2sf) =	vpush v1, $0xF;
	v0, _, _ =	vpop (xrf2)  }
0x1b8: {  	v1, _, _ =	vpop (xrf2);
	(v2sf) =	vpush v0, $0xF  }
0x1b9: {  	(v2sf) =	vpush v1, $0xF;
	_ =	sdelay $0x4  }
0x1ba: {  	s21 =	spop (v2sf)  }
0x1bb: {  	s22 =	spop (v2sf);
	[smem:s23] =	sst s21  }
0x1bc: {  	s24 =	sadd.s32 $0xFFFFFF80, s20;
	s25 =	spop (v2sf);
	[smem:s20] =	sst s22  }
0x1bd: {  	[smem:s24] =	sst s25;
	s25 =	sadd.s32 $0xFFFFFF00, s19;
	s23 =	spop (v2sf)  }
0x1be: {  	s24 =	sadd.s32 $0x80, s19;
	s20 =	spop (v2sf);
	[smem:s25] =	sst s23  }
0x1bf: {  	s22 =	sadd.s32 $0x1, s19;
	[smem:s24] =	sst s20;
	s23 =	spop (v2sf)  }
0x1c0: {  	s25 =	spop (v2sf);
	[smem:s19] =	sst s23;
	s23 =	sadd.s32 $0xFFFFFF80, s19  }
0x1c1: {  	s24 =	sadd.s32 $0xFFFFFF00, s22;
	[smem:s23] =	sst s25;
	s25 =	spop (v2sf)  }
0x1c2: {  	s20 =	sadd.s32 $0x80, s22;
	[smem:s24] =	sst s25;
	s21 =	spop (v2sf)  }
0x1c3: {  	[smem:s20] =	sst s21;
	s23 =	spop (v2sf)  }
0x1c4: {  	s24 =	sadd.s32 $0xFFFFFF80, s22;
	[smem:s22] =	sst s23;
	s25 =	spop (v2sf)  }
0x1c5: {  	[smem:s24] =	sst s25  }
0x1c6: {  	s21 =	sld [smem:$0x80];
	v1 =	vld [tilespmem:s5+$0x2040]  }
0x1c7: {  	s20 =	sld [smem:$0x0];
	v2 =	vld [tilespmem:s5+$0x2030]  }
0x1c8: {  	s22 =	sld [smem:$0x100];
	v0 =	vld [tilespmem:s5+$0x6030]  }
0x1c9: {  	s19 =	sld [smem:$0x180];
	v3 =	vld [tilespmem:s5+$0x6070]  }
0x1ca: {  	v4 =	vld [tilespmem:s5+$0x2070]  }
0x1cb: {  	v16 =	vld [tilespmem:s5+$0x6010]  }
0x1cc: {  	v5 =	vld [tilespmem:s5+$0x2020]  }
0x1cd: {  	v7 =	vld [tilespmem:s5+$0x2000]  }
0x1ce: {  	v10 =	vld [tilespmem:s5+$0x6040]  }
0x1cf: {  	v41 =	vld [tilespmem:$0x1FF70];
	v6 =	vmul.f32 s21, v0  }
0x1d0: {  	v39 =	vld [tilespmem:$0x1FF30];
	v9 =	vmul.f32 s21, v3;
	v11 =	vmul.f32 s20, v4  }
0x1d1: {  	v23 =	vld [tilespmem:s5+$0x6060];
	v62 =	vmul.f32 s19, v3;
	v3 =	vmul.f32 s20, v2  }
0x1d2: {  	v63 =	vld [tilespmem:s5+$0x6000];
	v20 =	vmul.f32 s20, v5;
	v18 =	vmul.f32 s22, v5;
	v5 =	vadd.f32 v9, v11  }
0x1d3: {  	v14 =	vld [tilespmem:s5+$0x6050];
	v6 =	vadd.f32 v6, v3  }
0x1d4: {  	v17 =	vld [tilespmem:s5+$0x2050];
	v5 =	vadd.f32 v5, v41  }
0x1d5: {  	v11 =	vld [tilespmem:s5+$0x2010];
	v24 =	vadd.f32 v6, v39  }
0x1d6: {  	v6 =	vld [tilespmem:s5+$0x2060];
	[tilespmem:s5+$0xA070] =	vst v5  }
0x1d7: {  	v5 =	vld [tilespmem:s5+$0x6020];
	[tilespmem:s5+$0xA030] =	vst v24  }
0x1d8: {  	v40 =	vld [tilespmem:$0x1FF40]  }
0x1d9: {  	v26 =	vld [tilespmem:$0x1FF50]  }
0x1da: {  	v27 =	vld [tilespmem:$0x1FF90]  }
0x1db: {  	v28 =	vld [tilespmem:$0x1FFC0]  }
0x1dc: {  	v15 =	vmul.f32 s20, v1;
	v8 =	vmul.f32 s19, v0;
	v29 =	vld [tilespmem:$0x1FF20]  }
0x1dd: {  	v4 =	vmul.f32 s22, v4;
	v0 =	vmul.f32 s21, v16;
	v30 =	vld [tilespmem:$0x1FFA0]  }
0x1de: {  	v2 =	vmul.f32 s22, v2;
	v13 =	vmul.f32 s19, v63;
	v31 =	vld [tilespmem:$0x1FFB0]  }
0x1df: {  	v22 =	vmul.f32 s19, v10;
	v9 =	vmul.f32 s22, v7;
	v32 =	vld [tilespmem:$0x1FF60]  }
0x1e0: {  	v19 =	vadd.f32 v8, v2;
	v2 =	vmul.f32 s21, v10;
	v8 =	vmul.f32 s22, v1;
	v33 =	vld [tilespmem:$0x1FF80]  }
0x1e1: {  	v1 =	vmul.f32 s20, v7;
	v7 =	vmul.f32 s21, v63;
	v34 =	vld [tilespmem:$0x1FF10]  }
0x1e2: {  	v21 =	vmul.f32 s21, v14;
	v4 =	vadd.f32 v62, v4;
	v15 =	vadd.f32 v2, v15;
	v35 =	vld [tilespmem:$0x1FFF0]  }
0x1e3: {  	v3 =	vmul.f32 s19, v23;
	v7 =	vadd.f32 v7, v1;
	v2 =	vadd.f32 v13, v9;
	v36 =	vld [tilespmem:$0x1FF00]  }
0x1e4: {  	v22 =	vadd.f32 v22, v8;
	v8 =	vmul.f32 s22, v17;
	v10 =	vmul.f32 s20, v11;
	v37 =	vld [tilespmem:$0x1FFE0]  }
0x1e5: {  	v1 =	vmul.f32 s22, v11;
	v11 =	vmul.f32 s19, v14;
	v38 =	vld [tilespmem:$0x1FFD0];
	v9 =	vadd.f32 v15, v40  }
.LBB2_8:
0x1e6: {  	s24 =	sshra.s32 s18, $0x2  }
0x1e7: {  	v0 =	vadd.f32 v0, v10;
	v10 =	vmul.f32 s21, v23;
	v12 =	vmul.f32 s22, v6;
	s6 =	sadd.s32 $0x1, s6;
	s22 =	smov.u32 s18;
	s23 =	sadd.s32 $0x200, s18  }
0x1e8: {  	p0 =	sne.s32 s18, $0x7E00;
	v7 =	vadd.f32 v7, v36;
	v6 =	vmul.f32 s20, v6;
	s25 =	sld [smem:s6+$0xFFFFFF80];
	v13 =	vld [tilespmem:s24+$0x2040];
	[tilespmem:s5+$0xA040] =	vst v9;
	v8 =	vadd.f32 v11, v8  }
0x1e9: {  	s18 =	sld [smem:s6+$0xFFFFFF00];
	v9 =	vld [tilespmem:s24+$0x2030];
	v0 =	vadd.f32 v0, v34;
	v11 =	vmul.f32 s21, v5;
	v3 =	vadd.f32 v3, v12  }
0x1ea: {  	v5 =	vmul.f32 s19, v5;
	v6 =	vadd.f32 v10, v6;
	s22 =	sld [smem:s6+$0x0];
	v12 =	vld [tilespmem:s24+$0x6030];
	[tilespmem:s5+$0xA000] =	vst v7;
	v7 =	vadd.f32 v8, v38  }
0x1eb: {  	v8 =	vld [tilespmem:s24+$0x6070];
	[tilespmem:s5+$0xA010] =	vst v0;
	v0 =	vmul.f32 s19, v16;
	s19 =	sld [smem:s6+$0x80];
	v10 =	vadd.f32 v11, v20;
	v3 =	vadd.f32 v3, v37;
	s21 =	smov.u32 s25  }
0x1ec: {  	v2 =	vadd.f32 v2, v33;
	v14 =	vmul.f32 s20, v17;
	v4 =	vadd.f32 v4, v35;
	v11 =	vld [tilespmem:s24+$0x2070];
	[tilespmem:s5+$0xE050] =	vst v7;
	s20 =	smov.u32 s18  }
0x1ed: {  	v5 =	vadd.f32 v5, v18;
	v16 =	vld [tilespmem:s24+$0x6010];
	v7 =	vadd.f32 v10, v29;
	[tilespmem:s5+$0xE060] =	vst v3  }
0x1ee: {  	v0 =	vadd.f32 v0, v1;
	v1 =	vadd.f32 v6, v32;
	v3 =	vld [tilespmem:s24+$0x2020];
	[tilespmem:s5+$0xE000] =	vst v2  }
0x1ef: {  	v2 =	vld [tilespmem:s24+$0x2000];
	v6 =	vmul.f32 s21, v12;
	v10 =	vmul.f32 s19, v12;
	v12 =	vadd.f32 v19, v31;
	[tilespmem:s5+$0xE070] =	vst v4  }
0x1f0: {  	v5 =	vadd.f32 v5, v30;
	v15 =	vadd.f32 v0, v27;
	v17 =	vld [tilespmem:s24+$0x2050];
	v4 =	vmul.f32 s21, v8;
	[tilespmem:s5+$0xA060] =	vst v1  }
0x1f1: {  	v1 =	vld [tilespmem:s24+$0x6040];
	v19 =	vmul.f32 s20, v11;
	v24 =	vmul.f32 s22, v11;
	[tilespmem:s5+$0xA020] =	vst v7;
	v7 =	vadd.f32 v21, v14  }
0x1f2: {  	v14 =	vmul.f32 s19, v8;
	v8 =	vadd.f32 v22, v28;
	v0 =	vmul.f32 s21, v16;
	v23 =	vld [tilespmem:s24+$0x6060];
	[tilespmem:s5+$0xE030] =	vst v12  }
0x1f3: {  	v12 =	vmul.f32 s20, v9;
	v11 =	vld [tilespmem:s24+$0x6000];
	v20 =	vmul.f32 s20, v3;
	[tilespmem:s5+$0xE020] =	vst v5;
	v5 =	vadd.f32 v7, v26  }
0x1f4: {  	v18 =	vmul.f32 s22, v3;
	v3 =	vmul.f32 s22, v9;
	v4 =	vadd.f32 v4, v19;
	v25 =	vld [tilespmem:s24+$0x6050];
	[tilespmem:s5+$0xE040] =	vst v8  }
0x1f5: {  	v7 =	vmul.f32 s20, v13;
	v8 =	vmul.f32 s22, v2;
	v6 =	vadd.f32 v6, v12;
	v9 =	vld [tilespmem:s24+$0x2010];
	[tilespmem:s5+$0xA050] =	vst v5  }
0x1f6: {  	v12 =	vmul.f32 s22, v13;
	v19 =	vadd.f32 v10, v3;
	v5 =	vmul.f32 s21, v1;
	[tilespmem:s5+$0xE010] =	vst v15;
	s5 =	smov.u32 s24  }
0x1f7: {  	v2 =	vmul.f32 s20, v2;
	v4 =	vadd.f32 v4, v41;
	v3 =	vmul.f32 s19, v23  }
.Ltmp3:
0x1f8: {  	v13 =	vadd.f32 v6, v39;
	v10 =	vmul.f32 s21, v11;
	v11 =	vmul.f32 s19, v11;
	v6 =	vld [tilespmem:s5+$0x2060];
	(pc) =	sbr.rel @p0 .LBB2_8-.Ltmp3, $4  }
0x1f9: {  	v22 =	vmul.f32 s19, v1;
	v15 =	vadd.f32 v5, v7;
	v21 =	vmul.f32 s21, v25;
	[tilespmem:s5+$0xA070] =	vst v4  }
0x1fa: {  	v7 =	vadd.f32 v10, v2;
	v2 =	vadd.f32 v11, v8;
	v10 =	vmul.f32 s20, v9;
	v5 =	vld [tilespmem:s5+$0x6020];
	[tilespmem:s5+$0xA030] =	vst v13  }
0x1fb: {  	v22 =	vadd.f32 v22, v12;
	v1 =	vmul.f32 s22, v9;
	v8 =	vmul.f32 s22, v17  }
0x1fc: {  	s18 =	smov.u32 s23;
	v4 =	vadd.f32 v14, v24;
	v9 =	vadd.f32 v15, v40;
	v11 =	vmul.f32 s19, v25  }
0x1fd: {  	v7 =	vadd.f32 v7, v36  }
0x1fe: {  	v2 =	vadd.f32 v2, v33;
	[tilespmem:s5+$0xA040] =	vst v9  }
0x1ff: {  	v0 =	vadd.f32 v0, v10;
	v60 =	vadd.f32 v19, v31;
	[tilespmem:s5+$0xA000] =	vst v7  }
0x200: {  	v47 =	vmul.f32 s22, v6;
	v48 =	vmul.f32 s21, v23;
	v62 =	vadd.f32 v22, v28;
	[tilespmem:s5+$0xE000] =	vst v2  }
0x201: {  	v49 =	vmul.f32 s20, v6;
	v8 =	vadd.f32 v11, v8;
	v4 =	vadd.f32 v4, v35;
	[tilespmem:s5+$0xE030] =	vst v60  }
0x202: {  	v57 =	vmul.f32 s20, v17;
	v0 =	vadd.f32 v0, v34;
	v3 =	vadd.f32 v3, v47;
	[tilespmem:s5+$0xE040] =	vst v62  }
0x203: {  	v59 =	vmul.f32 s19, v16;
	v53 =	vadd.f32 v48, v49;
	v50 =	vadd.f32 v8, v38;
	[tilespmem:s5+$0xE070] =	vst v4  }
0x204: {  	v51 =	vmul.f32 s21, v5;
	v2 =	vadd.f32 v21, v57;
	[tilespmem:s5+$0xA010] =	vst v0;
	v52 =	vadd.f32 v3, v37  }
0x205: {  	v54 =	vmul.f32 s19, v5;
	v1 =	vadd.f32 v59, v1;
	v56 =	vadd.f32 v53, v32;
	[tilespmem:s5+$0xE050] =	vst v50  }
0x206: {  	v55 =	vadd.f32 v51, v20;
	v63 =	vadd.f32 v2, v26;
	[tilespmem:s5+$0xE060] =	vst v52  }
0x207: {  	v5 =	vadd.f32 v54, v18;
	v1 =	vadd.f32 v1, v27;
	[tilespmem:s5+$0xA060] =	vst v56  }
0x208: {  	v58 =	vadd.f32 v55, v29;
	[tilespmem:s5+$0xA050] =	vst v63  }
0x209: {  	v61 =	vadd.f32 v5, v30;
	[tilespmem:s5+$0xE010] =	vst v1  }
0x20a: {  	[tilespmem:s5+$0xA020] =	vst v58  }
0x20b: {  	[tilespmem:s5+$0xE020] =	vst v61  }
0x20c: {  	[hbm4b:s15+s8] =	stream.linear.scatter [tilespmem:s7], [sflag:$0x5], $0x2000, $0x38;
	[tilespmem:$0x10400] =	vst v63  }
0x20d: {  	_ = 	snop  }
0x20e: {  	[hbm4b:s16+s8] =	stream.linear.scatter [tilespmem:s0], [sflag:$0x5], $0x2000, $0x38;
	[tilespmem:$0x10400] =	vst v63  }
0x20f: {  	_ =	swait.ge [sflag:s1], $0x2000  }
0x210: {  	[sflag:s1] =	ssyncset.done $0x0  }
0x211: {  	[sflag:s1] =	ssyncadd.s32 $0xFFFFE000  }
0x212: {  	_ =	swait.ge [sflag:s1], $0x2000  }
0x213: {  	[sflag:s1] =	ssyncset.done $0x0  }
0x214: {  	s4 =	sadd.s32 $0x1, s4;
	[sflag:s1] =	ssyncadd.s32 $0xFFFFE000  }
0x215: {  	p0 =	sne.s32 s4, s17;
	_ =	swait.ge [sflag:s3], $0x2000  }
.Ltmp4:
0x216: {  	[sflag:s3] =	ssyncset.done $0x0;
	(pc) =	sbr.rel @p0 .LBB2_1-.Ltmp4, $4  }
0x217: {  	[sflag:s3] =	ssyncadd.s32 $0xFFFFE000  }
0x218: {  	_ =	swait.ge [sflag:s3], $0x2000  }
0x219: {  	[sflag:s3] =	ssyncset.done $0x0  }
0x21a: {  	[sflag:s3] =	ssyncadd.s32 $0xFFFFE000  }
0x21b: {  	_ =	sfence.sel $0x180000  }
0x21c: {  	[bflag:$0x0] =	sbarrier.arrive $0xFFFF  }
0x21d: {  	_ =	strace $0x90000047  }
0x21e: {  	s0 =	stileid.u32;
	[bflag:$0x2] =	sbarrier.arrive $0xFFFF  }
0x21f: {  	p0 =	sne.s32 s0, $0x0;
	s0 =	rddreg [dreg:$0xa]  }
0x220: {  	s0 =	sadd.s32 @!p0 $0x100000, s0  }
0x221: {  	[sflag:s0] =	ssyncadd.tile.s32 @!p0 $0x1;
	_ =	shalt  }
.Lfunc_end2:
_tile_overlayer_lowered:
.L_overlay_start_2:
0x222: {  	(tag) =	ssettag $0x2  }
0x223: {  	s0 =	rddreg [dreg:$0x0];
	s2 =	stileid.u32  }
0x224: {  	s1 =	rddreg [dreg:$0x1];
	p0 =	sne.s32 s2, $0x0  }
0x225: {  	s3 =	rddreg [dreg:$0x2];
	[bflag:$0x3] =	sbarrier.arrive $0xFFFF;
	s2 =	simm.s32 @!p0 $0x1C06  }
0x226: {  	[timem:s3], [sflag:s2] =	dma.local @!p0 [hbm:s0], s1  }
0x227: {  	s0 =	simm.s32 @!p0 $0x6  }
0x228: {  	_ =	swait.ge @!p0 [sflag:s0], s1  }
0x229: {  	s1 =	ssub.s32 @!p0 $0x0, s1;
	[sflag:s0] =	ssyncset.done @!p0 $0x0  }
0x22a: {  	[sflag:s0] =	ssyncadd.s32 @!p0 s1  }
0x22b: {  	[bflag:$0x3] =	sbarrier.arrive $0xFFFF  }
0x22c: {  	_ =	shalt  }

</sc_bundles>
